<compile_context>
chip_gen: v7x
topology: tpu7x:2x2x1
jax: 0.10.2.dev20260603
libtpu: 0.0.44.dev20260713+nightly
codegen_flags: <defaults>
</compile_context>

<pallas_src>
import functools

import jax
import jax.numpy as jnp
from jax import lax
from jax.experimental import pallas as pl
from jax.experimental.pallas import tpu as pltpu
from jax.experimental.pallas import tpu_sc as plsc

EPS = 1e-12
_NC = 2
_NS = 16

_GDN = lax.GatherDimensionNumbers(
    offset_dims=(), collapsed_slice_dims=(0,), start_index_map=(0,))


def _shuffle(x, perm):
  return lax.gather(x, perm[:, None], _GDN, (1,),
                    mode=lax.GatherScatterMode.PROMISE_IN_BOUNDS)


def _lane_allsum(x, perms):
  for p in perms:
    x = x + _shuffle(x, p)
  return x


def _sc_body(L, D, rows_per_w, word_hbm, pos_hbm, cat_hbm, gamma_hbm,
             beta_hbm, tag_hbm, catid_hbm, out_hbm,
             idx_v, pos_v, catid_v, catrows_v, gam_v, bet_v,
             rows0_v, rows1_v, ob0_v, ob1_v,
             gsem0, gsem1, osem0, osem1):
  tok_per_w = rows_per_w * L
  wid = lax.axis_index("c") * _NS + lax.axis_index("s")
  row0 = wid * rows_per_w
  tok0 = wid * tok_per_w
  rows_bufs = (rows0_v, rows1_v)
  out_bufs = (ob0_v, ob1_v)
  gsems = (gsem0, gsem1)
  osems = (osem0, osem1)

  pltpu.sync_copy(tag_hbm.at[pl.ds(tok0, tok_per_w)], idx_v)
  pltpu.sync_copy(pos_hbm.at[pl.ds(0, L)], pos_v)
  pltpu.sync_copy(catid_hbm.at[pl.ds(row0, rows_per_w)], catid_v)
  pltpu.async_copy(cat_hbm.at[catid_v], catrows_v, gsem0).wait()
  pltpu.sync_copy(gamma_hbm, gam_v)
  pltpu.sync_copy(beta_hbm, bet_v)

  g = [gam_v[pl.ds(k * 16, 16)] for k in range(4)]
  bt = [bet_v[pl.ds(k * 16, 16)] for k in range(4)]
  lanes = lax.iota(jnp.int32, 16)
  perms = [lanes ^ c for c in (1, 2, 4, 8)]

  def gather_cps(i, b):
    return (
        pltpu.make_async_copy(
            word_hbm.at[idx_v.at[pl.ds(i * L, 104)]],
            rows_bufs[b].at[pl.ds(0, 104)], gsems[b]),
        pltpu.make_async_copy(
            word_hbm.at[idx_v.at[pl.ds(i * L + 104, 96)]],
            rows_bufs[b].at[pl.ds(104, 96)], gsems[b]),
    )

  def out_cp(i, b):
    return pltpu.make_async_copy(
        out_bufs[b], out_hbm.at[pl.ds(tok0 + i * L, L)], osems[b])

  for cp in gather_cps(0, 0) + gather_cps(1, 1):
    cp.start()

  def pair_body(gg, carry):
    for b in range(2):
      i = 2 * gg + b
      rows_v = rows_bufs[b]
      out_v = out_bufs[b]
      for cp in gather_cps(i, b):
        cp.wait()

      @pl.when(gg >= 1)
      def _():
        out_cp(i - 2, b).wait()

      c = [catrows_v[i, pl.ds(k * 16, 16)] for k in range(4)]

      @plsc.parallel_loop(0, L, 1, unroll=8)
      def _(t):
        e = []
        for k in range(4):
          w = rows_v[t, pl.ds(k * 16, 16)]
          p = pos_v[t, pl.ds(k * 16, 16)]
          e.append(w + p + c[k])
        s = (e[0] + e[1]) + (e[2] + e[3])
        q = (e[0] * e[0] + e[1] * e[1]) + (e[2] * e[2] + e[3] * e[3])
        mu = _lane_allsum(s, perms) * (1.0 / 64.0)
        msq = _lane_allsum(q, perms) * (1.0 / 64.0)
        var = (msq - mu * mu) + EPS
        ii = lax.bitcast_convert_type(var, jnp.int32)
        ii = 0x5F3759DF - lax.shift_right_arithmetic(ii, 1)
        y = lax.bitcast_convert_type(ii, jnp.float32)
        h = var * 0.5
        y = y * (1.5 - h * y * y)
        y = y * (1.5 - h * y * y)
        for k in range(4):
          out_v[t, pl.ds(k * 16, 16)] = (e[k] - mu) * (g[k] * y) + bt[k]

      out_cp(i, b).start()

      @pl.when(gg < rows_per_w // 2 - 1)
      def _():
        for cp in gather_cps(i + 2, b):
          cp.start()
    return carry

  lax.fori_loop(0, rows_per_w // 2, pair_body, 0)

  out_cp(rows_per_w - 2, 0).wait()
  out_cp(rows_per_w - 1, 1).wait()


def kernel(word_emb, pos_emb, cat_emb, gamma, beta, tag_tokens, category):
  b, l = tag_tokens.shape
  d = word_emb.shape[1]
  nw = _NC * _NS
  rows_per_w = b // nw
  tag_flat = tag_tokens.reshape(-1).astype(jnp.int32)
  cat_flat = category.reshape(-1).astype(jnp.int32)

  mesh = plsc.VectorSubcoreMesh(core_axis_name="c", subcore_axis_name="s")
  run = pl.kernel(
      functools.partial(_sc_body, l, d, rows_per_w),
      out_type=jax.ShapeDtypeStruct((b * l, d), jnp.float32),
      mesh=mesh,
      compiler_params=pltpu.CompilerParams(use_tc_tiling_on_sc=False),
      scratch_types=[
          pltpu.VMEM((rows_per_w * l,), jnp.int32),
          pltpu.VMEM((l, d), jnp.float32),
          pltpu.VMEM((rows_per_w,), jnp.int32),
          pltpu.VMEM((rows_per_w, d), jnp.float32),
          pltpu.VMEM((d,), jnp.float32),
          pltpu.VMEM((d,), jnp.float32),
          pltpu.VMEM((l, d), jnp.float32),
          pltpu.VMEM((l, d), jnp.float32),
          pltpu.VMEM((l, d), jnp.float32),
          pltpu.VMEM((l, d), jnp.float32),
          pltpu.SemaphoreType.DMA,
          pltpu.SemaphoreType.DMA,
          pltpu.SemaphoreType.DMA,
          pltpu.SemaphoreType.DMA,
      ],
  )
  out = run(word_emb, pos_emb, cat_emb, gamma, beta, tag_flat, cat_flat)
  return out.reshape(b, l, d)

# --- scband reference (transcript-rebuilt; emitter-appended) ---
"""Pipeline reference for scband-token-embeddings-2491081031945 (READ-ONLY COPY).

The authoritative reference and input builder live on the scoring server;
editing this copy changes nothing except your own understanding.
"""

import jax, jax.numpy as jnp
import numpy as np

VOCAB = 1000000
DIM = 64
MAXLEN = 512
NCAT = 1000
EPS = 1e-12
B, L = 4096, 200


def setup_inputs(seed: int = 0) -> dict:
    key = jax.random.key(seed)
    ks = jax.random.split(key, 6)
    tag_tokens = jax.random.randint(ks[0], (B, L), 0, VOCAB)
    category = jax.random.randint(ks[1], (B, 1), 0, NCAT)
    word_emb = jax.random.normal(ks[2], (VOCAB, DIM), dtype=jnp.float32) * 0.02
    word_emb = word_emb.at[0].set(0.0)  # padding_idx row zeroed as in nn.Embedding
    pos_emb = jax.random.normal(ks[3], (MAXLEN, DIM), dtype=jnp.float32) * 0.02
    cat_emb = jax.random.normal(ks[4], (NCAT, DIM), dtype=jnp.float32) * 0.02
    gamma = jnp.ones((DIM,), dtype=jnp.float32)
    beta = jnp.zeros((DIM,), dtype=jnp.float32)
    return {
        "word_emb": word_emb,
        "pos_emb": pos_emb,
        "cat_emb": cat_emb,
        "gamma": gamma,
        "beta": beta,
        "tag_tokens": tag_tokens,
        "category": category,
    }


def reference(word_emb, pos_emb, cat_emb, gamma, beta, tag_tokens, category):
    b, l = tag_tokens.shape
    words_embeddings = jnp.take(word_emb, tag_tokens, axis=0)            # [B, L, D]
    position_tok = jnp.arange(l, dtype=jnp.int32)
    position_embeddings = jnp.take(pos_emb, position_tok, axis=0)[None, :, :]  # [1, L, D]
    category_embeddings = jnp.take(cat_emb, category[:, 0], axis=0)[:, None, :]  # [B, 1, D] broadcast == repeat(1, L, 1)
    embeddings = words_embeddings + position_embeddings + category_embeddings
    mu = jnp.mean(embeddings, axis=-1, keepdims=True)
    var = jnp.var(embeddings, axis=-1, keepdims=True)
    embeddings = (embeddings - mu) / jnp.sqrt(var + EPS) * gamma + beta
    # dropout is identity in eval mode
    return embeddings

if __name__ == "__main__":
    import jax
    _d = setup_inputs()
    print(jax.jit(kernel)(*tuple(_d.values())))

</pallas_src>

<mosaic_0001>
#map = affine_map<(d0, d1) -> (0, 0)>
#map1 = affine_map<(d0, d1) -> (0)>
module attributes {stable_mosaic.version = 14 : i64} {
  func.func @_sc_body(%arg0: i32, %arg1: i32, %arg2: memref<1000000x64xf32, #tpu.memory_space<hbm>>, %arg3: memref<512x64xf32, #tpu.memory_space<hbm>>, %arg4: memref<1000x64xf32, #tpu.memory_space<hbm>>, %arg5: memref<64xf32, #tpu.memory_space<hbm>>, %arg6: memref<64xf32, #tpu.memory_space<hbm>>, %arg7: memref<819200xi32, #tpu.memory_space<hbm>>, %arg8: memref<4096xi32, #tpu.memory_space<hbm>>, %arg9: memref<819200x64xf32, #tpu.memory_space<hbm>>, %arg10: memref<25600xi32, #tpu.memory_space<vmem>>, %arg11: memref<200x64xf32, #tpu.memory_space<vmem>>, %arg12: memref<128xi32, #tpu.memory_space<vmem>>, %arg13: memref<128x64xf32, #tpu.memory_space<vmem>>, %arg14: memref<64xf32, #tpu.memory_space<vmem>>, %arg15: memref<64xf32, #tpu.memory_space<vmem>>, %arg16: memref<200x64xf32, #tpu.memory_space<vmem>>, %arg17: memref<200x64xf32, #tpu.memory_space<vmem>>, %arg18: memref<200x64xf32, #tpu.memory_space<vmem>>, %arg19: memref<200x64xf32, #tpu.memory_space<vmem>>, %arg20: memref<!tpu.dma_semaphore, #tpu.memory_space<semaphore_mem>>, %arg21: memref<!tpu.dma_semaphore, #tpu.memory_space<semaphore_mem>>, %arg22: memref<!tpu.dma_semaphore, #tpu.memory_space<semaphore_mem>>, %arg23: memref<!tpu.dma_semaphore, #tpu.memory_space<semaphore_mem>>) attributes {dimension_semantics = [#tpu.dimension_semantics<core_parallel>, #tpu.dimension_semantics<subcore_parallel>], iteration_bounds = array<i64: 2, 16>, scalar_prefetch = 0 : i64, scratch_operands = 14 : i64, tpu.core_type = #tpu.core_type<sc_vector_subcore>, window_params = [{transform_indices = #map}, {transform_indices = #map}, {transform_indices = #map}, {transform_indices = #map1}, {transform_indices = #map1}, {transform_indices = #map1}, {transform_indices = #map1}, {transform_indices = #map}]} {
    %mul3A = arith.constant 16 : i32
    %mul3A_0 = arith.muli %arg0, %mul3A : i32
    %add3A = arith.addi %mul3A_0, %arg1 : i32
    %mul3A_1 = arith.constant 128 : i32
    %mul3A_2 = arith.muli %add3A, %mul3A_1 : i32
    %mul3A_3 = arith.constant 25600 : i32
    %mul3A_4 = arith.muli %add3A, %mul3A_3 : i32
    "tpu.region"() ({
      %run_scoped3A = tpu.sem_alloc : memref<!tpu.dma_semaphore, #tpu.memory_space<semaphore_mem>>
      %dma_start3A_92 = tpu.memref_slice %arg7[%mul3A_4] : memref<819200xi32, #tpu.memory_space<hbm>> -> memref<25600xi32, #tpu.memory_space<hbm>>
      %dma_start3A_93 = tpu.memref_slice %arg7[%mul3A_4] : memref<819200xi32, #tpu.memory_space<hbm>> -> memref<25600xi32, #tpu.memory_space<hbm>>
      tpu.enqueue_dma source(%dma_start3A_93 : memref<25600xi32, #tpu.memory_space<hbm>>) target(%arg10 : memref<25600xi32, #tpu.memory_space<vmem>>) target_semaphore(%run_scoped3A : memref<!tpu.dma_semaphore, #tpu.memory_space<semaphore_mem>>)
      %dma_wait3A_94 = tpu.memref_slice %arg7[%mul3A_4] : memref<819200xi32, #tpu.memory_space<hbm>> -> memref<25600xi32, #tpu.memory_space<hbm>>
      %dma_wait3A_95 = tpu.memref_slice %arg7[%mul3A_4] : memref<819200xi32, #tpu.memory_space<hbm>> -> memref<25600xi32, #tpu.memory_space<hbm>>
      tpu.wait_dma2 semaphore(%run_scoped3A : memref<!tpu.dma_semaphore, #tpu.memory_space<semaphore_mem>>) src(%dma_wait3A_95 : memref<25600xi32, #tpu.memory_space<hbm>>) dst(%arg10 : memref<25600xi32, #tpu.memory_space<vmem>>)
      tpu.yield
    }) : () -> ()
    "tpu.region"() ({
      %run_scoped3A = tpu.sem_alloc : memref<!tpu.dma_semaphore, #tpu.memory_space<semaphore_mem>>
      %dma_start3A_92 = arith.constant 0 : i32
      %dma_start3A_93 = arith.constant 0 : i32
      %dma_start3A_94 = tpu.memref_slice %arg3[%dma_start3A_92, %dma_start3A_93] : memref<512x64xf32, #tpu.memory_space<hbm>> -> memref<200x64xf32, #tpu.memory_space<hbm>>
      %dma_start3A_95 = arith.constant 0 : i32
      %dma_start3A_96 = arith.constant 0 : i32
      %dma_start3A_97 = tpu.memref_slice %arg3[%dma_start3A_95, %dma_start3A_96] : memref<512x64xf32, #tpu.memory_space<hbm>> -> memref<200x64xf32, #tpu.memory_space<hbm>>
      tpu.enqueue_dma source(%dma_start3A_97 : memref<200x64xf32, #tpu.memory_space<hbm>>) target(%arg11 : memref<200x64xf32, #tpu.memory_space<vmem>>) target_semaphore(%run_scoped3A : memref<!tpu.dma_semaphore, #tpu.memory_space<semaphore_mem>>)
      %dma_wait3A_98 = arith.constant 0 : i32
      %dma_wait3A_99 = arith.constant 0 : i32
      %dma_wait3A_100 = tpu.memref_slice %arg3[%dma_wait3A_98, %dma_wait3A_99] : memref<512x64xf32, #tpu.memory_space<hbm>> -> memref<200x64xf32, #tpu.memory_space<hbm>>
      %dma_wait3A_101 = arith.constant 0 : i32
      %dma_wait3A_102 = arith.constant 0 : i32
      %dma_wait3A_103 = tpu.memref_slice %arg3[%dma_wait3A_101, %dma_wait3A_102] : memref<512x64xf32, #tpu.memory_space<hbm>> -> memref<200x64xf32, #tpu.memory_space<hbm>>
      tpu.wait_dma2 semaphore(%run_scoped3A : memref<!tpu.dma_semaphore, #tpu.memory_space<semaphore_mem>>) src(%dma_wait3A_103 : memref<200x64xf32, #tpu.memory_space<hbm>>) dst(%arg11 : memref<200x64xf32, #tpu.memory_space<vmem>>)
      tpu.yield
    }) : () -> ()
    "tpu.region"() ({
      %run_scoped3A = tpu.sem_alloc : memref<!tpu.dma_semaphore, #tpu.memory_space<semaphore_mem>>
      %dma_start3A_92 = tpu.memref_slice %arg8[%mul3A_2] : memref<4096xi32, #tpu.memory_space<hbm>> -> memref<128xi32, #tpu.memory_space<hbm>>
      %dma_start3A_93 = tpu.memref_slice %arg8[%mul3A_2] : memref<4096xi32, #tpu.memory_space<hbm>> -> memref<128xi32, #tpu.memory_space<hbm>>
      tpu.enqueue_dma source(%dma_start3A_93 : memref<128xi32, #tpu.memory_space<hbm>>) target(%arg12 : memref<128xi32, #tpu.memory_space<vmem>>) target_semaphore(%run_scoped3A : memref<!tpu.dma_semaphore, #tpu.memory_space<semaphore_mem>>)
      %dma_wait3A_94 = tpu.memref_slice %arg8[%mul3A_2] : memref<4096xi32, #tpu.memory_space<hbm>> -> memref<128xi32, #tpu.memory_space<hbm>>
      %dma_wait3A_95 = tpu.memref_slice %arg8[%mul3A_2] : memref<4096xi32, #tpu.memory_space<hbm>> -> memref<128xi32, #tpu.memory_space<hbm>>
      tpu.wait_dma2 semaphore(%run_scoped3A : memref<!tpu.dma_semaphore, #tpu.memory_space<semaphore_mem>>) src(%dma_wait3A_95 : memref<128xi32, #tpu.memory_space<hbm>>) dst(%arg12 : memref<128xi32, #tpu.memory_space<vmem>>)
      tpu.yield
    }) : () -> ()
    %dma_start3A = arith.constant 0 : i32
    %dma_start3A_5 = arith.constant 0 : i32
    %dma_start3A_6 = tpu.memref_slice %arg4[%dma_start3A, %dma_start3A_5] : memref<1000x64xf32, #tpu.memory_space<hbm>> -> memref<1000x64xf32, #tpu.memory_space<hbm>>
    tpu.enqueue_indirect_dma source(%dma_start3A_6 : memref<1000x64xf32, #tpu.memory_space<hbm>>) target(%arg13 : memref<128x64xf32, #tpu.memory_space<vmem>>) offsets(%arg12 : memref<128xi32, #tpu.memory_space<vmem>>) semaphore(%arg20 : memref<!tpu.dma_semaphore, #tpu.memory_space<semaphore_mem>>)
    %dma_wait3A = arith.constant 0 : i32
    %dma_wait3A_7 = arith.constant 0 : i32
    %dma_wait3A_8 = tpu.memref_slice %arg4[%dma_wait3A, %dma_wait3A_7] : memref<1000x64xf32, #tpu.memory_space<hbm>> -> memref<1000x64xf32, #tpu.memory_space<hbm>>
    tpu.wait_indirect_dma semaphore(%arg20 : memref<!tpu.dma_semaphore, #tpu.memory_space<semaphore_mem>>) src(%dma_wait3A_8 : memref<1000x64xf32, #tpu.memory_space<hbm>>) dst(%arg13 : memref<128x64xf32, #tpu.memory_space<vmem>>)
    "tpu.region"() ({
      %run_scoped3A = tpu.sem_alloc : memref<!tpu.dma_semaphore, #tpu.memory_space<semaphore_mem>>
      tpu.enqueue_dma source(%arg5 : memref<64xf32, #tpu.memory_space<hbm>>) target(%arg14 : memref<64xf32, #tpu.memory_space<vmem>>) target_semaphore(%run_scoped3A : memref<!tpu.dma_semaphore, #tpu.memory_space<semaphore_mem>>)
      tpu.wait_dma2 semaphore(%run_scoped3A : memref<!tpu.dma_semaphore, #tpu.memory_space<semaphore_mem>>) src(%arg5 : memref<64xf32, #tpu.memory_space<hbm>>) dst(%arg14 : memref<64xf32, #tpu.memory_space<vmem>>)
      tpu.yield
    }) : () -> ()
    "tpu.region"() ({
      %run_scoped3A = tpu.sem_alloc : memref<!tpu.dma_semaphore, #tpu.memory_space<semaphore_mem>>
      tpu.enqueue_dma source(%arg6 : memref<64xf32, #tpu.memory_space<hbm>>) target(%arg15 : memref<64xf32, #tpu.memory_space<vmem>>) target_semaphore(%run_scoped3A : memref<!tpu.dma_semaphore, #tpu.memory_space<semaphore_mem>>)
      tpu.wait_dma2 semaphore(%run_scoped3A : memref<!tpu.dma_semaphore, #tpu.memory_space<semaphore_mem>>) src(%arg6 : memref<64xf32, #tpu.memory_space<hbm>>) dst(%arg15 : memref<64xf32, #tpu.memory_space<vmem>>)
      tpu.yield
    }) : () -> ()
    %get3A = arith.constant 0 : index
    %get3A_9 = tpu.vector_load %arg14[%get3A] {strides = array<i32>} : memref<64xf32, #tpu.memory_space<vmem>>, vector<16xf32>,
    %get3A_10 = vector.shape_cast %get3A_9 : vector<16xf32> to vector<16xf32>
    %get3A_11 = arith.constant 16 : index
    %get3A_12 = tpu.vector_load %arg14[%get3A_11] {strides = array<i32>} : memref<64xf32, #tpu.memory_space<vmem>>, vector<16xf32>,
    %get3A_13 = vector.shape_cast %get3A_12 : vector<16xf32> to vector<16xf32>
    %get3A_14 = arith.constant 32 : index
    %get3A_15 = tpu.vector_load %arg14[%get3A_14] {strides = array<i32>} : memref<64xf32, #tpu.memory_space<vmem>>, vector<16xf32>,
    %get3A_16 = vector.shape_cast %get3A_15 : vector<16xf32> to vector<16xf32>
    %get3A_17 = arith.constant 48 : index
    %get3A_18 = tpu.vector_load %arg14[%get3A_17] {strides = array<i32>} : memref<64xf32, #tpu.memory_space<vmem>>, vector<16xf32>,
    %get3A_19 = vector.shape_cast %get3A_18 : vector<16xf32> to vector<16xf32>
    %get3A_20 = arith.constant 0 : index
    %get3A_21 = tpu.vector_load %arg15[%get3A_20] {strides = array<i32>} : memref<64xf32, #tpu.memory_space<vmem>>, vector<16xf32>,
    %get3A_22 = vector.shape_cast %get3A_21 : vector<16xf32> to vector<16xf32>
    %get3A_23 = arith.constant 16 : index
    %get3A_24 = tpu.vector_load %arg15[%get3A_23] {strides = array<i32>} : memref<64xf32, #tpu.memory_space<vmem>>, vector<16xf32>,
    %get3A_25 = vector.shape_cast %get3A_24 : vector<16xf32> to vector<16xf32>
    %get3A_26 = arith.constant 32 : index
    %get3A_27 = tpu.vector_load %arg15[%get3A_26] {strides = array<i32>} : memref<64xf32, #tpu.memory_space<vmem>>, vector<16xf32>,
    %get3A_28 = vector.shape_cast %get3A_27 : vector<16xf32> to vector<16xf32>
    %get3A_29 = arith.constant 48 : index
    %get3A_30 = tpu.vector_load %arg15[%get3A_29] {strides = array<i32>} : memref<64xf32, #tpu.memory_space<vmem>>, vector<16xf32>,
    %get3A_31 = vector.shape_cast %get3A_30 : vector<16xf32> to vector<16xf32>
    %iota3A = tpu.iota {dimensions = array<i32: 0>} : vector<16xi32>
    %xor3A = arith.constant 1 : i32
    %xor3A_32 = vector.broadcast %xor3A : i32 to vector<16xi32>
    %xor3A_33 = arith.xori %iota3A, %xor3A_32 : vector<16xi32>
    %xor3A_34 = arith.constant 2 : i32
    %xor3A_35 = vector.broadcast %xor3A_34 : i32 to vector<16xi32>
    %xor3A_36 = arith.xori %iota3A, %xor3A_35 : vector<16xi32>
    %xor3A_37 = arith.constant 4 : i32
    %xor3A_38 = vector.broadcast %xor3A_37 : i32 to vector<16xi32>
    %xor3A_39 = arith.xori %iota3A, %xor3A_38 : vector<16xi32>
    %xor3A_40 = arith.constant 8 : i32
    %xor3A_41 = vector.broadcast %xor3A_40 : i32 to vector<16xi32>
    %xor3A_42 = arith.xori %iota3A, %xor3A_41 : vector<16xi32>
    %dma_start3A_43 = arith.constant 0 : i32
    %dma_start3A_44 = arith.constant 0 : i32
    %dma_start3A_45 = tpu.memref_slice %arg16[%dma_start3A_43, %dma_start3A_44] : memref<200x64xf32, #tpu.memory_space<vmem>> -> memref<104x64xf32, #tpu.memory_space<vmem>>
    %dma_start3A_46 = arith.constant 0 : i32
    %dma_start3A_47 = tpu.memref_slice %arg10[%dma_start3A_46] : memref<25600xi32, #tpu.memory_space<vmem>> -> memref<104xi32, #tpu.memory_space<vmem>>
    %dma_start3A_48 = arith.constant 0 : i32
    %dma_start3A_49 = arith.constant 0 : i32
    %dma_start3A_50 = tpu.memref_slice %arg2[%dma_start3A_48, %dma_start3A_49] : memref<1000000x64xf32, #tpu.memory_space<hbm>> -> memref<1000000x64xf32, #tpu.memory_space<hbm>>
    tpu.enqueue_indirect_dma source(%dma_start3A_50 : memref<1000000x64xf32, #tpu.memory_space<hbm>>) target(%dma_start3A_45 : memref<104x64xf32, #tpu.memory_space<vmem>>) offsets(%dma_start3A_47 : memref<104xi32, #tpu.memory_space<vmem>>) semaphore(%arg20 : memref<!tpu.dma_semaphore, #tpu.memory_space<semaphore_mem>>)
    %dma_start3A_51 = arith.constant 104 : i32
    %dma_start3A_52 = arith.constant 0 : i32
    %dma_start3A_53 = tpu.memref_slice %arg16[%dma_start3A_51, %dma_start3A_52] : memref<200x64xf32, #tpu.memory_space<vmem>> -> memref<96x64xf32, #tpu.memory_space<vmem>>
    %dma_start3A_54 = arith.constant 104 : i32
    %dma_start3A_55 = tpu.memref_slice %arg10[%dma_start3A_54] : memref<25600xi32, #tpu.memory_space<vmem>> -> memref<96xi32, #tpu.memory_space<vmem>>
    %dma_start3A_56 = arith.constant 0 : i32
    %dma_start3A_57 = arith.constant 0 : i32
    %dma_start3A_58 = tpu.memref_slice %arg2[%dma_start3A_56, %dma_start3A_57] : memref<1000000x64xf32, #tpu.memory_space<hbm>> -> memref<1000000x64xf32, #tpu.memory_space<hbm>>
    tpu.enqueue_indirect_dma source(%dma_start3A_58 : memref<1000000x64xf32, #tpu.memory_space<hbm>>) target(%dma_start3A_53 : memref<96x64xf32, #tpu.memory_space<vmem>>) offsets(%dma_start3A_55 : memref<96xi32, #tpu.memory_space<vmem>>) semaphore(%arg20 : memref<!tpu.dma_semaphore, #tpu.memory_space<semaphore_mem>>)
    %dma_start3A_59 = arith.constant 0 : i32
    %dma_start3A_60 = arith.constant 0 : i32
    %dma_start3A_61 = tpu.memref_slice %arg17[%dma_start3A_59, %dma_start3A_60] : memref<200x64xf32, #tpu.memory_space<vmem>> -> memref<104x64xf32, #tpu.memory_space<vmem>>
    %dma_start3A_62 = arith.constant 200 : i32
    %dma_start3A_63 = tpu.memref_slice %arg10[%dma_start3A_62] : memref<25600xi32, #tpu.memory_space<vmem>> -> memref<104xi32, #tpu.memory_space<vmem>>
    %dma_start3A_64 = arith.constant 0 : i32
    %dma_start3A_65 = arith.constant 0 : i32
    %dma_start3A_66 = tpu.memref_slice %arg2[%dma_start3A_64, %dma_start3A_65] : memref<1000000x64xf32, #tpu.memory_space<hbm>> -> memref<1000000x64xf32, #tpu.memory_space<hbm>>
    tpu.enqueue_indirect_dma source(%dma_start3A_66 : memref<1000000x64xf32, #tpu.memory_space<hbm>>) target(%dma_start3A_61 : memref<104x64xf32, #tpu.memory_space<vmem>>) offsets(%dma_start3A_63 : memref<104xi32, #tpu.memory_space<vmem>>) semaphore(%arg21 : memref<!tpu.dma_semaphore, #tpu.memory_space<semaphore_mem>>)
    %dma_start3A_67 = arith.constant 104 : i32
    %dma_start3A_68 = arith.constant 0 : i32
    %dma_start3A_69 = tpu.memref_slice %arg17[%dma_start3A_67, %dma_start3A_68] : memref<200x64xf32, #tpu.memory_space<vmem>> -> memref<96x64xf32, #tpu.memory_space<vmem>>
    %dma_start3A_70 = arith.constant 304 : i32
    %dma_start3A_71 = tpu.memref_slice %arg10[%dma_start3A_70] : memref<25600xi32, #tpu.memory_space<vmem>> -> memref<96xi32, #tpu.memory_space<vmem>>
    %dma_start3A_72 = arith.constant 0 : i32
    %dma_start3A_73 = arith.constant 0 : i32
    %dma_start3A_74 = tpu.memref_slice %arg2[%dma_start3A_72, %dma_start3A_73] : memref<1000000x64xf32, #tpu.memory_space<hbm>> -> memref<1000000x64xf32, #tpu.memory_space<hbm>>
    tpu.enqueue_indirect_dma source(%dma_start3A_74 : memref<1000000x64xf32, #tpu.memory_space<hbm>>) target(%dma_start3A_69 : memref<96x64xf32, #tpu.memory_space<vmem>>) offsets(%dma_start3A_71 : memref<96xi32, #tpu.memory_space<vmem>>) semaphore(%arg21 : memref<!tpu.dma_semaphore, #tpu.memory_space<semaphore_mem>>)
    %scan3A = arith.constant 0 : i32
    %scan3A_75 = arith.constant 0 : i32
    %scan3A_76 = arith.constant 64 : i32
    %scan3A_77 = arith.addi %scan3A_75, %scan3A_76 : i32
    %scan3A_78 = arith.constant 1 : i32
    scf.for %scan3A_92 = %scan3A_75 to %scan3A_77 step %scan3A_78  : i32 {
      %mul3A_93 = arith.constant 2 : i32
      %mul3A_94 = arith.muli %mul3A_93, %scan3A_92 : i32
      %add3A_95 = arith.constant 0 : i32
      %add3A_96 = arith.addi %mul3A_94, %add3A_95 : i32
      %mul3A_97 = arith.constant 200 : i32
      %mul3A_98 = arith.muli %add3A_96, %mul3A_97 : i32
      %mul3A_99 = arith.constant 200 : i32
      %mul3A_100 = arith.muli %add3A_96, %mul3A_99 : i32
      %add3A_101 = arith.constant 104 : i32
      %add3A_102 = arith.addi %mul3A_100, %add3A_101 : i32
      %dma_wait3A_103 = arith.constant 0 : i32
      %dma_wait3A_104 = arith.constant 0 : i32
      %dma_wait3A_105 = tpu.memref_slice %arg16[%dma_wait3A_103, %dma_wait3A_104] : memref<200x64xf32, #tpu.memory_space<vmem>> -> memref<104x64xf32, #tpu.memory_space<vmem>>
      %dma_wait3A_106 = tpu.memref_slice %arg10[%mul3A_98] : memref<25600xi32, #tpu.memory_space<vmem>> -> memref<104xi32, #tpu.memory_space<vmem>>
      %dma_wait3A_107 = arith.constant 0 : i32
      %dma_wait3A_108 = arith.constant 0 : i32
      %dma_wait3A_109 = tpu.memref_slice %arg2[%dma_wait3A_107, %dma_wait3A_108] : memref<1000000x64xf32, #tpu.memory_space<hbm>> -> memref<1000000x64xf32, #tpu.memory_space<hbm>>
      tpu.wait_indirect_dma semaphore(%arg20 : memref<!tpu.dma_semaphore, #tpu.memory_space<semaphore_mem>>) src(%dma_wait3A_109 : memref<1000000x64xf32, #tpu.memory_space<hbm>>) dst(%dma_wait3A_105 : memref<104x64xf32, #tpu.memory_space<vmem>>)
      %dma_wait3A_110 = arith.constant 104 : i32
      %dma_wait3A_111 = arith.constant 0 : i32
      %dma_wait3A_112 = tpu.memref_slice %arg16[%dma_wait3A_110, %dma_wait3A_111] : memref<200x64xf32, #tpu.memory_space<vmem>> -> memref<96x64xf32, #tpu.memory_space<vmem>>
      %dma_wait3A_113 = tpu.memref_slice %arg10[%add3A_102] : memref<25600xi32, #tpu.memory_space<vmem>> -> memref<96xi32, #tpu.memory_space<vmem>>
      %dma_wait3A_114 = arith.constant 0 : i32
      %dma_wait3A_115 = arith.constant 0 : i32
      %dma_wait3A_116 = tpu.memref_slice %arg2[%dma_wait3A_114, %dma_wait3A_115] : memref<1000000x64xf32, #tpu.memory_space<hbm>> -> memref<1000000x64xf32, #tpu.memory_space<hbm>>
      tpu.wait_indirect_dma semaphore(%arg20 : memref<!tpu.dma_semaphore, #tpu.memory_space<semaphore_mem>>) src(%dma_wait3A_116 : memref<1000000x64xf32, #tpu.memory_space<hbm>>) dst(%dma_wait3A_112 : memref<96x64xf32, #tpu.memory_space<vmem>>)
      %ge3A = arith.constant 1 : i32
      %ge3A_117 = arith.cmpi sge, %scan3A_92, %ge3A : i32
      %convert_element_type3A = arith.extui %ge3A_117 : i1 to i32
      %cond3A = arith.constant 0 : i32
      %cond3A_118 = arith.cmpi ne, %convert_element_type3A, %cond3A : i32
      scf.if %cond3A_118 {
        %sub3A = arith.constant 2 : i32
        %sub3A_208 = arith.subi %add3A_96, %sub3A : i32
        %mul3A_209 = arith.constant 200 : i32
        %mul3A_210 = arith.muli %sub3A_208, %mul3A_209 : i32
        %add3A_211 = arith.addi %mul3A_4, %mul3A_210 : i32
        %dma_wait3A_212 = arith.constant 0 : i32
        %dma_wait3A_213 = tpu.memref_slice %arg9[%add3A_211, %dma_wait3A_212] : memref<819200x64xf32, #tpu.memory_space<hbm>> -> memref<200x64xf32, #tpu.memory_space<hbm>>
        %dma_wait3A_214 = arith.constant 0 : i32
        %dma_wait3A_215 = tpu.memref_slice %arg9[%add3A_211, %dma_wait3A_214] : memref<819200x64xf32, #tpu.memory_space<hbm>> -> memref<200x64xf32, #tpu.memory_space<hbm>>
        tpu.wait_dma2 semaphore(%arg22 : memref<!tpu.dma_semaphore, #tpu.memory_space<semaphore_mem>>) src(%arg18 : memref<200x64xf32, #tpu.memory_space<vmem>>) dst(%dma_wait3A_215 : memref<200x64xf32, #tpu.memory_space<hbm>>)
      } else {
      }
      %get3A_119 = arith.index_cast %add3A_96 : i32 to index
      %get3A_120 = arith.constant 0 : index
      %get3A_121 = tpu.vector_load %arg13[%get3A_119, %get3A_120] {strides = array<i32>} : memref<128x64xf32, #tpu.memory_space<vmem>>, vector<1x16xf32>,
      %get3A_122 = vector.shape_cast %get3A_121 : vector<1x16xf32> to vector<16xf32>
      %get3A_123 = arith.index_cast %add3A_96 : i32 to index
      %get3A_124 = arith.constant 16 : index
      %get3A_125 = tpu.vector_load %arg13[%get3A_123, %get3A_124] {strides = array<i32>} : memref<128x64xf32, #tpu.memory_space<vmem>>, vector<1x16xf32>,
      %get3A_126 = vector.shape_cast %get3A_125 : vector<1x16xf32> to vector<16xf32>
      %get3A_127 = arith.index_cast %add3A_96 : i32 to index
      %get3A_128 = arith.constant 32 : index
      %get3A_129 = tpu.vector_load %arg13[%get3A_127, %get3A_128] {strides = array<i32>} : memref<128x64xf32, #tpu.memory_space<vmem>>, vector<1x16xf32>,
      %get3A_130 = vector.shape_cast %get3A_129 : vector<1x16xf32> to vector<16xf32>
      %get3A_131 = arith.index_cast %add3A_96 : i32 to index
      %get3A_132 = arith.constant 48 : index
      %get3A_133 = tpu.vector_load %arg13[%get3A_131, %get3A_132] {strides = array<i32>} : memref<128x64xf32, #tpu.memory_space<vmem>>, vector<1x16xf32>,
      %get3A_134 = vector.shape_cast %get3A_133 : vector<1x16xf32> to vector<16xf32>
      %parallel_loop3A = arith.constant 0 : i32
      %parallel_loop3A_135 = arith.constant 200 : i32
      %parallel_loop3A_136 = arith.constant 1 : i32
      scf.for %parallel_loop3A_208 = %parallel_loop3A to %parallel_loop3A_135 step %parallel_loop3A_136  : i32 {
        %parallel_loop3A_209 = arith.index_cast %parallel_loop3A_208 : i32 to index
        %parallel_loop3A_210 = arith.constant 0 : index
        %parallel_loop3A_211 = tpu.vector_load %arg16[%parallel_loop3A_209, %parallel_loop3A_210] {strides = array<i32>} : memref<200x64xf32, #tpu.memory_space<vmem>>, vector<1x16xf32>,
        %parallel_loop3A_212 = vector.shape_cast %parallel_loop3A_211 : vector<1x16xf32> to vector<16xf32>
        %parallel_loop3A_213 = arith.index_cast %parallel_loop3A_208 : i32 to index
        %parallel_loop3A_214 = arith.constant 0 : index
        %parallel_loop3A_215 = tpu.vector_load %arg11[%parallel_loop3A_213, %parallel_loop3A_214] {strides = array<i32>} : memref<200x64xf32, #tpu.memory_space<vmem>>, vector<1x16xf32>,
        %parallel_loop3A_216 = vector.shape_cast %parallel_loop3A_215 : vector<1x16xf32> to vector<16xf32>
        %parallel_loop3A_217 = arith.addf %parallel_loop3A_212, %parallel_loop3A_216 : vector<16xf32>
        %parallel_loop3A_218 = arith.addf %parallel_loop3A_217, %get3A_122 : vector<16xf32>
        %parallel_loop3A_219 = arith.index_cast %parallel_loop3A_208 : i32 to index
        %parallel_loop3A_220 = arith.constant 16 : index
        %parallel_loop3A_221 = tpu.vector_load %arg16[%parallel_loop3A_219, %parallel_loop3A_220] {strides = array<i32>} : memref<200x64xf32, #tpu.memory_space<vmem>>, vector<1x16xf32>,
        %parallel_loop3A_222 = vector.shape_cast %parallel_loop3A_221 : vector<1x16xf32> to vector<16xf32>
        %parallel_loop3A_223 = arith.index_cast %parallel_loop3A_208 : i32 to index
        %parallel_loop3A_224 = arith.constant 16 : index
        %parallel_loop3A_225 = tpu.vector_load %arg11[%parallel_loop3A_223, %parallel_loop3A_224] {strides = array<i32>} : memref<200x64xf32, #tpu.memory_space<vmem>>, vector<1x16xf32>,
        %parallel_loop3A_226 = vector.shape_cast %parallel_loop3A_225 : vector<1x16xf32> to vector<16xf32>
        %parallel_loop3A_227 = arith.addf %parallel_loop3A_222, %parallel_loop3A_226 : vector<16xf32>
        %parallel_loop3A_228 = arith.addf %parallel_loop3A_227, %get3A_126 : vector<16xf32>
        %parallel_loop3A_229 = arith.index_cast %parallel_loop3A_208 : i32 to index
        %parallel_loop3A_230 = arith.constant 32 : index
        %parallel_loop3A_231 = tpu.vector_load %arg16[%parallel_loop3A_229, %parallel_loop3A_230] {strides = array<i32>} : memref<200x64xf32, #tpu.memory_space<vmem>>, vector<1x16xf32>,
        %parallel_loop3A_232 = vector.shape_cast %parallel_loop3A_231 : vector<1x16xf32> to vector<16xf32>
        %parallel_loop3A_233 = arith.index_cast %parallel_loop3A_208 : i32 to index
        %parallel_loop3A_234 = arith.constant 32 : index
        %parallel_loop3A_235 = tpu.vector_load %arg11[%parallel_loop3A_233, %parallel_loop3A_234] {strides = array<i32>} : memref<200x64xf32, #tpu.memory_space<vmem>>, vector<1x16xf32>,
        %parallel_loop3A_236 = vector.shape_cast %parallel_loop3A_235 : vector<1x16xf32> to vector<16xf32>
        %parallel_loop3A_237 = arith.addf %parallel_loop3A_232, %parallel_loop3A_236 : vector<16xf32>
        %parallel_loop3A_238 = arith.addf %parallel_loop3A_237, %get3A_130 : vector<16xf32>
        %parallel_loop3A_239 = arith.index_cast %parallel_loop3A_208 : i32 to index
        %parallel_loop3A_240 = arith.constant 48 : index
        %parallel_loop3A_241 = tpu.vector_load %arg16[%parallel_loop3A_239, %parallel_loop3A_240] {strides = array<i32>} : memref<200x64xf32, #tpu.memory_space<vmem>>, vector<1x16xf32>,
        %parallel_loop3A_242 = vector.shape_cast %parallel_loop3A_241 : vector<1x16xf32> to vector<16xf32>
        %parallel_loop3A_243 = arith.index_cast %parallel_loop3A_208 : i32 to index
        %parallel_loop3A_244 = arith.constant 48 : index
        %parallel_loop3A_245 = tpu.vector_load %arg11[%parallel_loop3A_243, %parallel_loop3A_244] {strides = array<i32>} : memref<200x64xf32, #tpu.memory_space<vmem>>, vector<1x16xf32>,
        %parallel_loop3A_246 = vector.shape_cast %parallel_loop3A_245 : vector<1x16xf32> to vector<16xf32>
        %parallel_loop3A_247 = arith.addf %parallel_loop3A_242, %parallel_loop3A_246 : vector<16xf32>
        %parallel_loop3A_248 = arith.addf %parallel_loop3A_247, %get3A_134 : vector<16xf32>
        %parallel_loop3A_249 = arith.addf %parallel_loop3A_218, %parallel_loop3A_228 : vector<16xf32>
        %parallel_loop3A_250 = arith.addf %parallel_loop3A_238, %parallel_loop3A_248 : vector<16xf32>
        %parallel_loop3A_251 = arith.addf %parallel_loop3A_249, %parallel_loop3A_250 : vector<16xf32>
        %parallel_loop3A_252 = arith.mulf %parallel_loop3A_218, %parallel_loop3A_218 : vector<16xf32>
        %parallel_loop3A_253 = arith.mulf %parallel_loop3A_228, %parallel_loop3A_228 : vector<16xf32>
        %parallel_loop3A_254 = arith.addf %parallel_loop3A_252, %parallel_loop3A_253 : vector<16xf32>
        %parallel_loop3A_255 = arith.mulf %parallel_loop3A_238, %parallel_loop3A_238 : vector<16xf32>
        %parallel_loop3A_256 = arith.mulf %parallel_loop3A_248, %parallel_loop3A_248 : vector<16xf32>
        %parallel_loop3A_257 = arith.addf %parallel_loop3A_255, %parallel_loop3A_256 : vector<16xf32>
        %parallel_loop3A_258 = arith.addf %parallel_loop3A_254, %parallel_loop3A_257 : vector<16xf32>
        %parallel_loop3A_259 = vector.shape_cast %xor3A_33 : vector<16xi32> to vector<16x1xi32>
        %parallel_loop3A_260 = vector.shape_cast %parallel_loop3A_259 : vector<16x1xi32> to vector<16xi32>
        %parallel_loop3A_261 = tpu.dynamic_gather %parallel_loop3A_251[%parallel_loop3A_260] in [0] : vector<16xf32>, vector<16xi32> -> vector<16xf32>
        %parallel_loop3A_262 = arith.addf %parallel_loop3A_251, %parallel_loop3A_261 : vector<16xf32>
        %parallel_loop3A_263 = vector.shape_cast %xor3A_36 : vector<16xi32> to vector<16x1xi32>
        %parallel_loop3A_264 = vector.shape_cast %parallel_loop3A_263 : vector<16x1xi32> to vector<16xi32>
        %parallel_loop3A_265 = tpu.dynamic_gather %parallel_loop3A_262[%parallel_loop3A_264] in [0] : vector<16xf32>, vector<16xi32> -> vector<16xf32>
        %parallel_loop3A_266 = arith.addf %parallel_loop3A_262, %parallel_loop3A_265 : vector<16xf32>
        %parallel_loop3A_267 = vector.shape_cast %xor3A_39 : vector<16xi32> to vector<16x1xi32>
        %parallel_loop3A_268 = vector.shape_cast %parallel_loop3A_267 : vector<16x1xi32> to vector<16xi32>
        %parallel_loop3A_269 = tpu.dynamic_gather %parallel_loop3A_266[%parallel_loop3A_268] in [0] : vector<16xf32>, vector<16xi32> -> vector<16xf32>
        %parallel_loop3A_270 = arith.addf %parallel_loop3A_266, %parallel_loop3A_269 : vector<16xf32>
        %parallel_loop3A_271 = vector.shape_cast %xor3A_42 : vector<16xi32> to vector<16x1xi32>
        %parallel_loop3A_272 = vector.shape_cast %parallel_loop3A_271 : vector<16x1xi32> to vector<16xi32>
        %parallel_loop3A_273 = tpu.dynamic_gather %parallel_loop3A_270[%parallel_loop3A_272] in [0] : vector<16xf32>, vector<16xi32> -> vector<16xf32>
        %parallel_loop3A_274 = arith.addf %parallel_loop3A_270, %parallel_loop3A_273 : vector<16xf32>
        %parallel_loop3A_275 = arith.constant 1.562500e-02 : f32
        %parallel_loop3A_276 = vector.broadcast %parallel_loop3A_275 : f32 to vector<16xf32>
        %parallel_loop3A_277 = arith.mulf %parallel_loop3A_274, %parallel_loop3A_276 : vector<16xf32>
        %parallel_loop3A_278 = vector.shape_cast %xor3A_33 : vector<16xi32> to vector<16x1xi32>
        %parallel_loop3A_279 = vector.shape_cast %parallel_loop3A_278 : vector<16x1xi32> to vector<16xi32>
        %parallel_loop3A_280 = tpu.dynamic_gather %parallel_loop3A_258[%parallel_loop3A_279] in [0] : vector<16xf32>, vector<16xi32> -> vector<16xf32>
        %parallel_loop3A_281 = arith.addf %parallel_loop3A_258, %parallel_loop3A_280 : vector<16xf32>
        %parallel_loop3A_282 = vector.shape_cast %xor3A_36 : vector<16xi32> to vector<16x1xi32>
        %parallel_loop3A_283 = vector.shape_cast %parallel_loop3A_282 : vector<16x1xi32> to vector<16xi32>
        %parallel_loop3A_284 = tpu.dynamic_gather %parallel_loop3A_281[%parallel_loop3A_283] in [0] : vector<16xf32>, vector<16xi32> -> vector<16xf32>
        %parallel_loop3A_285 = arith.addf %parallel_loop3A_281, %parallel_loop3A_284 : vector<16xf32>
        %parallel_loop3A_286 = vector.shape_cast %xor3A_39 : vector<16xi32> to vector<16x1xi32>
        %parallel_loop3A_287 = vector.shape_cast %parallel_loop3A_286 : vector<16x1xi32> to vector<16xi32>
        %parallel_loop3A_288 = tpu.dynamic_gather %parallel_loop3A_285[%parallel_loop3A_287] in [0] : vector<16xf32>, vector<16xi32> -> vector<16xf32>
        %parallel_loop3A_289 = arith.addf %parallel_loop3A_285, %parallel_loop3A_288 : vector<16xf32>
        %parallel_loop3A_290 = vector.shape_cast %xor3A_42 : vector<16xi32> to vector<16x1xi32>
        %parallel_loop3A_291 = vector.shape_cast %parallel_loop3A_290 : vector<16x1xi32> to vector<16xi32>
        %parallel_loop3A_292 = tpu.dynamic_gather %parallel_loop3A_289[%parallel_loop3A_291] in [0] : vector<16xf32>, vector<16xi32> -> vector<16xf32>
        %parallel_loop3A_293 = arith.addf %parallel_loop3A_289, %parallel_loop3A_292 : vector<16xf32>
        %parallel_loop3A_294 = arith.constant 1.562500e-02 : f32
        %parallel_loop3A_295 = vector.broadcast %parallel_loop3A_294 : f32 to vector<16xf32>
        %parallel_loop3A_296 = arith.mulf %parallel_loop3A_293, %parallel_loop3A_295 : vector<16xf32>
        %parallel_loop3A_297 = arith.mulf %parallel_loop3A_277, %parallel_loop3A_277 : vector<16xf32>
        %parallel_loop3A_298 = arith.subf %parallel_loop3A_296, %parallel_loop3A_297 : vector<16xf32>
        %parallel_loop3A_299 = arith.constant 9.99999996E-13 : f32
        %parallel_loop3A_300 = vector.broadcast %parallel_loop3A_299 : f32 to vector<16xf32>
        %parallel_loop3A_301 = arith.addf %parallel_loop3A_298, %parallel_loop3A_300 : vector<16xf32>
        %parallel_loop3A_302 = tpu.bitcast %parallel_loop3A_301 : vector<16xf32> -> vector<16xi32>
        %parallel_loop3A_303 = arith.constant 1 : i32
        %parallel_loop3A_304 = vector.broadcast %parallel_loop3A_303 : i32 to vector<16xi32>
        %parallel_loop3A_305 = arith.shrsi %parallel_loop3A_302, %parallel_loop3A_304 : vector<16xi32>
        %parallel_loop3A_306 = arith.constant 1597463007 : i32
        %parallel_loop3A_307 = vector.broadcast %parallel_loop3A_306 : i32 to vector<16xi32>
        %parallel_loop3A_308 = arith.subi %parallel_loop3A_307, %parallel_loop3A_305 : vector<16xi32>
        %parallel_loop3A_309 = tpu.bitcast %parallel_loop3A_308 : vector<16xi32> -> vector<16xf32>
        %parallel_loop3A_310 = arith.constant 5.000000e-01 : f32
        %parallel_loop3A_311 = vector.broadcast %parallel_loop3A_310 : f32 to vector<16xf32>
        %parallel_loop3A_312 = arith.mulf %parallel_loop3A_301, %parallel_loop3A_311 : vector<16xf32>
        %parallel_loop3A_313 = arith.mulf %parallel_loop3A_312, %parallel_loop3A_309 : vector<16xf32>
        %parallel_loop3A_314 = arith.mulf %parallel_loop3A_313, %parallel_loop3A_309 : vector<16xf32>
        %parallel_loop3A_315 = arith.constant 1.500000e+00 : f32
        %parallel_loop3A_316 = vector.broadcast %parallel_loop3A_315 : f32 to vector<16xf32>
        %parallel_loop3A_317 = arith.subf %parallel_loop3A_316, %parallel_loop3A_314 : vector<16xf32>
        %parallel_loop3A_318 = arith.mulf %parallel_loop3A_309, %parallel_loop3A_317 : vector<16xf32>
        %parallel_loop3A_319 = arith.mulf %parallel_loop3A_312, %parallel_loop3A_318 : vector<16xf32>
        %parallel_loop3A_320 = arith.mulf %parallel_loop3A_319, %parallel_loop3A_318 : vector<16xf32>
        %parallel_loop3A_321 = arith.constant 1.500000e+00 : f32
        %parallel_loop3A_322 = vector.broadcast %parallel_loop3A_321 : f32 to vector<16xf32>
        %parallel_loop3A_323 = arith.subf %parallel_loop3A_322, %parallel_loop3A_320 : vector<16xf32>
        %parallel_loop3A_324 = arith.mulf %parallel_loop3A_318, %parallel_loop3A_323 : vector<16xf32>
        %parallel_loop3A_325 = arith.subf %parallel_loop3A_218, %parallel_loop3A_277 : vector<16xf32>
        %parallel_loop3A_326 = arith.mulf %get3A_10, %parallel_loop3A_324 : vector<16xf32>
        %parallel_loop3A_327 = arith.mulf %parallel_loop3A_325, %parallel_loop3A_326 : vector<16xf32>
        %parallel_loop3A_328 = arith.addf %parallel_loop3A_327, %get3A_22 : vector<16xf32>
        %parallel_loop3A_329 = arith.index_cast %parallel_loop3A_208 : i32 to index
        %parallel_loop3A_330 = arith.constant 0 : index
        %parallel_loop3A_331 = tpu.vector_load %arg18[%parallel_loop3A_329, %parallel_loop3A_330] {strides = array<i32>} : memref<200x64xf32, #tpu.memory_space<vmem>>, vector<1x16xf32>,
        %parallel_loop3A_332 = vector.shape_cast %parallel_loop3A_331 : vector<1x16xf32> to vector<16xf32>
        %parallel_loop3A_333 = vector.shape_cast %parallel_loop3A_328 : vector<16xf32> to vector<1x16xf32>
        tpu.vector_store %arg18[%parallel_loop3A_329, %parallel_loop3A_330], %parallel_loop3A_333 {strides = array<i32>} : memref<200x64xf32, #tpu.memory_space<vmem>>, vector<1x16xf32>,
        %parallel_loop3A_334 = arith.subf %parallel_loop3A_228, %parallel_loop3A_277 : vector<16xf32>
        %parallel_loop3A_335 = arith.mulf %get3A_13, %parallel_loop3A_324 : vector<16xf32>
        %parallel_loop3A_336 = arith.mulf %parallel_loop3A_334, %parallel_loop3A_335 : vector<16xf32>
        %parallel_loop3A_337 = arith.addf %parallel_loop3A_336, %get3A_25 : vector<16xf32>
        %parallel_loop3A_338 = arith.index_cast %parallel_loop3A_208 : i32 to index
        %parallel_loop3A_339 = arith.constant 16 : index
        %parallel_loop3A_340 = tpu.vector_load %arg18[%parallel_loop3A_338, %parallel_loop3A_339] {strides = array<i32>} : memref<200x64xf32, #tpu.memory_space<vmem>>, vector<1x16xf32>,
        %parallel_loop3A_341 = vector.shape_cast %parallel_loop3A_340 : vector<1x16xf32> to vector<16xf32>
        %parallel_loop3A_342 = vector.shape_cast %parallel_loop3A_337 : vector<16xf32> to vector<1x16xf32>
        tpu.vector_store %arg18[%parallel_loop3A_338, %parallel_loop3A_339], %parallel_loop3A_342 {strides = array<i32>} : memref<200x64xf32, #tpu.memory_space<vmem>>, vector<1x16xf32>,
        %parallel_loop3A_343 = arith.subf %parallel_loop3A_238, %parallel_loop3A_277 : vector<16xf32>
        %parallel_loop3A_344 = arith.mulf %get3A_16, %parallel_loop3A_324 : vector<16xf32>
        %parallel_loop3A_345 = arith.mulf %parallel_loop3A_343, %parallel_loop3A_344 : vector<16xf32>
        %parallel_loop3A_346 = arith.addf %parallel_loop3A_345, %get3A_28 : vector<16xf32>
        %parallel_loop3A_347 = arith.index_cast %parallel_loop3A_208 : i32 to index
        %parallel_loop3A_348 = arith.constant 32 : index
        %parallel_loop3A_349 = tpu.vector_load %arg18[%parallel_loop3A_347, %parallel_loop3A_348] {strides = array<i32>} : memref<200x64xf32, #tpu.memory_space<vmem>>, vector<1x16xf32>,
        %parallel_loop3A_350 = vector.shape_cast %parallel_loop3A_349 : vector<1x16xf32> to vector<16xf32>
        %parallel_loop3A_351 = vector.shape_cast %parallel_loop3A_346 : vector<16xf32> to vector<1x16xf32>
        tpu.vector_store %arg18[%parallel_loop3A_347, %parallel_loop3A_348], %parallel_loop3A_351 {strides = array<i32>} : memref<200x64xf32, #tpu.memory_space<vmem>>, vector<1x16xf32>,
        %parallel_loop3A_352 = arith.subf %parallel_loop3A_248, %parallel_loop3A_277 : vector<16xf32>
        %parallel_loop3A_353 = arith.mulf %get3A_19, %parallel_loop3A_324 : vector<16xf32>
        %parallel_loop3A_354 = arith.mulf %parallel_loop3A_352, %parallel_loop3A_353 : vector<16xf32>
        %parallel_loop3A_355 = arith.addf %parallel_loop3A_354, %get3A_31 : vector<16xf32>
        %parallel_loop3A_356 = arith.index_cast %parallel_loop3A_208 : i32 to index
        %parallel_loop3A_357 = arith.constant 48 : index
        %parallel_loop3A_358 = tpu.vector_load %arg18[%parallel_loop3A_356, %parallel_loop3A_357] {strides = array<i32>} : memref<200x64xf32, #tpu.memory_space<vmem>>, vector<1x16xf32>,
        %parallel_loop3A_359 = vector.shape_cast %parallel_loop3A_358 : vector<1x16xf32> to vector<16xf32>
        %parallel_loop3A_360 = vector.shape_cast %parallel_loop3A_355 : vector<16xf32> to vector<1x16xf32>
        tpu.vector_store %arg18[%parallel_loop3A_356, %parallel_loop3A_357], %parallel_loop3A_360 {strides = array<i32>} : memref<200x64xf32, #tpu.memory_space<vmem>>, vector<1x16xf32>,
      } {sc.loop_unroll_factor = 8 : i64, sc.parallel_access}
      %mul3A_137 = arith.constant 200 : i32
      %mul3A_138 = arith.muli %add3A_96, %mul3A_137 : i32
      %add3A_139 = arith.addi %mul3A_4, %mul3A_138 : i32
      %dma_start3A_140 = arith.constant 0 : i32
      %dma_start3A_141 = tpu.memref_slice %arg9[%add3A_139, %dma_start3A_140] : memref<819200x64xf32, #tpu.memory_space<hbm>> -> memref<200x64xf32, #tpu.memory_space<hbm>>
      %dma_start3A_142 = arith.constant 0 : i32
      %dma_start3A_143 = tpu.memref_slice %arg9[%add3A_139, %dma_start3A_142] : memref<819200x64xf32, #tpu.memory_space<hbm>> -> memref<200x64xf32, #tpu.memory_space<hbm>>
      tpu.enqueue_dma source(%arg18 : memref<200x64xf32, #tpu.memory_space<vmem>>) target(%dma_start3A_143 : memref<200x64xf32, #tpu.memory_space<hbm>>) target_semaphore(%arg22 : memref<!tpu.dma_semaphore, #tpu.memory_space<semaphore_mem>>)
      %lt3A = arith.constant 63 : i32
      %lt3A_144 = arith.cmpi slt, %scan3A_92, %lt3A : i32
      %convert_element_type3A_145 = arith.extui %lt3A_144 : i1 to i32
      %cond3A_146 = arith.constant 0 : i32
      %cond3A_147 = arith.cmpi ne, %convert_element_type3A_145, %cond3A_146 : i32
      scf.if %cond3A_147 {
        %add3A_208 = arith.constant 2 : i32
        %add3A_209 = arith.addi %add3A_96, %add3A_208 : i32
        %mul3A_210 = arith.constant 200 : i32
        %mul3A_211 = arith.muli %add3A_209, %mul3A_210 : i32
        %mul3A_212 = arith.constant 200 : i32
        %mul3A_213 = arith.muli %add3A_209, %mul3A_212 : i32
        %add3A_214 = arith.constant 104 : i32
        %add3A_215 = arith.addi %mul3A_213, %add3A_214 : i32
        %dma_start3A_216 = arith.constant 0 : i32
        %dma_start3A_217 = arith.constant 0 : i32
        %dma_start3A_218 = tpu.memref_slice %arg16[%dma_start3A_216, %dma_start3A_217] : memref<200x64xf32, #tpu.memory_space<vmem>> -> memref<104x64xf32, #tpu.memory_space<vmem>>
        %dma_start3A_219 = tpu.memref_slice %arg10[%mul3A_211] : memref<25600xi32, #tpu.memory_space<vmem>> -> memref<104xi32, #tpu.memory_space<vmem>>
        %dma_start3A_220 = arith.constant 0 : i32
        %dma_start3A_221 = arith.constant 0 : i32
        %dma_start3A_222 = tpu.memref_slice %arg2[%dma_start3A_220, %dma_start3A_221] : memref<1000000x64xf32, #tpu.memory_space<hbm>> -> memref<1000000x64xf32, #tpu.memory_space<hbm>>
        tpu.enqueue_indirect_dma source(%dma_start3A_222 : memref<1000000x64xf32, #tpu.memory_space<hbm>>) target(%dma_start3A_218 : memref<104x64xf32, #tpu.memory_space<vmem>>) offsets(%dma_start3A_219 : memref<104xi32, #tpu.memory_space<vmem>>) semaphore(%arg20 : memref<!tpu.dma_semaphore, #tpu.memory_space<semaphore_mem>>)
        %dma_start3A_223 = arith.constant 104 : i32
        %dma_start3A_224 = arith.constant 0 : i32
        %dma_start3A_225 = tpu.memref_slice %arg16[%dma_start3A_223, %dma_start3A_224] : memref<200x64xf32, #tpu.memory_space<vmem>> -> memref<96x64xf32, #tpu.memory_space<vmem>>
        %dma_start3A_226 = tpu.memref_slice %arg10[%add3A_215] : memref<25600xi32, #tpu.memory_space<vmem>> -> memref<96xi32, #tpu.memory_space<vmem>>
        %dma_start3A_227 = arith.constant 0 : i32
        %dma_start3A_228 = arith.constant 0 : i32
        %dma_start3A_229 = tpu.memref_slice %arg2[%dma_start3A_227, %dma_start3A_228] : memref<1000000x64xf32, #tpu.memory_space<hbm>> -> memref<1000000x64xf32, #tpu.memory_space<hbm>>
        tpu.enqueue_indirect_dma source(%dma_start3A_229 : memref<1000000x64xf32, #tpu.memory_space<hbm>>) target(%dma_start3A_225 : memref<96x64xf32, #tpu.memory_space<vmem>>) offsets(%dma_start3A_226 : memref<96xi32, #tpu.memory_space<vmem>>) semaphore(%arg20 : memref<!tpu.dma_semaphore, #tpu.memory_space<semaphore_mem>>)
      } else {
      }
      %mul3A_148 = arith.constant 2 : i32
      %mul3A_149 = arith.muli %mul3A_148, %scan3A_92 : i32
      %add3A_150 = arith.constant 1 : i32
      %add3A_151 = arith.addi %mul3A_149, %add3A_150 : i32
      %mul3A_152 = arith.constant 200 : i32
      %mul3A_153 = arith.muli %add3A_151, %mul3A_152 : i32
      %mul3A_154 = arith.constant 200 : i32
      %mul3A_155 = arith.muli %add3A_151, %mul3A_154 : i32
      %add3A_156 = arith.constant 104 : i32
      %add3A_157 = arith.addi %mul3A_155, %add3A_156 : i32
      %dma_wait3A_158 = arith.constant 0 : i32
      %dma_wait3A_159 = arith.constant 0 : i32
      %dma_wait3A_160 = tpu.memref_slice %arg17[%dma_wait3A_158, %dma_wait3A_159] : memref<200x64xf32, #tpu.memory_space<vmem>> -> memref<104x64xf32, #tpu.memory_space<vmem>>
      %dma_wait3A_161 = tpu.memref_slice %arg10[%mul3A_153] : memref<25600xi32, #tpu.memory_space<vmem>> -> memref<104xi32, #tpu.memory_space<vmem>>
      %dma_wait3A_162 = arith.constant 0 : i32
      %dma_wait3A_163 = arith.constant 0 : i32
      %dma_wait3A_164 = tpu.memref_slice %arg2[%dma_wait3A_162, %dma_wait3A_163] : memref<1000000x64xf32, #tpu.memory_space<hbm>> -> memref<1000000x64xf32, #tpu.memory_space<hbm>>
      tpu.wait_indirect_dma semaphore(%arg21 : memref<!tpu.dma_semaphore, #tpu.memory_space<semaphore_mem>>) src(%dma_wait3A_164 : memref<1000000x64xf32, #tpu.memory_space<hbm>>) dst(%dma_wait3A_160 : memref<104x64xf32, #tpu.memory_space<vmem>>)
      %dma_wait3A_165 = arith.constant 104 : i32
      %dma_wait3A_166 = arith.constant 0 : i32
      %dma_wait3A_167 = tpu.memref_slice %arg17[%dma_wait3A_165, %dma_wait3A_166] : memref<200x64xf32, #tpu.memory_space<vmem>> -> memref<96x64xf32, #tpu.memory_space<vmem>>
      %dma_wait3A_168 = tpu.memref_slice %arg10[%add3A_157] : memref<25600xi32, #tpu.memory_space<vmem>> -> memref<96xi32, #tpu.memory_space<vmem>>
      %dma_wait3A_169 = arith.constant 0 : i32
      %dma_wait3A_170 = arith.constant 0 : i32
      %dma_wait3A_171 = tpu.memref_slice %arg2[%dma_wait3A_169, %dma_wait3A_170] : memref<1000000x64xf32, #tpu.memory_space<hbm>> -> memref<1000000x64xf32, #tpu.memory_space<hbm>>
      tpu.wait_indirect_dma semaphore(%arg21 : memref<!tpu.dma_semaphore, #tpu.memory_space<semaphore_mem>>) src(%dma_wait3A_171 : memref<1000000x64xf32, #tpu.memory_space<hbm>>) dst(%dma_wait3A_167 : memref<96x64xf32, #tpu.memory_space<vmem>>)
      %ge3A_172 = arith.constant 1 : i32
      %ge3A_173 = arith.cmpi sge, %scan3A_92, %ge3A_172 : i32
      %convert_element_type3A_174 = arith.extui %ge3A_173 : i1 to i32
      %cond3A_175 = arith.constant 0 : i32
      %cond3A_176 = arith.cmpi ne, %convert_element_type3A_174, %cond3A_175 : i32
      scf.if %cond3A_176 {
        %sub3A = arith.constant 2 : i32
        %sub3A_208 = arith.subi %add3A_151, %sub3A : i32
        %mul3A_209 = arith.constant 200 : i32
        %mul3A_210 = arith.muli %sub3A_208, %mul3A_209 : i32
        %add3A_211 = arith.addi %mul3A_4, %mul3A_210 : i32
        %dma_wait3A_212 = arith.constant 0 : i32
        %dma_wait3A_213 = tpu.memref_slice %arg9[%add3A_211, %dma_wait3A_212] : memref<819200x64xf32, #tpu.memory_space<hbm>> -> memref<200x64xf32, #tpu.memory_space<hbm>>
        %dma_wait3A_214 = arith.constant 0 : i32
        %dma_wait3A_215 = tpu.memref_slice %arg9[%add3A_211, %dma_wait3A_214] : memref<819200x64xf32, #tpu.memory_space<hbm>> -> memref<200x64xf32, #tpu.memory_space<hbm>>
        tpu.wait_dma2 semaphore(%arg23 : memref<!tpu.dma_semaphore, #tpu.memory_space<semaphore_mem>>) src(%arg19 : memref<200x64xf32, #tpu.memory_space<vmem>>) dst(%dma_wait3A_215 : memref<200x64xf32, #tpu.memory_space<hbm>>)
      } else {
      }
      %get3A_177 = arith.index_cast %add3A_151 : i32 to index
      %get3A_178 = arith.constant 0 : index
      %get3A_179 = tpu.vector_load %arg13[%get3A_177, %get3A_178] {strides = array<i32>} : memref<128x64xf32, #tpu.memory_space<vmem>>, vector<1x16xf32>,
      %get3A_180 = vector.shape_cast %get3A_179 : vector<1x16xf32> to vector<16xf32>
      %get3A_181 = arith.index_cast %add3A_151 : i32 to index
      %get3A_182 = arith.constant 16 : index
      %get3A_183 = tpu.vector_load %arg13[%get3A_181, %get3A_182] {strides = array<i32>} : memref<128x64xf32, #tpu.memory_space<vmem>>, vector<1x16xf32>,
      %get3A_184 = vector.shape_cast %get3A_183 : vector<1x16xf32> to vector<16xf32>
      %get3A_185 = arith.index_cast %add3A_151 : i32 to index
      %get3A_186 = arith.constant 32 : index
      %get3A_187 = tpu.vector_load %arg13[%get3A_185, %get3A_186] {strides = array<i32>} : memref<128x64xf32, #tpu.memory_space<vmem>>, vector<1x16xf32>,
      %get3A_188 = vector.shape_cast %get3A_187 : vector<1x16xf32> to vector<16xf32>
      %get3A_189 = arith.index_cast %add3A_151 : i32 to index
      %get3A_190 = arith.constant 48 : index
      %get3A_191 = tpu.vector_load %arg13[%get3A_189, %get3A_190] {strides = array<i32>} : memref<128x64xf32, #tpu.memory_space<vmem>>, vector<1x16xf32>,
      %get3A_192 = vector.shape_cast %get3A_191 : vector<1x16xf32> to vector<16xf32>
      %parallel_loop3A_193 = arith.constant 0 : i32
      %parallel_loop3A_194 = arith.constant 200 : i32
      %parallel_loop3A_195 = arith.constant 1 : i32
      scf.for %parallel_loop3A_208 = %parallel_loop3A_193 to %parallel_loop3A_194 step %parallel_loop3A_195  : i32 {
        %parallel_loop3A_209 = arith.index_cast %parallel_loop3A_208 : i32 to index
        %parallel_loop3A_210 = arith.constant 0 : index
        %parallel_loop3A_211 = tpu.vector_load %arg17[%parallel_loop3A_209, %parallel_loop3A_210] {strides = array<i32>} : memref<200x64xf32, #tpu.memory_space<vmem>>, vector<1x16xf32>,
        %parallel_loop3A_212 = vector.shape_cast %parallel_loop3A_211 : vector<1x16xf32> to vector<16xf32>
        %parallel_loop3A_213 = arith.index_cast %parallel_loop3A_208 : i32 to index
        %parallel_loop3A_214 = arith.constant 0 : index
        %parallel_loop3A_215 = tpu.vector_load %arg11[%parallel_loop3A_213, %parallel_loop3A_214] {strides = array<i32>} : memref<200x64xf32, #tpu.memory_space<vmem>>, vector<1x16xf32>,
        %parallel_loop3A_216 = vector.shape_cast %parallel_loop3A_215 : vector<1x16xf32> to vector<16xf32>
        %parallel_loop3A_217 = arith.addf %parallel_loop3A_212, %parallel_loop3A_216 : vector<16xf32>
        %parallel_loop3A_218 = arith.addf %parallel_loop3A_217, %get3A_180 : vector<16xf32>
        %parallel_loop3A_219 = arith.index_cast %parallel_loop3A_208 : i32 to index
        %parallel_loop3A_220 = arith.constant 16 : index
        %parallel_loop3A_221 = tpu.vector_load %arg17[%parallel_loop3A_219, %parallel_loop3A_220] {strides = array<i32>} : memref<200x64xf32, #tpu.memory_space<vmem>>, vector<1x16xf32>,
        %parallel_loop3A_222 = vector.shape_cast %parallel_loop3A_221 : vector<1x16xf32> to vector<16xf32>
        %parallel_loop3A_223 = arith.index_cast %parallel_loop3A_208 : i32 to index
        %parallel_loop3A_224 = arith.constant 16 : index
        %parallel_loop3A_225 = tpu.vector_load %arg11[%parallel_loop3A_223, %parallel_loop3A_224] {strides = array<i32>} : memref<200x64xf32, #tpu.memory_space<vmem>>, vector<1x16xf32>,
        %parallel_loop3A_226 = vector.shape_cast %parallel_loop3A_225 : vector<1x16xf32> to vector<16xf32>
        %parallel_loop3A_227 = arith.addf %parallel_loop3A_222, %parallel_loop3A_226 : vector<16xf32>
        %parallel_loop3A_228 = arith.addf %parallel_loop3A_227, %get3A_184 : vector<16xf32>
        %parallel_loop3A_229 = arith.index_cast %parallel_loop3A_208 : i32 to index
        %parallel_loop3A_230 = arith.constant 32 : index
        %parallel_loop3A_231 = tpu.vector_load %arg17[%parallel_loop3A_229, %parallel_loop3A_230] {strides = array<i32>} : memref<200x64xf32, #tpu.memory_space<vmem>>, vector<1x16xf32>,
        %parallel_loop3A_232 = vector.shape_cast %parallel_loop3A_231 : vector<1x16xf32> to vector<16xf32>
        %parallel_loop3A_233 = arith.index_cast %parallel_loop3A_208 : i32 to index
        %parallel_loop3A_234 = arith.constant 32 : index
        %parallel_loop3A_235 = tpu.vector_load %arg11[%parallel_loop3A_233, %parallel_loop3A_234] {strides = array<i32>} : memref<200x64xf32, #tpu.memory_space<vmem>>, vector<1x16xf32>,
        %parallel_loop3A_236 = vector.shape_cast %parallel_loop3A_235 : vector<1x16xf32> to vector<16xf32>
        %parallel_loop3A_237 = arith.addf %parallel_loop3A_232, %parallel_loop3A_236 : vector<16xf32>
        %parallel_loop3A_238 = arith.addf %parallel_loop3A_237, %get3A_188 : vector<16xf32>
        %parallel_loop3A_239 = arith.index_cast %parallel_loop3A_208 : i32 to index
        %parallel_loop3A_240 = arith.constant 48 : index
        %parallel_loop3A_241 = tpu.vector_load %arg17[%parallel_loop3A_239, %parallel_loop3A_240] {strides = array<i32>} : memref<200x64xf32, #tpu.memory_space<vmem>>, vector<1x16xf32>,
        %parallel_loop3A_242 = vector.shape_cast %parallel_loop3A_241 : vector<1x16xf32> to vector<16xf32>
        %parallel_loop3A_243 = arith.index_cast %parallel_loop3A_208 : i32 to index
        %parallel_loop3A_244 = arith.constant 48 : index
        %parallel_loop3A_245 = tpu.vector_load %arg11[%parallel_loop3A_243, %parallel_loop3A_244] {strides = array<i32>} : memref<200x64xf32, #tpu.memory_space<vmem>>, vector<1x16xf32>,
        %parallel_loop3A_246 = vector.shape_cast %parallel_loop3A_245 : vector<1x16xf32> to vector<16xf32>
        %parallel_loop3A_247 = arith.addf %parallel_loop3A_242, %parallel_loop3A_246 : vector<16xf32>
        %parallel_loop3A_248 = arith.addf %parallel_loop3A_247, %get3A_192 : vector<16xf32>
        %parallel_loop3A_249 = arith.addf %parallel_loop3A_218, %parallel_loop3A_228 : vector<16xf32>
        %parallel_loop3A_250 = arith.addf %parallel_loop3A_238, %parallel_loop3A_248 : vector<16xf32>
        %parallel_loop3A_251 = arith.addf %parallel_loop3A_249, %parallel_loop3A_250 : vector<16xf32>
        %parallel_loop3A_252 = arith.mulf %parallel_loop3A_218, %parallel_loop3A_218 : vector<16xf32>
        %parallel_loop3A_253 = arith.mulf %parallel_loop3A_228, %parallel_loop3A_228 : vector<16xf32>
        %parallel_loop3A_254 = arith.addf %parallel_loop3A_252, %parallel_loop3A_253 : vector<16xf32>
        %parallel_loop3A_255 = arith.mulf %parallel_loop3A_238, %parallel_loop3A_238 : vector<16xf32>
        %parallel_loop3A_256 = arith.mulf %parallel_loop3A_248, %parallel_loop3A_248 : vector<16xf32>
        %parallel_loop3A_257 = arith.addf %parallel_loop3A_255, %parallel_loop3A_256 : vector<16xf32>
        %parallel_loop3A_258 = arith.addf %parallel_loop3A_254, %parallel_loop3A_257 : vector<16xf32>
        %parallel_loop3A_259 = vector.shape_cast %xor3A_33 : vector<16xi32> to vector<16x1xi32>
        %parallel_loop3A_260 = vector.shape_cast %parallel_loop3A_259 : vector<16x1xi32> to vector<16xi32>
        %parallel_loop3A_261 = tpu.dynamic_gather %parallel_loop3A_251[%parallel_loop3A_260] in [0] : vector<16xf32>, vector<16xi32> -> vector<16xf32>
        %parallel_loop3A_262 = arith.addf %parallel_loop3A_251, %parallel_loop3A_261 : vector<16xf32>
        %parallel_loop3A_263 = vector.shape_cast %xor3A_36 : vector<16xi32> to vector<16x1xi32>
        %parallel_loop3A_264 = vector.shape_cast %parallel_loop3A_263 : vector<16x1xi32> to vector<16xi32>
        %parallel_loop3A_265 = tpu.dynamic_gather %parallel_loop3A_262[%parallel_loop3A_264] in [0] : vector<16xf32>, vector<16xi32> -> vector<16xf32>
        %parallel_loop3A_266 = arith.addf %parallel_loop3A_262, %parallel_loop3A_265 : vector<16xf32>
        %parallel_loop3A_267 = vector.shape_cast %xor3A_39 : vector<16xi32> to vector<16x1xi32>
        %parallel_loop3A_268 = vector.shape_cast %parallel_loop3A_267 : vector<16x1xi32> to vector<16xi32>
        %parallel_loop3A_269 = tpu.dynamic_gather %parallel_loop3A_266[%parallel_loop3A_268] in [0] : vector<16xf32>, vector<16xi32> -> vector<16xf32>
        %parallel_loop3A_270 = arith.addf %parallel_loop3A_266, %parallel_loop3A_269 : vector<16xf32>
        %parallel_loop3A_271 = vector.shape_cast %xor3A_42 : vector<16xi32> to vector<16x1xi32>
        %parallel_loop3A_272 = vector.shape_cast %parallel_loop3A_271 : vector<16x1xi32> to vector<16xi32>
        %parallel_loop3A_273 = tpu.dynamic_gather %parallel_loop3A_270[%parallel_loop3A_272] in [0] : vector<16xf32>, vector<16xi32> -> vector<16xf32>
        %parallel_loop3A_274 = arith.addf %parallel_loop3A_270, %parallel_loop3A_273 : vector<16xf32>
        %parallel_loop3A_275 = arith.constant 1.562500e-02 : f32
        %parallel_loop3A_276 = vector.broadcast %parallel_loop3A_275 : f32 to vector<16xf32>
        %parallel_loop3A_277 = arith.mulf %parallel_loop3A_274, %parallel_loop3A_276 : vector<16xf32>
        %parallel_loop3A_278 = vector.shape_cast %xor3A_33 : vector<16xi32> to vector<16x1xi32>
        %parallel_loop3A_279 = vector.shape_cast %parallel_loop3A_278 : vector<16x1xi32> to vector<16xi32>
        %parallel_loop3A_280 = tpu.dynamic_gather %parallel_loop3A_258[%parallel_loop3A_279] in [0] : vector<16xf32>, vector<16xi32> -> vector<16xf32>
        %parallel_loop3A_281 = arith.addf %parallel_loop3A_258, %parallel_loop3A_280 : vector<16xf32>
        %parallel_loop3A_282 = vector.shape_cast %xor3A_36 : vector<16xi32> to vector<16x1xi32>
        %parallel_loop3A_283 = vector.shape_cast %parallel_loop3A_282 : vector<16x1xi32> to vector<16xi32>
        %parallel_loop3A_284 = tpu.dynamic_gather %parallel_loop3A_281[%parallel_loop3A_283] in [0] : vector<16xf32>, vector<16xi32> -> vector<16xf32>
        %parallel_loop3A_285 = arith.addf %parallel_loop3A_281, %parallel_loop3A_284 : vector<16xf32>
        %parallel_loop3A_286 = vector.shape_cast %xor3A_39 : vector<16xi32> to vector<16x1xi32>
        %parallel_loop3A_287 = vector.shape_cast %parallel_loop3A_286 : vector<16x1xi32> to vector<16xi32>
        %parallel_loop3A_288 = tpu.dynamic_gather %parallel_loop3A_285[%parallel_loop3A_287] in [0] : vector<16xf32>, vector<16xi32> -> vector<16xf32>
        %parallel_loop3A_289 = arith.addf %parallel_loop3A_285, %parallel_loop3A_288 : vector<16xf32>
        %parallel_loop3A_290 = vector.shape_cast %xor3A_42 : vector<16xi32> to vector<16x1xi32>
        %parallel_loop3A_291 = vector.shape_cast %parallel_loop3A_290 : vector<16x1xi32> to vector<16xi32>
        %parallel_loop3A_292 = tpu.dynamic_gather %parallel_loop3A_289[%parallel_loop3A_291] in [0] : vector<16xf32>, vector<16xi32> -> vector<16xf32>
        %parallel_loop3A_293 = arith.addf %parallel_loop3A_289, %parallel_loop3A_292 : vector<16xf32>
        %parallel_loop3A_294 = arith.constant 1.562500e-02 : f32
        %parallel_loop3A_295 = vector.broadcast %parallel_loop3A_294 : f32 to vector<16xf32>
        %parallel_loop3A_296 = arith.mulf %parallel_loop3A_293, %parallel_loop3A_295 : vector<16xf32>
        %parallel_loop3A_297 = arith.mulf %parallel_loop3A_277, %parallel_loop3A_277 : vector<16xf32>
        %parallel_loop3A_298 = arith.subf %parallel_loop3A_296, %parallel_loop3A_297 : vector<16xf32>
        %parallel_loop3A_299 = arith.constant 9.99999996E-13 : f32
        %parallel_loop3A_300 = vector.broadcast %parallel_loop3A_299 : f32 to vector<16xf32>
        %parallel_loop3A_301 = arith.addf %parallel_loop3A_298, %parallel_loop3A_300 : vector<16xf32>
        %parallel_loop3A_302 = tpu.bitcast %parallel_loop3A_301 : vector<16xf32> -> vector<16xi32>
        %parallel_loop3A_303 = arith.constant 1 : i32
        %parallel_loop3A_304 = vector.broadcast %parallel_loop3A_303 : i32 to vector<16xi32>
        %parallel_loop3A_305 = arith.shrsi %parallel_loop3A_302, %parallel_loop3A_304 : vector<16xi32>
        %parallel_loop3A_306 = arith.constant 1597463007 : i32
        %parallel_loop3A_307 = vector.broadcast %parallel_loop3A_306 : i32 to vector<16xi32>
        %parallel_loop3A_308 = arith.subi %parallel_loop3A_307, %parallel_loop3A_305 : vector<16xi32>
        %parallel_loop3A_309 = tpu.bitcast %parallel_loop3A_308 : vector<16xi32> -> vector<16xf32>
        %parallel_loop3A_310 = arith.constant 5.000000e-01 : f32
        %parallel_loop3A_311 = vector.broadcast %parallel_loop3A_310 : f32 to vector<16xf32>
        %parallel_loop3A_312 = arith.mulf %parallel_loop3A_301, %parallel_loop3A_311 : vector<16xf32>
        %parallel_loop3A_313 = arith.mulf %parallel_loop3A_312, %parallel_loop3A_309 : vector<16xf32>
        %parallel_loop3A_314 = arith.mulf %parallel_loop3A_313, %parallel_loop3A_309 : vector<16xf32>
        %parallel_loop3A_315 = arith.constant 1.500000e+00 : f32
        %parallel_loop3A_316 = vector.broadcast %parallel_loop3A_315 : f32 to vector<16xf32>
        %parallel_loop3A_317 = arith.subf %parallel_loop3A_316, %parallel_loop3A_314 : vector<16xf32>
        %parallel_loop3A_318 = arith.mulf %parallel_loop3A_309, %parallel_loop3A_317 : vector<16xf32>
        %parallel_loop3A_319 = arith.mulf %parallel_loop3A_312, %parallel_loop3A_318 : vector<16xf32>
        %parallel_loop3A_320 = arith.mulf %parallel_loop3A_319, %parallel_loop3A_318 : vector<16xf32>
        %parallel_loop3A_321 = arith.constant 1.500000e+00 : f32
        %parallel_loop3A_322 = vector.broadcast %parallel_loop3A_321 : f32 to vector<16xf32>
        %parallel_loop3A_323 = arith.subf %parallel_loop3A_322, %parallel_loop3A_320 : vector<16xf32>
        %parallel_loop3A_324 = arith.mulf %parallel_loop3A_318, %parallel_loop3A_323 : vector<16xf32>
        %parallel_loop3A_325 = arith.subf %parallel_loop3A_218, %parallel_loop3A_277 : vector<16xf32>
        %parallel_loop3A_326 = arith.mulf %get3A_10, %parallel_loop3A_324 : vector<16xf32>
        %parallel_loop3A_327 = arith.mulf %parallel_loop3A_325, %parallel_loop3A_326 : vector<16xf32>
        %parallel_loop3A_328 = arith.addf %parallel_loop3A_327, %get3A_22 : vector<16xf32>
        %parallel_loop3A_329 = arith.index_cast %parallel_loop3A_208 : i32 to index
        %parallel_loop3A_330 = arith.constant 0 : index
        %parallel_loop3A_331 = tpu.vector_load %arg19[%parallel_loop3A_329, %parallel_loop3A_330] {strides = array<i32>} : memref<200x64xf32, #tpu.memory_space<vmem>>, vector<1x16xf32>,
        %parallel_loop3A_332 = vector.shape_cast %parallel_loop3A_331 : vector<1x16xf32> to vector<16xf32>
        %parallel_loop3A_333 = vector.shape_cast %parallel_loop3A_328 : vector<16xf32> to vector<1x16xf32>
        tpu.vector_store %arg19[%parallel_loop3A_329, %parallel_loop3A_330], %parallel_loop3A_333 {strides = array<i32>} : memref<200x64xf32, #tpu.memory_space<vmem>>, vector<1x16xf32>,
        %parallel_loop3A_334 = arith.subf %parallel_loop3A_228, %parallel_loop3A_277 : vector<16xf32>
        %parallel_loop3A_335 = arith.mulf %get3A_13, %parallel_loop3A_324 : vector<16xf32>
        %parallel_loop3A_336 = arith.mulf %parallel_loop3A_334, %parallel_loop3A_335 : vector<16xf32>
        %parallel_loop3A_337 = arith.addf %parallel_loop3A_336, %get3A_25 : vector<16xf32>
        %parallel_loop3A_338 = arith.index_cast %parallel_loop3A_208 : i32 to index
        %parallel_loop3A_339 = arith.constant 16 : index
        %parallel_loop3A_340 = tpu.vector_load %arg19[%parallel_loop3A_338, %parallel_loop3A_339] {strides = array<i32>} : memref<200x64xf32, #tpu.memory_space<vmem>>, vector<1x16xf32>,
        %parallel_loop3A_341 = vector.shape_cast %parallel_loop3A_340 : vector<1x16xf32> to vector<16xf32>
        %parallel_loop3A_342 = vector.shape_cast %parallel_loop3A_337 : vector<16xf32> to vector<1x16xf32>
        tpu.vector_store %arg19[%parallel_loop3A_338, %parallel_loop3A_339], %parallel_loop3A_342 {strides = array<i32>} : memref<200x64xf32, #tpu.memory_space<vmem>>, vector<1x16xf32>,
        %parallel_loop3A_343 = arith.subf %parallel_loop3A_238, %parallel_loop3A_277 : vector<16xf32>
        %parallel_loop3A_344 = arith.mulf %get3A_16, %parallel_loop3A_324 : vector<16xf32>
        %parallel_loop3A_345 = arith.mulf %parallel_loop3A_343, %parallel_loop3A_344 : vector<16xf32>
        %parallel_loop3A_346 = arith.addf %parallel_loop3A_345, %get3A_28 : vector<16xf32>
        %parallel_loop3A_347 = arith.index_cast %parallel_loop3A_208 : i32 to index
        %parallel_loop3A_348 = arith.constant 32 : index
        %parallel_loop3A_349 = tpu.vector_load %arg19[%parallel_loop3A_347, %parallel_loop3A_348] {strides = array<i32>} : memref<200x64xf32, #tpu.memory_space<vmem>>, vector<1x16xf32>,
        %parallel_loop3A_350 = vector.shape_cast %parallel_loop3A_349 : vector<1x16xf32> to vector<16xf32>
        %parallel_loop3A_351 = vector.shape_cast %parallel_loop3A_346 : vector<16xf32> to vector<1x16xf32>
        tpu.vector_store %arg19[%parallel_loop3A_347, %parallel_loop3A_348], %parallel_loop3A_351 {strides = array<i32>} : memref<200x64xf32, #tpu.memory_space<vmem>>, vector<1x16xf32>,
        %parallel_loop3A_352 = arith.subf %parallel_loop3A_248, %parallel_loop3A_277 : vector<16xf32>
        %parallel_loop3A_353 = arith.mulf %get3A_19, %parallel_loop3A_324 : vector<16xf32>
        %parallel_loop3A_354 = arith.mulf %parallel_loop3A_352, %parallel_loop3A_353 : vector<16xf32>
        %parallel_loop3A_355 = arith.addf %parallel_loop3A_354, %get3A_31 : vector<16xf32>
        %parallel_loop3A_356 = arith.index_cast %parallel_loop3A_208 : i32 to index
        %parallel_loop3A_357 = arith.constant 48 : index
        %parallel_loop3A_358 = tpu.vector_load %arg19[%parallel_loop3A_356, %parallel_loop3A_357] {strides = array<i32>} : memref<200x64xf32, #tpu.memory_space<vmem>>, vector<1x16xf32>,
        %parallel_loop3A_359 = vector.shape_cast %parallel_loop3A_358 : vector<1x16xf32> to vector<16xf32>
        %parallel_loop3A_360 = vector.shape_cast %parallel_loop3A_355 : vector<16xf32> to vector<1x16xf32>
        tpu.vector_store %arg19[%parallel_loop3A_356, %parallel_loop3A_357], %parallel_loop3A_360 {strides = array<i32>} : memref<200x64xf32, #tpu.memory_space<vmem>>, vector<1x16xf32>,
      } {sc.loop_unroll_factor = 8 : i64, sc.parallel_access}
      %mul3A_196 = arith.constant 200 : i32
      %mul3A_197 = arith.muli %add3A_151, %mul3A_196 : i32
      %add3A_198 = arith.addi %mul3A_4, %mul3A_197 : i32
      %dma_start3A_199 = arith.constant 0 : i32
      %dma_start3A_200 = tpu.memref_slice %arg9[%add3A_198, %dma_start3A_199] : memref<819200x64xf32, #tpu.memory_space<hbm>> -> memref<200x64xf32, #tpu.memory_space<hbm>>
      %dma_start3A_201 = arith.constant 0 : i32
      %dma_start3A_202 = tpu.memref_slice %arg9[%add3A_198, %dma_start3A_201] : memref<819200x64xf32, #tpu.memory_space<hbm>> -> memref<200x64xf32, #tpu.memory_space<hbm>>
      tpu.enqueue_dma source(%arg19 : memref<200x64xf32, #tpu.memory_space<vmem>>) target(%dma_start3A_202 : memref<200x64xf32, #tpu.memory_space<hbm>>) target_semaphore(%arg23 : memref<!tpu.dma_semaphore, #tpu.memory_space<semaphore_mem>>)
      %lt3A_203 = arith.constant 63 : i32
      %lt3A_204 = arith.cmpi slt, %scan3A_92, %lt3A_203 : i32
      %convert_element_type3A_205 = arith.extui %lt3A_204 : i1 to i32
      %cond3A_206 = arith.constant 0 : i32
      %cond3A_207 = arith.cmpi ne, %convert_element_type3A_205, %cond3A_206 : i32
      scf.if %cond3A_207 {
        %add3A_208 = arith.constant 2 : i32
        %add3A_209 = arith.addi %add3A_151, %add3A_208 : i32
        %mul3A_210 = arith.constant 200 : i32
        %mul3A_211 = arith.muli %add3A_209, %mul3A_210 : i32
        %mul3A_212 = arith.constant 200 : i32
        %mul3A_213 = arith.muli %add3A_209, %mul3A_212 : i32
        %add3A_214 = arith.constant 104 : i32
        %add3A_215 = arith.addi %mul3A_213, %add3A_214 : i32
        %dma_start3A_216 = arith.constant 0 : i32
        %dma_start3A_217 = arith.constant 0 : i32
        %dma_start3A_218 = tpu.memref_slice %arg17[%dma_start3A_216, %dma_start3A_217] : memref<200x64xf32, #tpu.memory_space<vmem>> -> memref<104x64xf32, #tpu.memory_space<vmem>>
        %dma_start3A_219 = tpu.memref_slice %arg10[%mul3A_211] : memref<25600xi32, #tpu.memory_space<vmem>> -> memref<104xi32, #tpu.memory_space<vmem>>
        %dma_start3A_220 = arith.constant 0 : i32
        %dma_start3A_221 = arith.constant 0 : i32
        %dma_start3A_222 = tpu.memref_slice %arg2[%dma_start3A_220, %dma_start3A_221] : memref<1000000x64xf32, #tpu.memory_space<hbm>> -> memref<1000000x64xf32, #tpu.memory_space<hbm>>
        tpu.enqueue_indirect_dma source(%dma_start3A_222 : memref<1000000x64xf32, #tpu.memory_space<hbm>>) target(%dma_start3A_218 : memref<104x64xf32, #tpu.memory_space<vmem>>) offsets(%dma_start3A_219 : memref<104xi32, #tpu.memory_space<vmem>>) semaphore(%arg21 : memref<!tpu.dma_semaphore, #tpu.memory_space<semaphore_mem>>)
        %dma_start3A_223 = arith.constant 104 : i32
        %dma_start3A_224 = arith.constant 0 : i32
        %dma_start3A_225 = tpu.memref_slice %arg17[%dma_start3A_223, %dma_start3A_224] : memref<200x64xf32, #tpu.memory_space<vmem>> -> memref<96x64xf32, #tpu.memory_space<vmem>>
        %dma_start3A_226 = tpu.memref_slice %arg10[%add3A_215] : memref<25600xi32, #tpu.memory_space<vmem>> -> memref<96xi32, #tpu.memory_space<vmem>>
        %dma_start3A_227 = arith.constant 0 : i32
        %dma_start3A_228 = arith.constant 0 : i32
        %dma_start3A_229 = tpu.memref_slice %arg2[%dma_start3A_227, %dma_start3A_228] : memref<1000000x64xf32, #tpu.memory_space<hbm>> -> memref<1000000x64xf32, #tpu.memory_space<hbm>>
        tpu.enqueue_indirect_dma source(%dma_start3A_229 : memref<1000000x64xf32, #tpu.memory_space<hbm>>) target(%dma_start3A_225 : memref<96x64xf32, #tpu.memory_space<vmem>>) offsets(%dma_start3A_226 : memref<96xi32, #tpu.memory_space<vmem>>) semaphore(%arg21 : memref<!tpu.dma_semaphore, #tpu.memory_space<semaphore_mem>>)
      } else {
      }
    }
    %scan3A_79 = arith.constant 64 : i32
    %add3A_80 = arith.constant 25200 : i32
    %add3A_81 = arith.addi %mul3A_4, %add3A_80 : i32
    %dma_wait3A_82 = arith.constant 0 : i32
    %dma_wait3A_83 = tpu.memref_slice %arg9[%add3A_81, %dma_wait3A_82] : memref<819200x64xf32, #tpu.memory_space<hbm>> -> memref<200x64xf32, #tpu.memory_space<hbm>>
    %dma_wait3A_84 = arith.constant 0 : i32
    %dma_wait3A_85 = tpu.memref_slice %arg9[%add3A_81, %dma_wait3A_84] : memref<819200x64xf32, #tpu.memory_space<hbm>> -> memref<200x64xf32, #tpu.memory_space<hbm>>
    tpu.wait_dma2 semaphore(%arg22 : memref<!tpu.dma_semaphore, #tpu.memory_space<semaphore_mem>>) src(%arg18 : memref<200x64xf32, #tpu.memory_space<vmem>>) dst(%dma_wait3A_85 : memref<200x64xf32, #tpu.memory_space<hbm>>)
    %add3A_86 = arith.constant 25400 : i32
    %add3A_87 = arith.addi %mul3A_4, %add3A_86 : i32
    %dma_wait3A_88 = arith.constant 0 : i32
    %dma_wait3A_89 = tpu.memref_slice %arg9[%add3A_87, %dma_wait3A_88] : memref<819200x64xf32, #tpu.memory_space<hbm>> -> memref<200x64xf32, #tpu.memory_space<hbm>>
    %dma_wait3A_90 = arith.constant 0 : i32
    %dma_wait3A_91 = tpu.memref_slice %arg9[%add3A_87, %dma_wait3A_90] : memref<819200x64xf32, #tpu.memory_space<hbm>> -> memref<200x64xf32, #tpu.memory_space<hbm>>
    tpu.wait_dma2 semaphore(%arg23 : memref<!tpu.dma_semaphore, #tpu.memory_space<semaphore_mem>>) src(%arg19 : memref<200x64xf32, #tpu.memory_space<vmem>>) dst(%dma_wait3A_91 : memref<200x64xf32, #tpu.memory_space<hbm>>)
    return
  }
}

</mosaic_0001>

<sc_bundles>
// kernel: kernel.3.cloned.1.call-start
scs
__scs_entry_jumppad:
0x0: {  	(pc) =	sbr.rel $0x88, $3  }
0x1: {  	(tag) =	ssettag $0x0;
	lr =	simm.s32 $0x1  }
0x2: {  	[smem:$0x3F9A] =	sst lr;
	_ =	strace $0xD0000000  }
0x3: {  	_ = 	snop  }
0x4: {  	_ = 	snop  }
0x5: {  	_ = 	snop  }
0x6: {  	_ = 	snop  }
0x7: {  	_ = 	snop  }
__scs_overlays_trampoline_lowered:
0x8: {  	[smem:$0x3FA9] =	sst s0  }
0x9: {  	[smem:$0x3FAA] =	sst s1  }
0xa: {  	[smem:$0x3FAB] =	sst s2  }
0xb: {  	[smem:$0x3FAC] =	sst s3  }
0xc: {  	[smem:$0x3FAD] =	sst s4  }
0xd: {  	[smem:$0x3FAE] =	sst s5  }
0xe: {  	[smem:$0x3FAF] =	sst s6  }
0xf: {  	[smem:$0x3FB0] =	sst s7  }
0x10: {  	[smem:$0x3FB1] =	sst s8  }
0x11: {  	[smem:$0x3FB2] =	sst s9;
	s0 =	simm.s32 @!p0 $0x0  }
0x12: {  	s1 =	sld [smem:$0x3F98];
	s0 =	simm.s32 @p0 $0x1  }
0x13: {  	[smem:$0x3FB3] =	sst s0;
	s0 =	simm.s32 @!p1 $0x0  }
0x14: {  	s2 =	sld [smem:$0x3F97];
	s0 =	simm.s32 @p1 $0x1  }
0x15: {  	[smem:$0x3FB4] =	sst s0;
	s0 =	simm.s32 @!p2 $0x0  }
0x16: {  	s3 =	sld [smem:$0x3FDB];
	s0 =	simm.s32 @p2 $0x1  }
0x17: {  	s4 =	simm.s32 $0x1BF5;
	[smem:$0x3FB6] =	sst s0  }
0x18: {  	s0 =	sld [smem:$0x3F99];
	_ =	swait.ge [sflag:s4], $0x0  }
0x19: {  	s7 =	sld [smem:$0x3F9A]  }
0x1a: {  	s8 =	sadd.s32 $0xFFFFE003, lr  }
0x1b: {  	s9 =	sadd.s32 $0xFFFFFEF7, lr;
	s5 =	simm.s32 $0xFFFFFFFF;
	p2 =	slt.u32 s8, $0xFFFFF086  }
0x1c: {  	p1 =	slt.u32 s9, $0xF7A;
	s5 =	simm.s32 @!p2 $0x0  }
0x1d: {  	s5 =	simm.s32 @p1 $0x1;
	p0 =	seq.s32 s7, s2  }
0x1e: {  	s7 =	smul.u32 @!p0 $0xF7A, s2;
	p2 =	seq.s32 @!p0 s5, $0x0  }
0x1f: {  	s9 =	smul.u32 $0xF7A, s1;
	s8 =	simm.s32 @!p0 $0x1BF5;
	p2 =	por !p2, p0  }
0x20: {  	[sflag:s8] =	ssyncset.s32 @!p0 $0xFFFFF086;
	s6 =	sadd.s32 @!p0 s3, s7;
	s7 =	simm.s32 @!p0 $0x108  }
0x21: {  	s3 =	sadd.s32 s3, s9;
	s6 =	sadd.s32 @!p0 $0x88, s6;
	s7 =	simm.s32 @p2 $0x1082  }
0x22: {  	[simem:s7], [sflag:s8] =	dma.local @!p0 [hbm:s6], $0xF7A  }
0x23: {  	s9 =	sor.u32 $0xD0000000, s2;
	s6 =	simm.s32 $0x108;
	_ =	swait.ge @!p0 [sflag:s8], $0x0  }
0x24: {  	s3 =	sadd.s32 $0x88, s3;
	s6 =	simm.s32 @!p1 $0x1082;
	[sflag:s4] =	ssyncset.s32 $0xFFFFF086  }
0x25: {  	[simem:s6], [sflag:s4] =	dma.local [hbm:s3], $0xF7A  }
0x26: {  	[smem:$0x3F9A] =	sst s1;
	(tag) =	ssettag s2;
	_ =	strace s9  }
0x27: {  	s1 =	sld [smem:$0x3FAA]  }
0x28: {  	s2 =	sld [smem:$0x3FAB]  }
0x29: {  	s4 =	sld [smem:$0x3FAD]  }
0x2a: {  	p0 =	seq.s32 s5, $0x0;
	s5 =	sld [smem:$0x3FAE]  }
0x2b: {  	s6 =	sld [smem:$0x3FAF]  }
0x2c: {  	s7 =	sld [smem:$0x3FB0]  }
0x2d: {  	s3 =	simm.s32 $0x108;
	s8 =	sld [smem:$0x3FB1]  }
0x2e: {  	s3 =	simm.s32 @!p0 $0x1082;
	s9 =	sld [smem:$0x3FB2]  }
0x2f: {  	lr =	sadd.s32 s0, s3;
	s0 =	sld [smem:$0x3FA9]  }
0x30: {  	s3 =	sld [smem:$0x3FAC]  }
0x31: {  	[smem:$0x3FB5] =	sst s10  }
0x32: {  	s10 =	sld [smem:$0x3FB3];
	_ =	sdelay $0x3  }
0x33: {  	p0 =	seq.s32 s10, $0x1;
	s10 =	sld [smem:$0x3FB5];
	_ =	sdelay $0x3  }
0x34: {  	[smem:$0x3FB5] =	sst s10  }
0x35: {  	s10 =	sld [smem:$0x3FB4];
	_ =	sdelay $0x3  }
0x36: {  	p1 =	seq.s32 s10, $0x1;
	s10 =	sld [smem:$0x3FB5];
	_ =	sdelay $0x3  }
0x37: {  	[smem:$0x3FB5] =	sst s10  }
0x38: {  	s10 =	sld [smem:$0x3FB6]  }
0x39: {  	_ = 	snop;
	(pc) =	sbr.ind lr, $3  }
0x3a: {  	_ = 	snop  }
0x3b: {  	_ = 	snop  }
0x3c: {  	p2 =	seq.s32 s10, $0x1;
	s10 =	sld [smem:$0x3FB5]  }
0x3d: {  	_ =	shalt  }
0x3e: {  	_ =	shalt  }
0x3f: {  	_ =	shalt  }
0x40: {  	_ =	shalt  }
0x41: {  	_ =	shalt  }
0x42: {  	_ =	shalt  }
0x43: {  	_ =	shalt  }
0x44: {  	_ =	shalt  }
0x45: {  	_ =	shalt  }
0x46: {  	_ =	shalt  }
0x47: {  	_ =	shalt  }
0x48: {  	_ =	shalt  }
0x49: {  	_ =	shalt  }
0x4a: {  	_ =	shalt  }
0x4b: {  	_ =	shalt  }
0x4c: {  	_ =	shalt  }
0x4d: {  	_ =	shalt  }
0x4e: {  	_ =	shalt  }
0x4f: {  	_ =	shalt  }
0x50: {  	_ =	shalt  }
0x51: {  	_ =	shalt  }
0x52: {  	_ =	shalt  }
0x53: {  	_ =	shalt  }
0x54: {  	_ =	shalt  }
0x55: {  	_ =	shalt  }
0x56: {  	_ =	shalt  }
0x57: {  	_ =	shalt  }
0x58: {  	_ =	shalt  }
0x59: {  	_ =	shalt  }
0x5a: {  	_ =	shalt  }
0x5b: {  	_ =	shalt  }
0x5c: {  	_ =	shalt  }
0x5d: {  	_ =	shalt  }
0x5e: {  	_ =	shalt  }
0x5f: {  	_ =	shalt  }
0x60: {  	_ =	shalt  }
0x61: {  	_ =	shalt  }
0x62: {  	_ =	shalt  }
0x63: {  	_ =	shalt  }
0x64: {  	_ =	shalt  }
0x65: {  	_ =	shalt  }
0x66: {  	_ =	shalt  }
0x67: {  	_ =	shalt  }
0x68: {  	_ =	shalt  }
0x69: {  	_ =	shalt  }
0x6a: {  	_ =	shalt  }
0x6b: {  	_ =	shalt  }
0x6c: {  	_ =	shalt  }
0x6d: {  	_ =	shalt  }
0x6e: {  	_ =	shalt  }
0x6f: {  	_ =	shalt  }
0x70: {  	_ =	shalt  }
0x71: {  	_ =	shalt  }
0x72: {  	_ =	shalt  }
0x73: {  	_ =	shalt  }
0x74: {  	_ =	shalt  }
0x75: {  	_ =	shalt  }
0x76: {  	_ =	shalt  }
0x77: {  	_ =	shalt  }
0x78: {  	_ =	shalt  }
0x79: {  	_ =	shalt  }
0x7a: {  	_ =	shalt  }
0x7b: {  	_ =	shalt  }
0x7c: {  	_ =	shalt  }
0x7d: {  	_ =	shalt  }
0x7e: {  	_ =	shalt  }
0x7f: {  	_ =	shalt  }
0x80: {  	_ =	shalt  }
0x81: {  	_ =	shalt  }
0x82: {  	_ =	shalt  }
0x83: {  	_ =	shalt  }
0x84: {  	_ =	shalt  }
0x85: {  	_ =	shalt  }
0x86: {  	_ =	shalt  }
0x87: {  	_ =	shalt  }
.Lfunc_end0:
.L_simem_size_0:
called_computation.1_lowered:
.L_overlay_start_0:
0x88: {  	s2 =	sld [smem:$0x3FD9]  }
0x89: {  	s3 =	sld [smem:$0x3FFE];
	_ =	sdelay $0x1  }
0x8a: {  	s1 =	srdreg.scid  }
0x8b: {  	s0 =	sand.u32 $0x1, s1  }
0x8c: {  	s17 =	sshll.u32 s0, $0xA;
	s2 =	sadd.s32 s3, s2  }
0x8d: {  	s2 =	sadd.s32 s2, s17  }
0x8e: {  	[smem:$0x3FC1] =	sst s2  }
0x8f: {  	_ = 	snop  }
0x90: {  	s2 =	sld [smem:$0x3FC6]  }
0x91: {  	s18 =	sld [smem:$0x3FC5]  }
0x92: {  	s4 =	sld [smem:$0x3FC3]  }
0x93: {  	s5 =	sld [smem:$0x3FD0];
	(tm) =	ssettm $0x1  }
0x94: {  	s6 =	sld [smem:$0x3FFB];
	_ =	sdelay $0x3  }
0x95: {  	_ =	strace s6  }
0x96: {  	s6 =	sld [smem:$0x3FFC];
	_ =	sdelay $0x3  }
0x97: {  	_ =	strace s6  }
0x98: {  	s6 =	sld [smem:$0x3FFD];
	_ =	sdelay $0x3  }
0x99: {  	_ =	strace s6  }
0x9a: {  	_ =	strace $0x8FFFFFFF  }
0x9b: {  	s19 =	sld [smem:$0x3FDB];
	_ =	sdelay $0x1  }
0x9c: {  	s7 =	simm.s32 $_scs_section_size  }
0x9d: {  	s8 =	simm.s32 $_size__tile_overlayer_lowered;
	s9 =	simm.s32 $_tile_overlayer_lowered  }
0x9e: {  	s22 =	simm.s32 $0x1BFF;
	s21 =	sshll.u32 s9, $0x1;
	s6 =	sadd.s32 s7, s19  }
0x9f: {  	s10 =	simm.s32 $0x0;
	s20 =	sshll.u32 s8, $0x1;
	s8 =	sadd.s32 s21, s6  }
0xa0: {  	[timem:s10], [sflag:s22] =	dma.local [hbm:s8], s20  }
0xa1: {  	_ =	swait.ge [sflag:s22], s20  }
0xa2: {  	s7 =	ssub.s32 $0x0, s20;
	[sflag:s22] =	ssyncset.done $0x0  }
0xa3: {  	[sflag:s22] =	ssyncadd.s32 s7;
	_ =	sdelay $0x1  }
0xa4: {  	s23 =	simm.s32 $0x1B8B  }
0xa5: {  	_ =	swait.ge [sflag:s23], $0x1  }
0xa6: {  	[sflag:s23] =	ssyncset.done $0x0  }
0xa7: {  	s25 =	simm.s32 $0x1B8E;
	s24 =	sld [smem:$0x3FFE];
	[sflag:s23] =	ssyncadd.s32 $0xFFFFFFFF  }
0xa8: {  	s26 =	simm.s32 $execute0_lowered;
	[smem:$0x3FD2] =	sst s25  }
0xa9: {  	s8 =	sshll.u32 s26, $0x1;
	_ =	strace $0x80000046;
	[dreg:$0x1] =	wrdreg $0xFFFFFFFF  }
0xaa: {  	s28 =	simm.s32 $_size_execute0_lowered;
	s6 =	sadd.s32 s6, s8;
	[dreg:$0x0] =	wrdreg $0x0  }
0xab: {  	s8 =	sshll.u32 s28, $0x1;
	[dreg:$0x2] =	wrdreg s6  }
0xac: {  	[dreg:$0x3] =	wrdreg s8  }
0xad: {  	[dreg:$0x4] =	wrdreg $0xC0  }
0xae: {  	_ =	task [dreg:s10], $0x5FFFF  }
0xaf: {  	[dreg:$0x1] =	wrdreg $0xFFFFFFFF  }
0xb0: {  	[dreg:$0x0] =	wrdreg $0x60  }
0xb1: {  	[dreg:$0x2] =	wrdreg s24  }
0xb2: {  	[dreg:$0x3] =	wrdreg s2  }
0xb3: {  	[dreg:$0x4] =	wrdreg s18  }
0xb4: {  	[dreg:$0x5] =	wrdreg s4  }
0xb5: {  	[dreg:$0x6] =	wrdreg s5  }
0xb6: {  	[dreg:$0x7] =	wrdreg $0x9  }
0xb7: {  	_ =	task.clear_ibuf [dreg:s10], $0x8FFFF;
	_ =	strace $0x90000046  }
0xb8: {  	s29 =	simm.s32 $0x9;
	_ =	strace $0x80000048  }
0xb9: {  	_ =	swait.ge [sflag:s29], $0x1  }
0xba: {  	[sflag:s29] =	ssyncadd.s32 $0xFFFFFFFF  }
0xbb: {  	_ =	strace $0x90000048  }
0xbc: {  	_ =	sfence  }
0xbd: {  	s30 =	sld [smem:$0x0];
	_ =	sdelay $0x2  }
0xbe: {  	s31 =	sshll.u32 s1, $0xD;
	s1 =	sshrl.u32 s1, $0x2  }
0xbf: {  	s3 =	sand.u32 $0x4000, s31;
	s1 =	sadd.s32 s1, s30  }
0xc0: {  	s0 =	sor.u32 s3, s0;
	s1 =	sshll.u32 s1, $0x11  }
0xc1: {  	s0 =	sor.u32 s1, s0  }
0xc2: {  	s0 =	sadd.s32 $0x8F2B, s0  }
0xc3: {  	[sflag:s0] =	ssyncadd.remote.s32 $0x1  }
0xc4: {  	_ =	sfence.sel $0xFFFF  }
0xc5: {  	[dreg:$0x0] =	wrdreg $0xFFFFFFFF;
	(pc) =	sbr.abs _section_cstart, $3  }
0xc6: {  	[dreg:$0x1] =	wrdreg $0xFFFFFFFF  }
0xc7: {  	_ =	task.clear_ibuf [dreg:s10], $0x2FFFF;
	_ =	strace $0x9FFFFFFF  }
0xc8: {  	(tm) =	ssettm $0x7FFFFFFF  }
0xc9: {  	_ =	shalt  }
tec
execute0_lowered:
.L_overlay_start_1:
0x0: {  	(tag) =	ssettag $0x1  }
0x1: {  	s0 =	rddreg [dreg:$0x0];
	v0 =	vimm.s32 $0xEFCDAB89  }
0x2: {  	s1 =	rddreg [dreg:$0x3];
	v1 =	vimm.s32 $0x67452301;
	v2 =	vimm.s32 $0xDCFE98BA;
	v3 =	vimm.s32 $0x54761032  }
0x3: {  	s3 =	rddreg [dreg:$0x4];
	v4 =	vimm.s32 $0xBA98FEDC;
	v5 =	vimm.s32 $0x32107654;
	v6 =	vimm.s32 $0xFEDCBA98  }
0x4: {  	s2 =	srdreg.scid;
	s5 =	simm.s32 $0x0;
	s6 =	stileid.u32;
	v7 =	vimm.s32 $0x76543210;
	v0 =	vunpack.c.l.s4.s8 v0;
	v1 =	vunpack.c.l.s4.s8 v1  }
0x5: {  	s13 =	simm.s32 $0x5;
	s15 =	simm.s32 $0x9600;
	s18 =	simm.s32 $0x1;
	v2 =	vunpack.c.l.s4.s8 v2;
	v3 =	vunpack.c.l.s4.s8 v3;
	v4 =	vunpack.c.l.s4.s8 v4  }
0x6: {  	s21 =	simm.s32 $0x68;
	s23 =	simm.s32 $0x60;
	s28 =	simm.s32 $0x130;
	v5 =	vunpack.c.l.s4.s8 v5;
	v6 =	vunpack.c.l.s4.s8 v6;
	v0 =	vunpack.c.0.s8.s32 v0  }
0x7: {  	s29 =	simm.s32 $0x10300;
	s30 =	simm.s32 $0x11B00;
	s2 =	sand.u32 $0x1, s2;
	v1 =	vunpack.c.0.s8.s32 v1;
	v2 =	vunpack.c.0.s8.s32 v2;
	v3 =	vunpack.c.0.s8.s32 v3  }
0x8: {  	s31 =	simm.s32 $0x2;
	[smem:$0x7FF] =	sst s5;
	v7 =	vunpack.c.l.s4.s8 v7;
	s4 =	sshll.u32 s2, $0x4;
	v4 =	vunpack.c.0.s8.s32 v4;
	v5 =	vunpack.c.0.s8.s32 v5  }
0x9: {  	s7 =	sadd.s32 $0xF43200, s0;
	s8 =	sadd.s32 $0x1BE00, s0;
	s4 =	sor.u32 s6, s4;
	v0 =	vcombine.low v1, v0;
	v1 =	vunpack.c.0.s8.s32 v6;
	v2 =	vcombine.low v3, v2  }
0xa: {  	s9 =	sadd.s32 $0x19E00, s0;
	s2 =	ssub.s32 $0x2, s2;
	s6 =	smul.u32 $0x6400, s4;
	v3 =	vcombine.low v5, v4  }
.Ltmp0:
0xb: {  	_ =	strace $0x80000047;
	s25 =	sshrl.u32 s2, $0x1;
	v4 =	vunpack.c.0.s8.s32 v7;
	v2 =	vand.u32 $0xF, v2;
	(pc) =	sbr.rel .LBB2_1-.Ltmp0, $4  }
0xc: {  	s2 =	ssub.s32 s2, s25;
	s26 =	sshll.u32 s4, $0x4;
	s4 =	simm.s32 $0x3;
	v0 =	vand.u32 $0xF, v0;
	v5 =	vand.u32 $0xF, v1;
	v3 =	vand.u32 $0xF, v3;
	[tilespmem:$0x1FFE0] =	vst v2  }
0xd: {  	s11 =	sadd.s32 s1, s26;
	s12 =	smax.u32 s2, $0x1;
	s10 =	sshrl.u32 s6, $0x3;
	[tilespmem:$0x1FFF0] =	vst v3;
	v1 =	vmov v0;
	v0 =	vcombine.low v5, v4  }
0xe: {  	s26 =	simm.s32 $0xE900;
	s1 =	simm.s32 $0x4;
	s0 =	sadd.s32 s10, s0;
	[tilespmem:$0x1FFD0] =	vst v1  }
0xf: {  	s2 =	simm.s32 $0x0;
	s10 =	sadd.s32 $0xE00, s0;
	s0 =	simm.s32 $0x14D00;
	[tilespmem:$0x1FFC0] =	vst v0  }
.LBB2_8:
0x10: {  	s2 =	sadd.s32 $0x1, s2  }
0x11: {  	_ =	swait.ge [sflag:s4], $0x3200;
	p0 =	sne.s32 s2, s12  }
.Ltmp1:
0x12: {  	[sflag:s4] =	ssyncset.done $0x0;
	(pc) =	sbr.rel @!p0 .LBB2_9-.Ltmp1, $4  }
0x13: {  	[sflag:s4] =	ssyncadd.s32 $0xFFFFCE00  }
0x14: {  	_ =	swait.ge [sflag:s1], $0x3200  }
0x15: {  	[sflag:s1] =	ssyncset.done $0x0  }
0x16: {  	v1 =	vmovc v5;
	v2 =	vmov v6;
	v3 =	vmov v7;
	v0 =	vmov v8;
	[sflag:s1] =	ssyncadd.s32 $0xFFFFCE00  }
.LBB2_1:
0x17: {  	[tilespmem:s5], [sflag:$0x5] =	stream.linear.gather [hbm4b:s10+s5], $0x6400, $0x38;
	[tilespmem:$0x17F00] =	vst v63  }
0x18: {  	_ =	swait.ge [sflag:s13], $0x6400  }
0x19: {  	[sflag:s13] =	ssyncset.done $0x0  }
0x1a: {  	s14 =	simm.s32 $0x6400;
	[sflag:s13] =	ssyncadd.s32 $0xFFFF9C00  }
0x1b: {  	[tilespmem:s14], [sflag:$0x5] =	stream.linear.gather [hbm4b:s8+s5], $0x3200, $0x38;
	[tilespmem:$0x17F00] =	vst v63  }
0x1c: {  	_ =	swait.ge [sflag:s13], $0x3200  }
0x1d: {  	[sflag:s13] =	ssyncset.done $0x0  }
0x1e: {  	[sflag:s13] =	ssyncadd.s32 $0xFFFFCE00  }
0x1f: {  	[tilespmem:s15], [sflag:$0x5] =	stream.linear.gather [hbm4b:s11+s5], $0x80, $0x38;
	[tilespmem:$0x17F00] =	vst v63  }
0x20: {  	_ =	swait.ge [sflag:s13], $0x80  }
0x21: {  	[sflag:s13] =	ssyncset.done $0x0  }
0x22: {  	s25 =	simm.s32 $0x80;
	s16 =	simm.s32 $0x9680;
	[sflag:s13] =	ssyncadd.s32 $0xFFFFFF80  }
0x23: {  	[tilespmem:s16], [sflag:$0x1] =	stream.indirect.gather [hbm4b:s9+s25], $0x40, s15, s25, $0xb8;
	[tilespmem:$0x17F00] =	vst v63  }
0x24: {  	_ =	swait.ge [sflag:s18], $0x2000  }
0x25: {  	[sflag:s18] =	ssyncset.done $0x0  }
0x26: {  	[sflag:s18] =	ssyncadd.s32 $0xFFFFE000  }
0x27: {  	s17 =	simm.s32 $0xB680;
	s16 =	rddreg [dreg:$0x1]  }
0x28: {  	[tilespmem:s17], [sflag:$0x5] =	stream.linear.gather [hbm4b:s16+s5], $0x40, $0x38;
	[tilespmem:$0x17F00] =	vst v63  }
0x29: {  	_ =	swait.ge [sflag:s13], $0x40  }
0x2a: {  	[sflag:s13] =	ssyncset.done $0x0  }
0x2b: {  	[sflag:s13] =	ssyncadd.s32 $0xFFFFFFC0  }
0x2c: {  	s20 =	simm.s32 $0xB6C0;
	s19 =	rddreg [dreg:$0x2]  }
0x2d: {  	[tilespmem:s20], [sflag:$0x5] =	stream.linear.gather [hbm4b:s19+s5], $0x40, $0x38;
	[tilespmem:$0x17F00] =	vst v63  }
0x2e: {  	_ =	swait.ge [sflag:s13], $0x40  }
0x2f: {  	[sflag:s13] =	ssyncset.done $0x0  }
0x30: {  	[sflag:s13] =	ssyncadd.s32 $0xFFFFFFC0  }
0x31: {  	v9 =	vld [tilespmem:$0xB680]  }
0x32: {  	v10 =	vld [tilespmem:$0xB690]  }
0x33: {  	v11 =	vld [tilespmem:$0xB6A0]  }
0x34: {  	v12 =	vld [tilespmem:$0xB6B0]  }
0x35: {  	v13 =	vld [tilespmem:$0xB6C0]  }
0x36: {  	v14 =	vld [tilespmem:$0xB6D0]  }
0x37: {  	s22 =	simm.s32 $0xB700;
	v48 =	vld [tilespmem:$0xB6E0]  }
0x38: {  	v15 =	vld [tilespmem:$0xB6F0];
	[tilespmem:s22], [sflag:$0x1] =	stream.indirect.gather [hbm4b:s7+s21], $0x40, s5, s21, $0xb8  }
0x39: {  	s24 =	simm.s32 $0xD100  }
0x3a: {  	[tilespmem:s24], [sflag:$0x1] =	stream.indirect.gather [hbm4b:s7+s23], $0x40, s21, s23, $0xb8;
	[tilespmem:$0x17F00] =	vst v63  }
0x3b: {  	s25 =	simm.s32 $0xC8  }
0x3c: {  	[tilespmem:s26], [sflag:$0x2] =	stream.indirect.gather [hbm4b:s7+s21], $0x40, s25, s21, $0xb8;
	[tilespmem:$0x17F00] =	vst v63  }
0x3d: {  	[tilespmem:$0x1FF40] =	vst v13  }
0x3e: {  	[tilespmem:$0x1FF50] =	vst v14  }
0x3f: {  	[tilespmem:$0x1FF60] =	vst v48  }
0x40: {  	[tilespmem:$0x1FF70] =	vst v15  }
0x41: {  	[tilespmem:$0x1FF80] =	vst v9  }
0x42: {  	[tilespmem:$0x1FF90] =	vst v10  }
0x43: {  	[tilespmem:$0x1FFA0] =	vst v11  }
0x44: {  	s14 =	simm.s32 $0x0;
	[tilespmem:$0x1FFB0] =	vst v12  }
0x45: {  	[tilespmem:s29], [sflag:$0x2] =	stream.indirect.gather [hbm4b:s7+s23], $0x40, s28, s23, $0xb8;
	[tilespmem:$0x17F00] =	vst v63  }
.LBB2_2:
0x46: {  	_ =	swait.ge [sflag:s18], $0x1A00  }
0x47: {  	[sflag:s18] =	ssyncset.done $0x0  }
0x48: {  	[sflag:s18] =	ssyncadd.s32 $0xFFFFE600  }
0x49: {  	_ =	swait.ge [sflag:s18], $0x1800  }
0x4a: {  	p0 =	seq.s32 s14, $0x0;
	[sflag:s18] =	ssyncset.done $0x0  }
0x4b: {  	s16 =	simm.s32 @!p0 $0x3;
	[sflag:s18] =	ssyncadd.s32 $0xFFFFE800  }
0x4c: {  	_ =	swait.ge @!p0 [sflag:s16], $0x3200  }
0x4d: {  	s17 =	sshll.u32 s14, $0x7;
	[sflag:s16] =	ssyncset.done @!p0 $0x0  }
0x4e: {  	s24 =	sand.u32 $0x3FFFFF80, s17;
	[sflag:s16] =	ssyncadd.s32 @!p0 $0xFFFFCE00  }
0x4f: {  	v4 =	vld [tilespmem:s24+$0x9680]  }
0x50: {  	v5 =	vld [tilespmem:s24+$0x9690]  }
0x51: {  	v6 =	vld [tilespmem:s24+$0x96A0]  }
0x52: {  	s25 =	simm.s32 $0xB800;
	v7 =	vld [tilespmem:s24+$0x96B0]  }
0x53: {  	s16 =	simm.s32 $0x6500;
	v16 =	vld [tilespmem:s25+$0xC0]  }
0x54: {  	v17 =	vld [tilespmem:s16+$0xC0]  }
0x55: {  	v18 =	vld [tilespmem:s25+$0xD0]  }
0x56: {  	v8 =	vld [tilespmem:s16+$0xFFFFFF00]  }
0x57: {  	v19 =	vld [tilespmem:s16+$0xD0]  }
0x58: {  	v20 =	vld [tilespmem:s25+$0xE0]  }
0x59: {  	v21 =	vld [tilespmem:s16+$0xE0]  }
0x5a: {  	v22 =	vld [tilespmem:s25+$0xF0]  }
0x5b: {  	v23 =	vld [tilespmem:s16+$0xF0];
	[tilespmem:$0x1FE30] =	vst v8  }
0x5c: {  	v16 =	vadd.f32 v17, v16;
	v24 =	vld [tilespmem:s25+$0xFFFFFF10]  }
0x5d: {  	v17 =	vadd.f32 v19, v18;
	v25 =	vld [tilespmem:s16+$0xFFFFFF10]  }
0x5e: {  	v26 =	vld [tilespmem:s25+$0xFFFFFF20];
	v18 =	vadd.f32 v16, v4  }
0x5f: {  	v19 =	vld [tilespmem:s16+$0xFFFFFF20];
	v16 =	vadd.f32 v17, v5  }
0x60: {  	v20 =	vadd.f32 v21, v20;
	v21 =	vadd.f32 v23, v22;
	v22 =	vld [tilespmem:s25+$0xFFFFFF30];
	[tilespmem:$0x1FF10] =	vst v18  }
0x61: {  	[tilespmem:$0x1FF20] =	vst v16  }
0x62: {  	v8 =	vadd.f32 v20, v6;
	v23 =	vld [tilespmem:s16+$0xFFFFFF30]  }
0x63: {  	v44 =	vadd.f32 v21, v7  }
0x64: {  	v21 =	vadd.f32 v16, v18;
	[tilespmem:$0x1FF30] =	vst v8  }
0x65: {  	v27 =	vadd.f32 v44, v8;
	v28 =	vmul.f32 v18, v18;
	v20 =	vadd.f32 v25, v24;
	v24 =	vld [tilespmem:s25+$0xFFFFFF40]  }
0x66: {  	v29 =	vmul.f32 v16, v16;
	v30 =	vmul.f32 v8, v8;
	v25 =	vld [tilespmem:s16+$0xFFFFFF40];
	v19 =	vadd.f32 v19, v26  }
0x67: {  	v31 =	vmul.f32 v44, v44;
	v26 =	vld [tilespmem:s25+$0xFFFFFF50];
	v27 =	vadd.f32 v27, v21;
	v22 =	vadd.f32 v23, v22  }
0x68: {  	v32 =	vld [tilespmem:s16+$0xFFFFFF50];
	v28 =	vadd.f32 v29, v28;
	v16 =	vadd.f32 v19, v6  }
0x69: {  	v33 =	vld [tilespmem:s25+$0xFFFFFF60];
	v29 =	vadd.f32 v31, v30;
	v17 =	vadd.f32 v22, v7  }
0x6a: {  	v30 =	vld [tilespmem:s16+$0xFFFFFF60];
	[tilespmem:$0x1FE80] =	vst v16  }
0x6b: {  	v23 =	vperm.xlane v27, v1;
	v19 =	vadd.f32 v25, v24;
	v25 =	vld [tilespmem:s25+$0xFFFFFF70];
	v24 =	vadd.f32 v29, v28;
	[tilespmem:$0x1FE90] =	vst v17  }
0x6c: {  	v29 =	vmul.f32 v16, v16;
	v16 =	vadd.f32 v17, v16;
	v28 =	vld [tilespmem:s16+$0xFFFFFF70]  }
0x6d: {  	v27 =	vadd.f32 v27, v23;
	v59 =	vperm.xlane v24, v1  }
0x6e: {  	v26 =	vadd.f32 v32, v26;
	v31 =	vld [tilespmem:s25+$0xFFFFFF80];
	[tilespmem:$0x1FE70] =	vst v16;
	v16 =	vadd.f32 v19, v4  }
0x6f: {  	v60 =	vperm.xlane v27, v2;
	v32 =	vadd.f32 v59, v24  }
0x70: {  	v34 =	vmul.f32 v17, v17;
	v17 =	vadd.f32 v26, v5;
	v19 =	vadd.f32 v30, v33;
	v35 =	vld [tilespmem:s16+$0xFFFFFF80];
	[tilespmem:$0x1FEA0] =	vst v16  }
0x71: {  	v33 =	vadd.f32 v27, v60;
	v27 =	vperm.xlane v32, v2;
	v30 =	vld [tilespmem:s25+$0xFFFFFF90];
	v28 =	vadd.f32 v28, v25  }
0x72: {  	v51 =	vadd.f32 v34, v29;
	v36 =	vadd.f32 v17, v16;
	v29 =	vld [tilespmem:s16+$0xFFFFFF90];
	[tilespmem:$0x1FEB0] =	vst v17  }
0x73: {  	v37 =	vmul.f32 v17, v17;
	v32 =	vadd.f32 v27, v32;
	v61 =	vld [tilespmem:s25+$0xFFFFFFA0];
	v17 =	vadd.f32 v28, v7  }
0x74: {  	v18 =	vadd.f32 v19, v6;
	v19 =	vld [tilespmem:s16+$0xFFFFFFA0]  }
0x75: {  	v62 =	vld [tilespmem:s25+$0xFFFFFFB0];
	v63 =	vperm.xlane v32, v3;
	[tilespmem:$0x1FED0] =	vst v17  }
0x76: {  	v50 =	vadd.f32 v20, v5;
	v38 =	vperm.xlane v33, v3;
	v31 =	vadd.f32 v35, v31;
	v39 =	vld [tilespmem:s16+$0xFFFFFFB0]  }
0x77: {  	v26 =	vmul.f32 v16, v16;
	v32 =	vadd.f32 v63, v32;
	v28 =	vadd.f32 v29, v30;
	v30 =	vld [tilespmem:s25+$0xFFFFFFC0];
	[tilespmem:$0x1FEC0] =	vst v18  }
0x78: {  	v40 =	vmul.f32 v18, v18;
	v29 =	vadd.f32 v33, v38;
	v46 =	vadd.f32 v17, v18;
	v47 =	vld [tilespmem:s16+$0xFFFFFFC0]  }
0x79: {  	v16 =	vadd.f32 v31, v4;
	v57 =	vmul.f32 v17, v17;
	v31 =	vld [tilespmem:s25+$0xFFFFFFD0];
	v17 =	vadd.f32 v28, v5  }
0x7a: {  	v8 =	vmovc v0;
	v45 =	vadd.f32 v37, v26;
	v19 =	vadd.f32 v19, v61;
	v49 =	vperm.xlane v29, v0;
	v56 =	vld [tilespmem:s16+$0xFFFFFFD0]  }
0x7b: {  	v59 =	vperm.xlane v32, v0;
	v53 =	vadd.f32 v46, v36;
	v0 =	vadd.f32 v57, v40;
	[tilespmem:$0x1FEF0] =	vst v17  }
0x7c: {  	v18 =	vadd.f32 v19, v6;
	v34 =	vadd.f32 v29, v49;
	v58 =	vld [tilespmem:s25+$0xFFFFFFE0]  }
0x7d: {  	v42 =	vmul.f32 v16, v16;
	v32 =	vadd.f32 v59, v32;
	v43 =	vadd.f32 v17, v16;
	v41 =	vld [tilespmem:s16+$0xFFFFFFE0];
	[tilespmem:$0x1FEE0] =	vst v16  }
0x7e: {  	v35 =	vadd.f32 v39, v62;
	v46 =	vmul.f32 $1.562500000e-02, v34;
	v34 =	vld [tilespmem:s16+$0xFFFFFFF0];
	v39 =	vmul.f32 v17, v17  }
0x7f: {  	v38 =	vadd.f32 v47, v30;
	v47 =	vld [tilespmem:s25+$0xFFFFFFF0];
	v31 =	vadd.f32 v56, v31  }
0x80: {  	v61 =	vmul.f32 $1.562500000e-02, v32;
	v60 =	vld [tilespmem:s25+$0x0];
	[tilespmem:$0x1FF00] =	vst v18;
	v30 =	vadd.f32 v35, v7;
	v26 =	vadd.f32 v39, v42  }
0x81: {  	v62 =	vmul.f32 v46, v46;
	v49 =	vld [tilespmem:s16+$0x0];
	v32 =	vadd.f32 v38, v4;
	v33 =	vadd.f32 v31, v5  }
0x82: {  	v40 =	vld [tilespmem:s16+$0x10];
	v63 =	vadd.f32 v30, v18;
	v37 =	vadd.f32 v41, v58  }
0x83: {  	v54 =	vmul.f32 v18, v18;
	v38 =	vld [tilespmem:s25+$0x10];
	v36 =	vsub.f32 v61, v62;
	v58 =	vadd.f32 v33, v32  }
0x84: {  	v41 =	vmul.f32 v30, v30;
	v55 =	vadd.f32 v63, v43;
	v31 =	vadd.f32 v34, v47  }
0x85: {  	v57 =	vld [tilespmem:s16+$0x20];
	v59 =	vmul.f32 v33, v33;
	v36 =	vadd.f32 $9.999999960e-13, v36;
	v34 =	vadd.f32 v37, v6  }
0x86: {  	v42 =	vld [tilespmem:s16+$0x40];
	v47 =	vmul.f32 v32, v32;
	v54 =	vadd.f32 v41, v54;
	v37 =	vadd.f32 v49, v60  }
0x87: {  	v43 =	vld [tilespmem:s25+$0x20];
	v60 =	vshra.s32 v36, $0x1;
	v61 =	vmul.f32 $5.000000000e-01, v36;
	v35 =	vadd.f32 v31, v7  }
0x88: {  	v49 =	vld [tilespmem:s25+$0x30];
	v62 =	vmul.f32 v34, v34;
	v38 =	vadd.f32 v40, v38;
	v27 =	vperm.xlane v55, v1  }
0x89: {  	v31 =	vld [tilespmem:s16+$0x30];
	v59 =	vadd.f32 v59, v47;
	v26 =	vadd.f32 v54, v26;
	v60 =	vsub.s32 $0x5F3759DF, v60  }
0x8a: {  	v40 =	vld [tilespmem:s25+$0x40];
	v36 =	vadd.f32 v37, v4;
	v63 =	vmul.f32 v60, v61;
	v39 =	vadd.f32 v35, v34  }
0x8b: {  	v41 =	vld [tilespmem:s16+$0x50];
	v19 =	vmul.f32 v35, v35;
	v37 =	vadd.f32 v38, v5;
	v27 =	vadd.f32 v55, v27  }
0x8c: {  	v38 =	vld [tilespmem:s25+$0x50];
	v43 =	vadd.f32 v57, v43;
	v57 =	vmul.f32 v60, v63;
	v58 =	vadd.f32 v39, v58  }
0x8d: {  	v63 =	vmul.f32 v36, v36;
	v18 =	vadd.f32 v37, v36;
	v25 =	vadd.f32 v19, v62  }
0x8e: {  	v17 =	vmul.f32 v37, v37;
	v31 =	vadd.f32 v31, v49;
	v49 =	vld [tilespmem:s25+$0x60];
	v29 =	vadd.f32 v43, v6  }
0x8f: {  	v43 =	vld [tilespmem:s16+$0x60];
	v40 =	vadd.f32 v42, v40;
	v16 =	vsub.f32 $1.500000000e+00, v57  }
0x90: {  	v42 =	vld [tilespmem:s16+$0x70];
	v63 =	vadd.f32 v17, v63;
	v24 =	vperm.xlane v58, v1;
	v25 =	vadd.f32 v25, v59  }
0x91: {  	v59 =	vperm.xlane v26, v1;
	v39 =	vadd.f32 v31, v7;
	v31 =	vld [tilespmem:s25+$0x70];
	v38 =	vadd.f32 v41, v38  }
0x92: {  	v28 =	vadd.f32 v40, v4;
	v41 =	vld [tilespmem:s16+$0x80];
	v16 =	vmul.f32 v60, v16;
	v24 =	vadd.f32 v58, v24  }
0x93: {  	v47 =	vmul.f32 v29, v29;
	v60 =	vld [tilespmem:s25+$0x80];
	v26 =	vadd.f32 v59, v26;
	v62 =	vadd.f32 v39, v29  }
0x94: {  	v17 =	vmul.f32 v39, v39;
	v38 =	vadd.f32 v38, v5;
	v61 =	vmul.f32 v16, v61  }
0x95: {  	v20 =	vld [tilespmem:s25+$0x90];
	v43 =	vadd.f32 v43, v49;
	v58 =	vperm.xlane v24, v2;
	v21 =	vadd.f32 v62, v18  }
0x96: {  	v23 =	vadd.f32 v17, v47;
	v62 =	vld [tilespmem:s25+$0xA0];
	v19 =	vadd.f32 v38, v28;
	v57 =	vmul.f32 v61, v16  }
0x97: {  	v47 =	vmul.f32 v28, v28;
	v18 =	vld [tilespmem:s16+$0xA0];
	v31 =	vadd.f32 v42, v31;
	v42 =	vadd.f32 v43, v6  }
0x98: {  	v17 =	vmul.f32 v38, v38;
	v61 =	vld [tilespmem:s16+$0x90];
	v41 =	vadd.f32 v41, v60;
	v49 =	vsub.f32 $1.500000000e+00, v57  }
0x99: {  	v60 =	vadd.f32 v0, v45;
	v0 =	vld [tilespmem:s16+$0xB0];
	v43 =	vadd.f32 v31, v7  }
0x9a: {  	v24 =	vadd.f32 v24, v58;
	v22 =	vadd.f32 v17, v47;
	v31 =	vld [tilespmem:s25+$0xB0];
	v57 =	vmul.f32 v49, v16  }
0x9b: {  	v23 =	vadd.f32 v23, v63;
	v49 =	vmul.f32 v42, v42;
	v17 =	vmul.f32 v43, v43  }
0x9c: {  	v47 =	vld [tilespmem:s25+$0xFFFFFF00];
	v45 =	vadd.f32 v41, v4;
	v16 =	vadd.f32 v43, v42  }
0x9d: {  	v52 =	vmul.f32 v50, v50;
	v41 =	vadd.f32 v18, v62;
	v17 =	vadd.f32 v17, v49;
	v49 =	vld [tilespmem:$0x1FE30]  }
0x9e: {  	v20 =	vadd.f32 v61, v20;
	v61 =	vsub.f32 v44, v46;
	v44 =	vmul.f32 v57, v12  }
0x9f: {  	v16 =	vadd.f32 v16, v19;
	v19 =	vmul.f32 v45, v45;
	v31 =	vadd.f32 v0, v31  }
0xa0: {  	v40 =	vadd.f32 v41, v6;
	v41 =	vperm.xlane v21, v1;
	v20 =	vadd.f32 v20, v5  }
0xa1: {  	[tilespmem:$0x1FE20] =	vst v5;
	v5 =	vmul.f32 v44, v61;
	v17 =	vadd.f32 v17, v22;
	v0 =	vadd.f32 v31, v7  }
0xa2: {  	v44 =	vmul.f32 v40, v40;
	v21 =	vadd.f32 v21, v41;
	v47 =	vadd.f32 v49, v47  }
0xa3: {  	[tilespmem:$0x1FE40] =	vst v6;
	v6 =	vld [tilespmem:$0x1FE70];
	v62 =	vmul.f32 v20, v20;
	v31 =	vadd.f32 v20, v45;
	v54 =	vmul.f32 v0, v0  }
0xa4: {  	v56 =	vperm.xlane v53, v1;
	v49 =	vadd.f32 v47, v4;
	v47 =	vadd.f32 v0, v40  }
0xa5: {  	[tilespmem:$0x1FE60] =	vst v4;
	v19 =	vadd.f32 v62, v19;
	v44 =	vadd.f32 v54, v44;
	v54 =	vperm.xlane v60, v1  }
0xa6: {  	v4 =	vmovc v50;
	v50 =	vadd.f32 v50, v49;
	v62 =	vmul.f32 v49, v49;
	v31 =	vadd.f32 v47, v31  }
0xa7: {  	v47 =	vperm.xlane v16, v1;
	v19 =	vadd.f32 v44, v19;
	v54 =	vadd.f32 v54, v60  }
0xa8: {  	v41 =	vperm.xlane v23, v1;
	v50 =	vadd.f32 v6, v50;
	v52 =	vadd.f32 v52, v62  }
0xa9: {  	v62 =	vperm.xlane v31, v1;
	v16 =	vadd.f32 v16, v47;
	v47 =	vperm.xlane v17, v1  }
0xaa: {  	v23 =	vadd.f32 v41, v23;
	v44 =	vperm.xlane v19, v1;
	v60 =	vperm.xlane v54, v2  }
0xab: {  	v22 =	vadd.f32 v51, v52;
	v61 =	vperm.xlane v50, v1;
	v52 =	vadd.f32 v53, v56  }
0xac: {  	v53 =	vperm.xlane v25, v1;
	v31 =	vadd.f32 v31, v62;
	v17 =	vadd.f32 v47, v17  }
0xad: {  	v62 =	vperm.xlane v27, v2;
	v19 =	vadd.f32 v44, v19;
	v50 =	vadd.f32 v50, v61  }
0xae: {  	v63 =	vperm.xlane v22, v1;
	v61 =	vperm.xlane v52, v2;
	v25 =	vadd.f32 v53, v25  }
0xaf: {  	v1 =	vperm.xlane v16, v2;
	v27 =	vadd.f32 v27, v62;
	v55 =	vperm.xlane v50, v2  }
0xb0: {  	v22 =	vadd.f32 v63, v22;
	v63 =	vperm.xlane v21, v2;
	v51 =	vadd.f32 v52, v61  }
0xb1: {  	v61 =	vperm.xlane v26, v2;
	v62 =	vperm.xlane v25, v2;
	v16 =	vadd.f32 v16, v1  }
0xb2: {  	v1 =	vperm.xlane v17, v2;
	v52 =	vadd.f32 v60, v54;
	v60 =	vperm.xlane v27, v3  }
0xb3: {  	v47 =	vadd.f32 v50, v55;
	v50 =	vperm.xlane v31, v2;
	v44 =	vperm.xlane v22, v2  }
0xb4: {  	v21 =	vadd.f32 v21, v63;
	v63 =	vperm.xlane v23, v2;
	v2 =	vperm.xlane v19, v2  }
0xb5: {  	v58 =	vperm.xlane v51, v3;
	v26 =	vadd.f32 v61, v26;
	v25 =	vadd.f32 v62, v25  }
0xb6: {  	v61 =	vperm.xlane v24, v3;
	v17 =	vadd.f32 v1, v17;
	v27 =	vadd.f32 v27, v60  }
0xb7: {  	v31 =	vadd.f32 v31, v50;
	v50 =	vperm.xlane v47, v3;
	v22 =	vadd.f32 v44, v22  }
0xb8: {  	v62 =	vperm.xlane v21, v3;
	v23 =	vadd.f32 v63, v23;
	v63 =	vperm.xlane v16, v3  }
0xb9: {  	v19 =	vadd.f32 v2, v19;
	v60 =	vperm.xlane v26, v3;
	v24 =	vadd.f32 v24, v61  }
0xba: {  	v61 =	vperm.xlane v25, v3;
	v1 =	vperm.xlane v31, v3;
	v44 =	vadd.f32 v47, v50  }
0xbb: {  	v2 =	vperm.xlane v22, v3;
	v50 =	vadd.f32 v51, v58;
	v51 =	vperm.xlane v52, v3  }
0xbc: {  	v21 =	vadd.f32 v21, v62;
	v62 =	vperm.xlane v23, v3;
	v16 =	vadd.f32 v16, v63  }
0xbd: {  	v63 =	vperm.xlane v17, v3;
	v26 =	vadd.f32 v60, v26;
	v60 =	vperm.xlane v24, v8  }
0xbe: {  	v25 =	vadd.f32 v61, v25;
	v58 =	vperm.xlane v44, v8;
	v31 =	vadd.f32 v31, v1  }
0xbf: {  	v1 =	vperm.xlane v19, v3;
	v22 =	vadd.f32 v2, v22;
	v2 =	vperm.xlane v50, v8  }
0xc0: {  	v51 =	vadd.f32 v51, v52;
	v3 =	vperm.xlane v27, v8;
	v61 =	vperm.xlane v21, v8  }
0xc1: {  	v23 =	vadd.f32 v62, v23;
	v62 =	vperm.xlane v16, v8;
	v17 =	vadd.f32 v63, v17  }
0xc2: {  	v24 =	vadd.f32 v24, v60;
	v59 =	vperm.xlane v25, v8;
	v63 =	vperm.xlane v31, v8  }
0xc3: {  	v44 =	vadd.f32 v44, v58;
	v58 =	vperm.xlane v22, v8;
	v19 =	vadd.f32 v1, v19  }
0xc4: {  	v41 =	vadd.f32 v50, v2;
	v47 =	vperm.xlane v51, v8;
	v27 =	vadd.f32 v27, v3  }
0xc5: {  	v50 =	vperm.xlane v26, v8;
	v21 =	vadd.f32 v21, v61;
	v1 =	vperm.xlane v23, v8  }
0xc6: {  	v16 =	vadd.f32 v16, v62;
	v2 =	vperm.xlane v17, v8;
	v53 =	vmul.f32 $1.562500000e-02, v24  }
0xc7: {  	v31 =	vadd.f32 v31, v63;
	v3 =	vperm.xlane v19, v8;
	v44 =	vmul.f32 $1.562500000e-02, v44  }
0xc8: {  	v22 =	vadd.f32 v58, v22;
	v41 =	vmul.f32 $1.562500000e-02, v41;
	v47 =	vadd.f32 v47, v51  }
0xc9: {  	v54 =	vmul.f32 $1.562500000e-02, v27;
	v26 =	vadd.f32 v50, v26;
	v52 =	vmul.f32 $1.562500000e-02, v21  }
0xca: {  	v21 =	vadd.f32 v59, v25;
	v51 =	vmul.f32 $1.562500000e-02, v16;
	v16 =	vmul.f32 $1.562500000e-02, v22  }
0xcb: {  	v22 =	vadd.f32 v1, v23;
	v50 =	vmul.f32 $1.562500000e-02, v31;
	v23 =	vmul.f32 v44, v44  }
0xcc: {  	v17 =	vadd.f32 v2, v17;
	v24 =	vmul.f32 $1.562500000e-02, v47;
	v25 =	vmul.f32 v41, v41  }
0xcd: {  	v26 =	vmul.f32 $1.562500000e-02, v26;
	v27 =	vmul.f32 v54, v54  }
0xce: {  	v19 =	vadd.f32 v3, v19;
	v21 =	vmul.f32 $1.562500000e-02, v21;
	v17 =	vmul.f32 $1.562500000e-02, v17  }
0xcf: {  	v16 =	vsub.f32 v16, v23;
	v23 =	vmul.f32 v53, v53;
	v24 =	vsub.f32 v24, v25  }
0xd0: {  	v22 =	vmul.f32 $1.562500000e-02, v22;
	v25 =	vsub.f32 v26, v27;
	v26 =	vmul.f32 v52, v52  }
0xd1: {  	v19 =	vmul.f32 $1.562500000e-02, v19;
	v21 =	vsub.f32 v21, v23;
	v23 =	vmul.f32 v51, v51  }
0xd2: {  	v16 =	vadd.f32 $9.999999960e-13, v16;
	v22 =	vsub.f32 v22, v26;
	v26 =	vmul.f32 v50, v50  }
0xd3: {  	v24 =	vadd.f32 $9.999999960e-13, v24;
	v25 =	vadd.f32 $9.999999960e-13, v25  }
0xd4: {  	v17 =	vsub.f32 v17, v23;
	v23 =	vshra.s32 v16, $0x1;
	v19 =	vsub.f32 v19, v26  }
0xd5: {  	v16 =	vmul.f32 $5.000000000e-01, v16;
	v21 =	vadd.f32 $9.999999960e-13, v21;
	v22 =	vadd.f32 $9.999999960e-13, v22  }
0xd6: {  	v26 =	vshra.s32 v24, $0x1;
	v24 =	vmul.f32 $5.000000000e-01, v24;
	v27 =	vshra.s32 v25, $0x1  }
0xd7: {  	v25 =	vmul.f32 $5.000000000e-01, v25;
	v23 =	vsub.s32 $0x5F3759DF, v23;
	v26 =	vsub.s32 $0x5F3759DF, v26  }
0xd8: {  	v27 =	vsub.s32 $0x5F3759DF, v27;
	v17 =	vadd.f32 $9.999999960e-13, v17;
	v31 =	vshra.s32 v21, $0x1  }
0xd9: {  	v21 =	vmul.f32 $5.000000000e-01, v21;
	v62 =	vshra.s32 v22, $0x1;
	v22 =	vmul.f32 $5.000000000e-01, v22  }
0xda: {  	v19 =	vadd.f32 $9.999999960e-13, v19;
	v2 =	vmul.f32 v23, v16;
	v63 =	vmul.f32 v26, v24  }
0xdb: {  	v60 =	vmul.f32 v27, v25;
	v31 =	vsub.s32 $0x5F3759DF, v31;
	v1 =	vshra.s32 v17, $0x1  }
0xdc: {  	v17 =	vmul.f32 $5.000000000e-01, v17;
	v3 =	vshra.s32 v19, $0x1;
	v19 =	vmul.f32 $5.000000000e-01, v19  }
0xdd: {  	v47 =	vsub.s32 $0x5F3759DF, v62;
	v56 =	vmul.f32 v23, v2;
	v59 =	vmul.f32 v26, v63  }
0xde: {  	v61 =	vmul.f32 v31, v21;
	v60 =	vmul.f32 v27, v60;
	v55 =	vsub.s32 $0x5F3759DF, v1  }
0xdf: {  	v1 =	vmul.f32 v47, v22;
	v58 =	vsub.s32 $0x5F3759DF, v3;
	v56 =	vsub.f32 $1.500000000e+00, v56  }
0xe0: {  	v59 =	vsub.f32 $1.500000000e+00, v59;
	v2 =	vmul.f32 v55, v17;
	v3 =	vmul.f32 v58, v19  }
0xe1: {  	v61 =	vmul.f32 v31, v61;
	v62 =	vmul.f32 v47, v1  }
0xe2: {  	v60 =	vsub.f32 $1.500000000e+00, v60;
	v23 =	vmul.f32 v23, v56;
	v26 =	vmul.f32 v26, v59  }
0xe3: {  	v56 =	vmul.f32 v55, v2;
	v59 =	vmul.f32 v58, v3;
	v61 =	vsub.f32 $1.500000000e+00, v61  }
0xe4: {  	v27 =	vmul.f32 v27, v60;
	v16 =	vmul.f32 v23, v16  }
0xe5: {  	v56 =	vsub.f32 $1.500000000e+00, v56;
	v59 =	vsub.f32 $1.500000000e+00, v59;
	v31 =	vmul.f32 v31, v61  }
0xe6: {  	v60 =	vld [tilespmem:$0x1FEA0];
	v24 =	vmul.f32 v26, v24;
	v25 =	vmul.f32 v27, v25  }
0xe7: {  	v62 =	vsub.f32 $1.500000000e+00, v62;
	v55 =	vmul.f32 v55, v56;
	v56 =	vmul.f32 v58, v59;
	v58 =	vld [tilespmem:$0x1FE80]  }
0xe8: {  	v16 =	vmul.f32 v16, v23;
	v59 =	vld [tilespmem:$0x1FE90];
	v21 =	vmul.f32 v31, v21  }
0xe9: {  	v49 =	vsub.f32 v49, v44;
	v61 =	vld [tilespmem:$0x1FEB0];
	v47 =	vmul.f32 v47, v62;
	v24 =	vmul.f32 v24, v26  }
0xea: {  	v62 =	vld [tilespmem:$0x1FEC0];
	v25 =	vmul.f32 v25, v27;
	v16 =	vsub.f32 $1.500000000e+00, v16;
	v21 =	vmul.f32 v21, v31  }
0xeb: {  	v22 =	vmul.f32 v47, v22;
	v17 =	vmul.f32 v55, v17;
	v24 =	vsub.f32 $1.500000000e+00, v24  }
0xec: {  	v16 =	vmul.f32 v16, v23;
	v23 =	vsub.f32 v4, v44;
	v21 =	vsub.f32 $1.500000000e+00, v21  }
0xed: {  	v22 =	vmul.f32 v22, v47;
	v58 =	vsub.f32 v58, v44;
	v44 =	vsub.f32 v59, v44  }
0xee: {  	v63 =	vld [tilespmem:$0x1FED0];
	v19 =	vmul.f32 v56, v19;
	v59 =	vsub.f32 v60, v41;
	v60 =	vsub.f32 v61, v41  }
0xef: {  	v61 =	vsub.f32 v62, v41;
	v22 =	vsub.f32 $1.500000000e+00, v22;
	v62 =	vld [tilespmem:$0x1FEF0]  }
0xf0: {  	v25 =	vsub.f32 $1.500000000e+00, v25;
	v17 =	vmul.f32 v17, v55;
	v19 =	vmul.f32 v19, v56  }
0xf1: {  	v33 =	vsub.f32 v33, v53;
	v21 =	vmul.f32 v21, v31;
	v31 =	vmul.f32 v22, v47;
	v47 =	vld [tilespmem:$0x1FEE0]  }
0xf2: {  	v24 =	vmul.f32 v24, v26;
	v25 =	vmul.f32 v25, v27;
	v19 =	vsub.f32 $1.500000000e+00, v19  }
0xf3: {  	v41 =	vsub.f32 v63, v41;
	v17 =	vsub.f32 $1.500000000e+00, v17;
	v26 =	vmul.f32 v16, v9  }
0xf4: {  	v63 =	vmul.f32 v16, v10;
	v19 =	vmul.f32 v19, v56;
	v27 =	vsub.f32 v62, v54;
	v62 =	vld [tilespmem:$0x1FF00]  }
0xf5: {  	v34 =	vsub.f32 v34, v53;
	v56 =	vmul.f32 v26, v49;
	v26 =	vmul.f32 v16, v11  }
0xf6: {  	v17 =	vmul.f32 v17, v55;
	v22 =	vsub.f32 v47, v54;
	v47 =	vmul.f32 v63, v23  }
0xf7: {  	v23 =	vsub.f32 v32, v53;
	v32 =	vmul.f32 v26, v58;
	v26 =	vmul.f32 v24, v9  }
0xf8: {  	v30 =	vsub.f32 v30, v54;
	v16 =	vmul.f32 v16, v12;
	v63 =	vmul.f32 v24, v10  }
0xf9: {  	v55 =	vsub.f32 v62, v54;
	v54 =	vmul.f32 v26, v59;
	v26 =	vmul.f32 v24, v11  }
0xfa: {  	v35 =	vsub.f32 v35, v53;
	v53 =	vmul.f32 v63, v60;
	v24 =	vmul.f32 v24, v12  }
0xfb: {  	v58 =	vmul.f32 v26, v61;
	v26 =	vmul.f32 v25, v9  }
0xfc: {  	v1 =	vsub.f32 v36, v52;
	v60 =	vmul.f32 v24, v41;
	v24 =	vmul.f32 v25, v10  }
0xfd: {  	v2 =	vsub.f32 v37, v52;
	v62 =	vmul.f32 v26, v22;
	v22 =	vmul.f32 v25, v11  }
0xfe: {  	v3 =	vsub.f32 v29, v52;
	v63 =	vmul.f32 v24, v27;
	v24 =	vmul.f32 v25, v12  }
0xff: {  	v52 =	vsub.f32 v39, v52;
	v49 =	vmul.f32 v22, v55;
	v22 =	vmul.f32 v21, v9  }
0x100: {  	v18 =	vmul.f32 v16, v44;
	v16 =	vsub.f32 v28, v51;
	v41 =	vmul.f32 v24, v30  }
0x101: {  	v28 =	vsub.f32 v42, v51;
	v24 =	vmul.f32 v21, v10;
	v37 =	vmul.f32 v22, v23  }
0x102: {  	v26 =	vsub.f32 v40, v50;
	v23 =	vmul.f32 v21, v11;
	v21 =	vmul.f32 v21, v12  }
0x103: {  	v36 =	vmul.f32 v24, v33;
	v24 =	vsub.f32 v20, v50;
	v20 =	vmul.f32 v31, v11  }
0x104: {  	v30 =	vadd.f32 v5, v15;
	v39 =	vmul.f32 v21, v35;
	v21 =	vmul.f32 v31, v10  }
0x105: {  	v22 =	vsub.f32 v43, v51;
	v27 =	vmul.f32 v23, v34;
	v23 =	vmul.f32 v31, v9  }
0x106: {  	s17 =	simm.s32 $0x11C00;
	[tilespmem:$0x1FE50] =	vst v7;
	v40 =	vmul.f32 v21, v2;
	v21 =	vmul.f32 v31, v12;
	v31 =	vadd.f32 v56, v13  }
0x107: {  	[tilespmem:s17+$0xF0] =	vst v30;
	v30 =	vmul.f32 v17, v9;
	v42 =	vmul.f32 v20, v3;
	v20 =	vadd.f32 v47, v14  }
0x108: {  	v33 =	vmul.f32 v17, v12;
	[tilespmem:s17+$0xFFFFFF00] =	vst v31;
	v43 =	vmul.f32 v21, v52;
	v31 =	vadd.f32 v32, v48  }
0x109: {  	[tilespmem:s17+$0xFFFFFF10] =	vst v20;
	v21 =	vmul.f32 v17, v10;
	v52 =	vmul.f32 v17, v11;
	v17 =	vadd.f32 v18, v15  }
0x10a: {  	v18 =	vadd.f32 v54, v13;
	[tilespmem:s17+$0xFFFFFF20] =	vst v31  }
0x10b: {  	v44 =	vmul.f32 v30, v16;
	v16 =	vadd.f32 v53, v14;
	v56 =	vld [tilespmem:$0x1FF10];
	[tilespmem:s17+$0xFFFFFF30] =	vst v17  }
0x10c: {  	[tilespmem:s17+$0xFFFFFF40] =	vst v18  }
0x10d: {  	[tilespmem:s17+$0xFFFFFF50] =	vst v16  }
0x10e: {  	v6 =	vmul.f32 v57, v9;
	v25 =	vsub.f32 v45, v50;
	v59 =	vld [tilespmem:$0x1FF20]  }
0x10f: {  	v55 =	vsub.f32 v38, v51;
	v34 =	vmul.f32 v19, v9;
	v17 =	vadd.f32 v58, v48;
	v61 =	vld [tilespmem:$0x1FF30]  }
0x110: {  	v30 =	vmul.f32 v19, v10;
	v35 =	vmul.f32 v19, v11;
	v16 =	vadd.f32 v60, v15  }
0x111: {  	v29 =	vmul.f32 v23, v1;
	v23 =	vsub.f32 v0, v50;
	v32 =	vmul.f32 v19, v12;
	[tilespmem:s17+$0xFFFFFF60] =	vst v17  }
0x112: {  	v45 =	vmul.f32 v21, v55;
	[tilespmem:s17+$0xFFFFFF70] =	vst v16;
	v17 =	vadd.f32 v62, v13;
	v16 =	vadd.f32 v63, v14  }
0x113: {  	s19 =	sshll.u32 s14, $0x1;
	v21 =	vmul.f32 v57, v11;
	v20 =	vsub.f32 v56, v46;
	v18 =	vsub.f32 v59, v46  }
0x114: {  	s22 =	simm.s32 $0x0;
	s20 =	simm.s32 $0x11C00;
	s24 =	simm.s32 $0xBA00;
	v19 =	vsub.f32 v61, v46;
	v46 =	vmul.f32 v52, v28;
	v28 =	vmul.f32 v57, v10  }
.LBB2_3:
0x115: {  	v31 =	vld [tilespmem:s24+$0xC0]  }
0x116: {  	v24 =	vmul.f32 v30, v24;
	v30 =	vld [tilespmem:s24+$0xD0]  }
0x117: {  	v0 =	vmul.f32 v28, v18;
	v18 =	vld [tilespmem:s24+$0xE0]  }
0x118: {  	v56 =	vld [tilespmem:s24+$0xF0]  }
0x119: {  	v38 =	vld [tilespmem:s24+$0xFFFFFF10]  }
0x11a: {  	v60 =	vld [tilespmem:s24+$0xFFFFFF20]  }
0x11b: {  	v7 =	vld [tilespmem:$0x1FE20]  }
0x11c: {  	v10 =	vld [tilespmem:$0x1FE40]  }
0x11d: {  	v3 =	vld [tilespmem:$0x1FFE0]  }
0x11e: {  	s16 =	sadd.s32 $0x200, s16;
	v5 =	vld [tilespmem:$0x1FFF0]  }
0x11f: {  	v51 =	vld [tilespmem:s16+$0xC0]  }
0x120: {  	v55 =	vmul.f32 v21, v19;
	v19 =	vadd.f32 v27, v48;
	v27 =	vld [tilespmem:s16+$0xE0]  }
0x121: {  	v52 =	vadd.f32 v37, v13;
	[tilespmem:s17+$0xFFFFFF80] =	vst v17;
	v58 =	vld [tilespmem:s16+$0xF0]  }
0x122: {  	v17 =	vadd.f32 v49, v48;
	[tilespmem:s17+$0xFFFFFF90] =	vst v16;
	v16 =	vadd.f32 v41, v15;
	v63 =	vld [tilespmem:s16+$0xFFFFFF40]  }
0x123: {  	v22 =	vmul.f32 v33, v22;
	v54 =	vadd.f32 v36, v14;
	v21 =	vadd.f32 v39, v15;
	v47 =	vld [tilespmem:s16+$0xFFFFFF70];
	[tilespmem:$0x1FDD0] =	vst v0  }
0x124: {  	v28 =	vadd.f32 v29, v13;
	v29 =	vadd.f32 v40, v14;
	[tilespmem:s17+$0xFFFFFFE0] =	vst v19;
	v53 =	vmul.f32 v6, v20;
	v20 =	vld [tilespmem:s16+$0xD0]  }
0x125: {  	v25 =	vmul.f32 v34, v25;
	v57 =	vadd.f32 v43, v15;
	v19 =	vadd.f32 v42, v48;
	v0 =	vld [tilespmem:$0x1FFD0];
	[tilespmem:s17+$0xFFFFFFA0] =	vst v17  }
0x126: {  	v59 =	vadd.f32 v45, v14;
	v22 =	vadd.f32 v22, v15;
	[tilespmem:s17+$0x10] =	vst v29;
	v29 =	vld [tilespmem:s16+$0xFFFFFF10]  }
0x127: {  	v26 =	vmul.f32 v35, v26;
	v25 =	vadd.f32 v25, v13;
	[tilespmem:s17+$0x20] =	vst v19;
	v19 =	vadd.f32 v51, v31;
	v31 =	vld [tilespmem:s16+$0xFFFFFF20]  }
0x128: {  	v23 =	vmul.f32 v32, v23;
	v24 =	vadd.f32 v24, v14;
	[tilespmem:s17+$0xFFFFFFB0] =	vst v16;
	v27 =	vadd.f32 v27, v18;
	v18 =	vld [tilespmem:$0x1FE50]  }
0x129: {  	[tilespmem:s17+$0xFFFFFFF0] =	vst v21;
	v21 =	vadd.f32 v44, v13;
	v30 =	vadd.f32 v20, v30;
	v20 =	vld [tilespmem:$0x1FE60]  }
0x12a: {  	v26 =	vadd.f32 v26, v48;
	v23 =	vadd.f32 v23, v15;
	[tilespmem:s17+$0x0] =	vst v28;
	v17 =	vld [tilespmem:$0x1FFC0]  }
0x12b: {  	v28 =	vadd.f32 v46, v48;
	[tilespmem:s17+$0x40] =	vst v21;
	v21 =	vld [tilespmem:s24+$0xFFFFFF30];
	v61 =	vadd.f32 v58, v56  }
0x12c: {  	[tilespmem:s17+$0x70] =	vst v22;
	v1 =	vadd.f32 v27, v10;
	v62 =	vadd.f32 v30, v7;
	v30 =	vld [tilespmem:s16+$0xFFFFFF30]  }
0x12d: {  	[tilespmem:s17+$0x90] =	vst v24;
	v24 =	vld [tilespmem:s16+$0xFFFFFF50];
	v27 =	vadd.f32 v29, v38;
	v46 =	vadd.f32 v61, v18  }
0x12e: {  	[tilespmem:s17+$0x80] =	vst v25;
	v40 =	vmul.f32 v1, v1;
	v25 =	vadd.f32 v31, v60;
	v31 =	vld [tilespmem:s24+$0xFFFFFF50];
	v2 =	vadd.f32 v19, v20  }
0x12f: {  	[tilespmem:s17+$0xA0] =	vst v26;
	v26 =	vld [tilespmem:s24+$0xFFFFFF60];
	v38 =	vadd.f32 v27, v7;
	v22 =	vadd.f32 v46, v1;
	v41 =	vmul.f32 v46, v46  }
0x130: {  	[tilespmem:s17+$0x60] =	vst v28;
	v28 =	vld [tilespmem:s24+$0xFFFFFF40];
	v11 =	vmul.f32 v62, v62;
	v29 =	vadd.f32 v62, v2;
	v9 =	vmul.f32 v2, v2  }
0x131: {  	v56 =	vld [tilespmem:s16+$0xFFFFFF80];
	v42 =	vadd.f32 v41, v40;
	v21 =	vadd.f32 v30, v21  }
0x132: {  	[tilespmem:$0x1FDF0] =	vst v55;
	v30 =	vld [tilespmem:s16+$0xFFFFFF60];
	v27 =	vadd.f32 v22, v29;
	v29 =	vadd.f32 v11, v9  }
0x133: {  	[tilespmem:s17+$0x30] =	vst v57;
	v43 =	vadd.f32 v25, v10;
	v24 =	vadd.f32 v24, v31;
	v31 =	vld [tilespmem:s24+$0xFFFFFF80]  }
0x134: {  	[tilespmem:s17+$0xFFFFFFC0] =	vst v52;
	v4 =	vld [tilespmem:s16+$0x30];
	v45 =	vadd.f32 v21, v18;
	v29 =	vadd.f32 v42, v29;
	v44 =	vperm.xlane v27, v0  }
0x135: {  	[tilespmem:s17+$0xFFFFFFD0] =	vst v54;
	v32 =	vadd.f32 v53, v13;
	v25 =	vadd.f32 v63, v28;
	v28 =	vld [tilespmem:s24+$0xFFFFFF70];
	v21 =	vmul.f32 v43, v43  }
0x136: {  	[tilespmem:$0x1FD50] =	vst v43;
	v51 =	vadd.f32 v45, v43;
	v43 =	vld [tilespmem:s24+$0x30];
	v33 =	vadd.f32 v27, v44;
	v27 =	vperm.xlane v29, v0  }
0x137: {  	[tilespmem:s17+$0x50] =	vst v59;
	v59 =	vld [tilespmem:s16+$0xFFFFFF90];
	v25 =	vadd.f32 v25, v20;
	v55 =	vmul.f32 v45, v45;
	v26 =	vadd.f32 v30, v26  }
0x138: {  	v49 =	vld [tilespmem:s24+$0xFFFFFFC0];
	v31 =	vadd.f32 v56, v31;
	v57 =	vperm.xlane v33, v3;
	v58 =	vadd.f32 v27, v29  }
0x139: {  	[tilespmem:$0x1FDA0] =	vst v62;
	v62 =	vld [tilespmem:s16+$0xFFFFFFA0];
	v52 =	vadd.f32 v55, v21;
	v21 =	vmul.f32 v25, v25;
	v27 =	vadd.f32 v24, v7  }
0x13a: {  	[tilespmem:s17+$0xC0] =	vst v32;
	v30 =	vld [tilespmem:s24+$0xFFFFFF90];
	v24 =	vadd.f32 v47, v28;
	v32 =	vadd.f32 v33, v57;
	v60 =	vperm.xlane v58, v3  }
0x13b: {  	v28 =	vld [tilespmem:s24+$0xFFFFFFA0];
	v29 =	vadd.f32 v26, v10;
	v4 =	vadd.f32 v4, v43;
	v26 =	vmul.f32 v27, v27  }
0x13c: {  	v63 =	vld [tilespmem:s24+$0xFFFFFFB0];
	v61 =	vadd.f32 v27, v25;
	v9 =	vperm.xlane v32, v5;
	v33 =	vadd.f32 v60, v58  }
0x13d: {  	v11 =	vadd.f32 v24, v18;
	v47 =	vadd.f32 v26, v21;
	v21 =	vld [tilespmem:s16+$0xFFFFFFB0]  }
0x13e: {  	v24 =	vadd.f32 v31, v20;
	v31 =	vld [tilespmem:s16+$0xFFFFFFC0];
	v32 =	vadd.f32 v32, v9;
	v54 =	vperm.xlane v33, v5  }
0x13f: {  	v30 =	vadd.f32 v59, v30;
	v57 =	vld [tilespmem:s24+$0xFFFFFFD0];
	v55 =	vadd.f32 v11, v29  }
0x140: {  	v59 =	vld [tilespmem:s16+$0xFFFFFFD0];
	v39 =	vadd.f32 v62, v28;
	v58 =	vperm.xlane v32, v17;
	v33 =	vadd.f32 v54, v33  }
0x141: {  	v41 =	vld [tilespmem:s24+$0xFFFFFFE0];
	v56 =	vmul.f32 v11, v11;
	v28 =	vadd.f32 v30, v7;
	v53 =	vadd.f32 v55, v61  }
0x142: {  	[tilespmem:$0x1FD70] =	vst v11;
	v11 =	vld [tilespmem:s16+$0xFFFFFFF0];
	v36 =	vadd.f32 v21, v63;
	v21 =	vadd.f32 v32, v58;
	v60 =	vperm.xlane v33, v17  }
0x143: {  	v48 =	vmul.f32 v29, v29;
	v62 =	vld [tilespmem:s16+$0xFFFFFFE0];
	v30 =	vadd.f32 v39, v10;
	v61 =	vadd.f32 v28, v24  }
0x144: {  	[tilespmem:$0x1FDB0] =	vst v1;
	v9 =	vld [tilespmem:s24+$0xFFFFFFF0];
	v31 =	vadd.f32 v31, v49;
	v1 =	vmul.f32 $1.562500000e-02, v21;
	v33 =	vadd.f32 v60, v33  }
0x145: {  	v49 =	vadd.f32 v56, v48;
	v34 =	vadd.f32 v59, v57  }
0x146: {  	v48 =	vld [tilespmem:s24+$0x0];
	v32 =	vadd.f32 v36, v18;
	v63 =	vmul.f32 $1.562500000e-02, v33;
	v55 =	vmul.f32 v1, v1  }
0x147: {  	v40 =	vmul.f32 v24, v24;
	v58 =	vld [tilespmem:s16+$0x0];
	v36 =	vadd.f32 v34, v7;
	v33 =	vadd.f32 v31, v20  }
0x148: {  	[tilespmem:$0x1FD80] =	vst v2;
	v44 =	vmul.f32 v28, v28;
	v31 =	vadd.f32 v62, v41;
	v41 =	vld [tilespmem:s24+$0x10];
	v2 =	vsub.f32 v63, v55  }
0x149: {  	v42 =	vmul.f32 v30, v30;
	v9 =	vadd.f32 v11, v9;
	v56 =	vadd.f32 v32, v30;
	v55 =	vld [tilespmem:s16+$0x10]  }
0x14a: {  	v59 =	vld [tilespmem:s24+$0x20];
	v22 =	vadd.f32 v44, v40;
	v57 =	vmul.f32 v32, v32;
	v11 =	vadd.f32 $9.999999960e-13, v2  }
0x14b: {  	v60 =	vmul.f32 v36, v36;
	v34 =	vadd.f32 v9, v18;
	v56 =	vadd.f32 v56, v61;
	v61 =	vld [tilespmem:s16+$0x20]  }
0x14c: {  	v16 =	vld [tilespmem:s16+$0xFFFFFF00];
	v48 =	vadd.f32 v58, v48;
	v2 =	vshra.s32 v11, $0x1;
	v62 =	vmul.f32 $5.000000000e-01, v11  }
0x14d: {  	[tilespmem:s17+$0xB0] =	vst v23;
	v6 =	vld [tilespmem:s16+$0x40];
	v21 =	vadd.f32 v57, v42;
	v31 =	vadd.f32 v31, v10;
	v58 =	vsub.s32 $0x5F3759DF, v2  }
0x14e: {  	[tilespmem:$0x1FD60] =	vst v45;
	v45 =	vadd.f32 v36, v33;
	v9 =	vadd.f32 v55, v41;
	v55 =	vld [tilespmem:s24+$0x40];
	v11 =	vmul.f32 v58, v62  }
0x14f: {  	v12 =	vld [tilespmem:s16+$0x80];
	v44 =	vmul.f32 v34, v34;
	v35 =	vadd.f32 v48, v20;
	v48 =	vadd.f32 v34, v31  }
0x150: {  	v8 =	vld [tilespmem:s16+$0x50];
	v39 =	vmul.f32 v33, v33;
	v59 =	vadd.f32 v61, v59;
	v41 =	vmul.f32 v58, v11  }
0x151: {  	v63 =	vmul.f32 v31, v31;
	v57 =	vadd.f32 v48, v45;
	v2 =	vld [tilespmem:s24+$0x50];
	v37 =	vadd.f32 v9, v7  }
0x152: {  	v45 =	vmul.f32 v35, v35;
	v40 =	vadd.f32 v59, v10;
	v9 =	vld [tilespmem:s24+$0x60];
	v48 =	vsub.f32 $1.500000000e+00, v41  }
0x153: {  	v11 =	vld [tilespmem:s16+$0x60];
	v43 =	vmul.f32 v37, v37;
	v41 =	vadd.f32 v4, v18;
	v4 =	vadd.f32 v6, v55  }
0x154: {  	v15 =	vld [tilespmem:s24+$0xA0];
	v59 =	vadd.f32 v37, v35;
	v55 =	vmul.f32 v58, v48;
	v58 =	vadd.f32 v60, v39  }
0x155: {  	v6 =	vld [tilespmem:s24+$0x70];
	v60 =	vadd.f32 v44, v63;
	v42 =	vadd.f32 v4, v20  }
0x156: {  	v39 =	vmul.f32 v40, v40;
	v44 =	vld [tilespmem:s16+$0x70];
	v4 =	vadd.f32 v8, v2;
	v63 =	vadd.f32 v43, v45  }
0x157: {  	v8 =	vld [tilespmem:s24+$0x80];
	v48 =	vmul.f32 v41, v41;
	v2 =	vmul.f32 v55, v62;
	v62 =	vadd.f32 v41, v40  }
0x158: {  	v13 =	vld [tilespmem:s16+$0x90];
	v50 =	vmul.f32 v38, v38;
	v43 =	vadd.f32 v4, v7;
	v4 =	vadd.f32 v11, v9  }
0x159: {  	v9 =	vld [tilespmem:s24+$0x90];
	v61 =	vadd.f32 v48, v39;
	v48 =	vmul.f32 v42, v42;
	v58 =	vadd.f32 v60, v58  }
0x15a: {  	v19 =	vld [tilespmem:$0x1FFB0];
	v2 =	vmul.f32 v2, v55;
	v59 =	vadd.f32 v62, v59;
	v26 =	vadd.f32 v4, v10  }
0x15b: {  	v14 =	vmul.f32 v43, v43;
	v45 =	vadd.f32 v43, v42;
	v62 =	vld [tilespmem:s24+$0xFFFFFF00];
	v6 =	vadd.f32 v44, v6  }
0x15c: {  	v54 =	vperm.xlane v53, v0;
	v8 =	vadd.f32 v12, v8;
	v12 =	vld [tilespmem:s24+$0xB0];
	v11 =	vsub.f32 $1.500000000e+00, v2  }
0x15d: {  	v44 =	vperm.xlane v57, v0;
	v2 =	vld [tilespmem:s16+$0xA0];
	v14 =	vadd.f32 v14, v48;
	v6 =	vadd.f32 v6, v18  }
0x15e: {  	v9 =	vadd.f32 v13, v9;
	v13 =	vsub.f32 v46, v1;
	v39 =	vmul.f32 v11, v55;
	v55 =	vld [tilespmem:s16+$0xB0]  }
0x15f: {  	v44 =	vadd.f32 v57, v44;
	v11 =	vadd.f32 v49, v47;
	v49 =	vmul.f32 v26, v26  }
0x160: {  	[tilespmem:$0x1FD90] =	vst v1;
	v47 =	vadd.f32 v8, v20;
	v48 =	vadd.f32 v6, v26;
	v1 =	vmul.f32 v6, v6  }
0x161: {  	v8 =	vadd.f32 v9, v7;
	v16 =	vadd.f32 v16, v62;
	v46 =	vmul.f32 v39, v19  }
0x162: {  	v60 =	vperm.xlane v11, v0;
	v4 =	vadd.f32 v2, v15;
	v1 =	vadd.f32 v1, v49  }
0x163: {  	v9 =	vmul.f32 v46, v13;
	v13 =	vadd.f32 v48, v45;
	v12 =	vadd.f32 v55, v12;
	v55 =	vld [tilespmem:$0x1FF70]  }
0x164: {  	v23 =	vperm.xlane v56, v0;
	v2 =	vadd.f32 v21, v22;
	v11 =	vadd.f32 v60, v11  }
0x165: {  	v4 =	vadd.f32 v4, v10;
	v48 =	vperm.xlane v13, v0;
	v49 =	vadd.f32 v12, v18  }
0x166: {  	v15 =	vmul.f32 v47, v47;
	v1 =	vadd.f32 v1, v14;
	v12 =	vadd.f32 v8, v47  }
0x167: {  	v45 =	vmul.f32 v8, v8;
	v13 =	vadd.f32 v13, v48;
	v7 =	vadd.f32 v49, v4  }
0x168: {  	v46 =	vperm.xlane v59, v0;
	v9 =	vadd.f32 v9, v55;
	v55 =	vadd.f32 v16, v20  }
0x169: {  	s17 =	sadd.s32 $0x200, s17;
	v48 =	vperm.xlane v1, v0;
	v16 =	vmul.f32 v49, v49;
	v7 =	vadd.f32 v7, v12  }
0x16a: {  	[tilespmem:s17+$0xF0] =	vst v9;
	v9 =	vadd.f32 v45, v15;
	v15 =	vmul.f32 v4, v4;
	v45 =	vadd.f32 v38, v55  }
0x16b: {  	v46 =	vadd.f32 v59, v46;
	v1 =	vadd.f32 v48, v1;
	v10 =	vmul.f32 v55, v55  }
0x16c: {  	v14 =	vperm.xlane v7, v0;
	v12 =	vadd.f32 v16, v15;
	v15 =	vadd.f32 v51, v45  }
0x16d: {  	v57 =	vperm.xlane v46, v3;
	v16 =	vadd.f32 v50, v10;
	v50 =	vadd.f32 v61, v63  }
0x16e: {  	v45 =	vperm.xlane v2, v0;
	v10 =	vadd.f32 v56, v23;
	v7 =	vadd.f32 v7, v14  }
0x16f: {  	v16 =	vadd.f32 v52, v16;
	v51 =	vperm.xlane v15, v0;
	v9 =	vadd.f32 v12, v9  }
0x170: {  	v18 =	vld [tilespmem:$0x1FF80];
	v12 =	vadd.f32 v53, v54;
	v52 =	vperm.xlane v58, v0;
	v53 =	vperm.xlane v50, v0  }
0x171: {  	v46 =	vadd.f32 v46, v57;
	v56 =	vperm.xlane v10, v3;
	v60 =	vperm.xlane v7, v3  }
0x172: {  	v15 =	vadd.f32 v15, v51;
	v63 =	vperm.xlane v16, v0;
	v14 =	vperm.xlane v9, v0  }
0x173: {  	v62 =	vperm.xlane v12, v3;
	v0 =	vadd.f32 v45, v2;
	v52 =	vadd.f32 v52, v58  }
0x174: {  	v50 =	vadd.f32 v53, v50;
	v53 =	vperm.xlane v13, v3;
	v10 =	vadd.f32 v10, v56  }
0x175: {  	v58 =	vmul.f32 v39, v18;
	v7 =	vadd.f32 v7, v60;
	v61 =	vperm.xlane v15, v3  }
0x176: {  	v16 =	vadd.f32 v63, v16;
	v63 =	vperm.xlane v44, v3;
	v9 =	vadd.f32 v14, v9  }
0x177: {  	v12 =	vadd.f32 v12, v62;
	v62 =	vperm.xlane v0, v3;
	v56 =	vperm.xlane v50, v3  }
0x178: {  	v13 =	vadd.f32 v13, v53;
	v53 =	vperm.xlane v1, v3;
	v15 =	vadd.f32 v15, v61  }
0x179: {  	v14 =	vperm.xlane v16, v3;
	v61 =	vperm.xlane v11, v3;
	v44 =	vadd.f32 v44, v63  }
0x17a: {  	v63 =	vperm.xlane v52, v3;
	v60 =	vperm.xlane v12, v5;
	v0 =	vadd.f32 v62, v0  }
0x17b: {  	v50 =	vadd.f32 v56, v50;
	v56 =	vperm.xlane v13, v5;
	v1 =	vadd.f32 v53, v1  }
0x17c: {  	v48 =	vperm.xlane v15, v5;
	v14 =	vadd.f32 v14, v16;
	v16 =	vperm.xlane v9, v3  }
0x17d: {  	v11 =	vadd.f32 v61, v11;
	v61 =	vperm.xlane v10, v5;
	v62 =	vperm.xlane v44, v5  }
0x17e: {  	v45 =	vadd.f32 v63, v52;
	v63 =	vperm.xlane v46, v5;
	v3 =	vperm.xlane v7, v5  }
0x17f: {  	v12 =	vadd.f32 v12, v60;
	v13 =	vadd.f32 v13, v56;
	v2 =	vperm.xlane v1, v5  }
0x180: {  	v9 =	vadd.f32 v16, v9;
	v15 =	vadd.f32 v15, v48;
	v16 =	vperm.xlane v14, v5  }
0x181: {  	v60 =	vperm.xlane v11, v5;
	v10 =	vadd.f32 v10, v61;
	v61 =	vperm.xlane v0, v5  }
0x182: {  	v44 =	vadd.f32 v44, v62;
	v62 =	vperm.xlane v45, v5;
	v46 =	vadd.f32 v46, v63  }
0x183: {  	v63 =	vperm.xlane v50, v5;
	v7 =	vadd.f32 v7, v3;
	v1 =	vadd.f32 v2, v1  }
0x184: {  	v57 =	vperm.xlane v15, v17;
	v53 =	vperm.xlane v9, v5;
	v14 =	vadd.f32 v16, v14  }
0x185: {  	v16 =	vperm.xlane v12, v17;
	v11 =	vadd.f32 v60, v11;
	v60 =	vperm.xlane v10, v17  }
0x186: {  	v5 =	vadd.f32 v61, v0;
	v61 =	vperm.xlane v44, v17;
	v45 =	vadd.f32 v62, v45  }
0x187: {  	v62 =	vperm.xlane v46, v17;
	v50 =	vadd.f32 v63, v50;
	v63 =	vperm.xlane v13, v17  }
0x188: {  	v0 =	vperm.xlane v7, v17;
	v15 =	vadd.f32 v15, v57;
	v2 =	vperm.xlane v14, v17  }
0x189: {  	v9 =	vadd.f32 v53, v9;
	v12 =	vadd.f32 v12, v16;
	v16 =	vperm.xlane v11, v17  }
0x18a: {  	v10 =	vadd.f32 v10, v60;
	v3 =	vperm.xlane v5, v17;
	v44 =	vadd.f32 v44, v61  }
0x18b: {  	v60 =	vperm.xlane v45, v17;
	v46 =	vadd.f32 v46, v62;
	v61 =	vperm.xlane v50, v17  }
0x18c: {  	v13 =	vadd.f32 v13, v63;
	v62 =	vperm.xlane v1, v17;
	v7 =	vadd.f32 v7, v0  }
0x18d: {  	v63 =	vperm.xlane v9, v17;
	v15 =	vmul.f32 $1.562500000e-02, v15;
	v14 =	vadd.f32 v2, v14  }
0x18e: {  	v12 =	vmul.f32 $1.562500000e-02, v12;
	v11 =	vadd.f32 v16, v11;
	v59 =	vmul.f32 $1.562500000e-02, v10  }
0x18f: {  	v5 =	vadd.f32 v3, v5;
	v56 =	vmul.f32 $1.562500000e-02, v44;
	v48 =	vadd.f32 v60, v45  }
0x190: {  	v54 =	vmul.f32 $1.562500000e-02, v46;
	v16 =	vadd.f32 v61, v50;
	v53 =	vmul.f32 $1.562500000e-02, v13  }
0x191: {  	v1 =	vadd.f32 v62, v1;
	v52 =	vmul.f32 $1.562500000e-02, v7;
	v13 =	vmul.f32 $1.562500000e-02, v14  }
0x192: {  	v7 =	vadd.f32 v63, v9;
	v51 =	vmul.f32 v15, v15;
	v11 =	vmul.f32 $1.562500000e-02, v11  }
0x193: {  	v55 =	vsub.f32 v55, v15;
	v14 =	vmul.f32 v12, v12;
	v5 =	vmul.f32 $1.562500000e-02, v5  }
0x194: {  	v57 =	vsub.f32 v38, v15;
	v10 =	vmul.f32 $1.562500000e-02, v48;
	v16 =	vmul.f32 $1.562500000e-02, v16  }
0x195: {  	[tilespmem:$0x1FE10] =	vst v58;
	v58 =	vsub.f32 v25, v12;
	v9 =	vsub.f32 v13, v51;
	v13 =	vmul.f32 v59, v59  }
0x196: {  	v29 =	vsub.f32 v29, v12;
	v11 =	vsub.f32 v11, v14;
	v14 =	vmul.f32 v56, v56  }
0x197: {  	v1 =	vmul.f32 $1.562500000e-02, v1;
	v36 =	vsub.f32 v36, v56;
	v5 =	vsub.f32 v5, v13  }
0x198: {  	v13 =	vmul.f32 v54, v54;
	v10 =	vsub.f32 v10, v14;
	v14 =	vmul.f32 v53, v53  }
0x199: {  	v7 =	vmul.f32 $1.562500000e-02, v7;
	v9 =	vadd.f32 $9.999999960e-13, v9;
	v11 =	vadd.f32 $9.999999960e-13, v11  }
0x19a: {  	v13 =	vsub.f32 v16, v13;
	v16 =	vmul.f32 v52, v52;
	v1 =	vsub.f32 v1, v14  }
0x19b: {  	v14 =	vshra.s32 v9, $0x1;
	v5 =	vadd.f32 $9.999999960e-13, v5;
	v9 =	vmul.f32 $5.000000000e-01, v9  }
0x19c: {  	v10 =	vadd.f32 $9.999999960e-13, v10;
	v14 =	vsub.s32 $0x5F3759DF, v14;
	v7 =	vsub.f32 v7, v16  }
0x19d: {  	v13 =	vadd.f32 $9.999999960e-13, v13;
	v16 =	vshra.s32 v11, $0x1;
	v1 =	vadd.f32 $9.999999960e-13, v1  }
0x19e: {  	v11 =	vmul.f32 $5.000000000e-01, v11;
	v60 =	vshra.s32 v5, $0x1;
	v5 =	vmul.f32 $5.000000000e-01, v5  }
0x19f: {  	[tilespmem:$0x1FDC0] =	vst v55;
	v61 =	vshra.s32 v10, $0x1;
	v10 =	vmul.f32 $5.000000000e-01, v10;
	v55 =	vmul.f32 v14, v9  }
0x1a0: {  	v16 =	vsub.s32 $0x5F3759DF, v16;
	v44 =	vsub.s32 $0x5F3759DF, v60;
	v45 =	vsub.s32 $0x5F3759DF, v61  }
0x1a1: {  	v7 =	vadd.f32 $9.999999960e-13, v7;
	v62 =	vshra.s32 v13, $0x1;
	v13 =	vmul.f32 $5.000000000e-01, v13  }
0x1a2: {  	v61 =	vld [tilespmem:$0x1FD50];
	v63 =	vshra.s32 v1, $0x1;
	v1 =	vmul.f32 $5.000000000e-01, v1;
	v22 =	vmul.f32 v16, v11  }
0x1a3: {  	v23 =	vmul.f32 v45, v10;
	v60 =	vmul.f32 v14, v55;
	v55 =	vsub.f32 v27, v12  }
0x1a4: {  	v51 =	vld [tilespmem:$0x1FD70];
	v27 =	vsub.f32 v28, v59;
	v46 =	vsub.s32 $0x5F3759DF, v62;
	v48 =	vsub.s32 $0x5F3759DF, v63  }
0x1a5: {  	v63 =	vld [tilespmem:$0x1FD60];
	v38 =	vshra.s32 v7, $0x1;
	v7 =	vmul.f32 $5.000000000e-01, v7;
	v25 =	vmul.f32 v46, v13  }
0x1a6: {  	v3 =	vmul.f32 v48, v1;
	v22 =	vmul.f32 v16, v22;
	v60 =	vsub.f32 $1.500000000e+00, v60  }
0x1a7: {  	[tilespmem:$0x1FDE0] =	vst v57;
	v23 =	vmul.f32 v45, v23;
	v62 =	vsub.s32 $0x5F3759DF, v38;
	v57 =	vsub.f32 v61, v15  }
0x1a8: {  	v38 =	vmul.f32 v62, v7;
	v25 =	vmul.f32 v46, v25;
	v22 =	vsub.f32 $1.500000000e+00, v22  }
0x1a9: {  	v61 =	vmul.f32 v48, v3;
	v14 =	vmul.f32 v14, v60;
	v23 =	vsub.f32 $1.500000000e+00, v23  }
0x1aa: {  	v60 =	vsub.f32 v51, v12;
	v0 =	vsub.f32 v63, v15;
	v15 =	vmul.f32 v44, v5  }
0x1ab: {  	v3 =	vsub.f32 v43, v53;
	v63 =	vmul.f32 v62, v38;
	v16 =	vmul.f32 v16, v22  }
0x1ac: {  	v22 =	vsub.f32 $1.500000000e+00, v25;
	v25 =	vsub.f32 $1.500000000e+00, v61;
	v23 =	vmul.f32 v45, v23  }
0x1ad: {  	v9 =	vmul.f32 v14, v9;
	v61 =	vsub.f32 v24, v59;
	v45 =	vsub.f32 v30, v59  }
0x1ae: {  	v38 =	vsub.f32 v26, v53;
	v15 =	vmul.f32 v44, v15;
	v12 =	vmul.f32 v46, v22  }
0x1af: {  	v50 =	vsub.f32 $1.500000000e+00, v63;
	v22 =	vmul.f32 v48, v25;
	v11 =	vmul.f32 v16, v11  }
0x1b0: {  	v26 =	vsub.f32 v4, v52;
	v10 =	vmul.f32 v23, v10;
	v9 =	vmul.f32 v9, v14  }
0x1b1: {  	v15 =	vsub.f32 $1.500000000e+00, v15;
	v24 =	vmul.f32 v62, v50;
	v13 =	vmul.f32 v12, v13  }
0x1b2: {  	v46 =	vsub.f32 v32, v59;
	v1 =	vmul.f32 v22, v1;
	v11 =	vmul.f32 v11, v16  }
0x1b3: {  	v10 =	vmul.f32 v10, v23;
	v9 =	vsub.f32 $1.500000000e+00, v9;
	v15 =	vmul.f32 v44, v15  }
0x1b4: {  	v48 =	vsub.f32 v33, v56;
	v7 =	vmul.f32 v24, v7;
	v13 =	vmul.f32 v13, v12  }
0x1b5: {  	v28 =	vld [tilespmem:$0x1FF90];
	v1 =	vmul.f32 v1, v22;
	v11 =	vsub.f32 $1.500000000e+00, v11;
	v9 =	vmul.f32 v9, v14  }
0x1b6: {  	[tilespmem:$0x1FE00] =	vst v0;
	v0 =	vld [tilespmem:$0x1FFA0];
	v10 =	vsub.f32 $1.500000000e+00, v10;
	v5 =	vmul.f32 v15, v5;
	v7 =	vmul.f32 v7, v24  }
0x1b7: {  	v13 =	vsub.f32 $1.500000000e+00, v13;
	v11 =	vmul.f32 v11, v16;
	v1 =	vsub.f32 $1.500000000e+00, v1  }
0x1b8: {  	v59 =	vsub.f32 v37, v54;
	v10 =	vmul.f32 v10, v23;
	v5 =	vmul.f32 v5, v15  }
0x1b9: {  	v25 =	vsub.f32 v47, v52;
	v12 =	vmul.f32 v13, v12;
	v1 =	vmul.f32 v1, v22  }
0x1ba: {  	v62 =	vsub.f32 v40, v54;
	v13 =	vmul.f32 v9, v18;
	v37 =	vmul.f32 v11, v18  }
0x1bb: {  	v14 =	vsub.f32 v42, v53;
	v40 =	vmul.f32 v11, v28;
	v63 =	vmul.f32 v11, v0  }
0x1bc: {  	v7 =	vsub.f32 $1.500000000e+00, v7;
	v11 =	vmul.f32 v11, v19;
	v43 =	vmul.f32 v10, v18  }
0x1bd: {  	v23 =	vsub.f32 v49, v52;
	v17 =	vmul.f32 v10, v28;
	v50 =	vmul.f32 v10, v0  }
0x1be: {  	v22 =	vsub.f32 v6, v53;
	v6 =	vmul.f32 v10, v19;
	v7 =	vmul.f32 v7, v24  }
0x1bf: {  	v21 =	vld [tilespmem:$0x1FD90];
	v5 =	vsub.f32 $1.500000000e+00, v5;
	v10 =	vmul.f32 v12, v18;
	v47 =	vmul.f32 v12, v28  }
0x1c0: {  	v53 =	vmul.f32 v12, v0;
	v24 =	vsub.f32 v8, v52;
	v8 =	vmul.f32 v12, v19;
	v52 =	vld [tilespmem:$0x1FD80]  }
0x1c1: {  	v32 =	vld [tilespmem:$0x1FDA0];
	v44 =	vsub.f32 v34, v56;
	v12 =	vmul.f32 v1, v18;
	v33 =	vmul.f32 v1, v19  }
0x1c2: {  	v49 =	vld [tilespmem:$0x1FDB0];
	v5 =	vmul.f32 v5, v15;
	v15 =	vsub.f32 v31, v56;
	v31 =	vmul.f32 v9, v28  }
0x1c3: {  	v16 =	vsub.f32 v35, v54;
	v56 =	vmul.f32 v9, v0;
	v9 =	vmul.f32 v9, v19  }
0x1c4: {  	v54 =	vsub.f32 v41, v54;
	v34 =	vmul.f32 v7, v18;
	v30 =	vmul.f32 v7, v28  }
0x1c5: {  	v35 =	vmul.f32 v7, v0;
	v41 =	vmul.f32 v5, v18;
	v20 =	vsub.f32 v52, v21;
	v52 =	vld [tilespmem:$0x1FDC0]  }
0x1c6: {  	v42 =	vmul.f32 v5, v28;
	v18 =	vsub.f32 v32, v21;
	v32 =	vmul.f32 v7, v19;
	v7 =	vld [tilespmem:$0x1FF50]  }
0x1c7: {  	v2 =	vmul.f32 v5, v0;
	v5 =	vmul.f32 v5, v19;
	v19 =	vsub.f32 v49, v21;
	v49 =	vld [tilespmem:$0x1FDD0];
	_ =	sdelay $0x1  }
0x1c8: {  	v4 =	vmul.f32 v1, v28  }
0x1c9: {  	v51 =	vmul.f32 v1, v0;
	v1 =	vmul.f32 v13, v52;
	v52 =	vld [tilespmem:$0x1FDE0];
	_ =	sdelay $0x1  }
0x1ca: {  	v7 =	vadd.f32 v49, v7;
	_ =	sdelay $0x1  }
0x1cb: {  	[tilespmem:s20+$0xD0] =	vst v7;
	v7 =	vld [tilespmem:$0x1FF50]  }
0x1cc: {  	v13 =	vmul.f32 v31, v52;
	v31 =	vmul.f32 v56, v57;
	v56 =	vld [tilespmem:$0x1FF60]  }
0x1cd: {  	v57 =	vld [tilespmem:$0x1FDF0]  }
0x1ce: {  	v21 =	vmul.f32 v39, v0;
	v0 =	vld [tilespmem:$0x1FF40]  }
0x1cf: {  	v37 =	vmul.f32 v37, v58;
	v58 =	vld [tilespmem:$0x1FF50]  }
0x1d0: {  	v7 =	vadd.f32 v13, v7;
	v13 =	vmul.f32 v40, v55;
	v55 =	vld [tilespmem:$0x1FF60]  }
0x1d1: {  	v52 =	vld [tilespmem:$0x1FE00]  }
0x1d2: {  	v28 =	vmul.f32 v39, v28;
	v39 =	vadd.f32 v57, v56;
	v57 =	vld [tilespmem:$0x1FF40]  }
0x1d3: {  	v1 =	vadd.f32 v1, v0  }
0x1d4: {  	[tilespmem:s17+$0xFFFFFF10] =	vst v7;
	v7 =	vld [tilespmem:$0x1FF70]  }
0x1d5: {  	v11 =	vmul.f32 v11, v60;
	v60 =	vld [tilespmem:$0x1FF50];
	v49 =	vmul.f32 v2, v45;
	[tilespmem:s17+$0xFFFFFF00] =	vst v1;
	v1 =	vadd.f32 v31, v55  }
0x1d6: {  	v2 =	vadd.f32 v13, v58;
	v56 =	vmul.f32 v42, v27;
	v27 =	vmul.f32 v50, v15;
	v15 =	vld [tilespmem:$0x1FF70]  }
0x1d7: {  	v9 =	vmul.f32 v9, v52;
	[tilespmem:s17+$0xFFFFFF20] =	vst v1;
	v1 =	vadd.f32 v37, v57;
	v37 =	vmul.f32 v43, v48;
	v48 =	vld [tilespmem:$0x1FF60]  }
0x1d8: {  	s22 =	sadd.s32 $0x8, s22;
	v29 =	vmul.f32 v63, v29;
	v13 =	vld [tilespmem:$0x1FF40]  }
0x1d9: {  	p1 =	slt.u32 s22, $0xC0;
	v36 =	vmul.f32 v17, v36;
	v45 =	vmul.f32 v4, v3;
	[tilespmem:s17+$0xFFFFFF50] =	vst v2;
	v7 =	vadd.f32 v9, v7  }
.Ltmp2:
0x1da: {  	v40 =	vmul.f32 v47, v59;
	v42 =	vmul.f32 v53, v62;
	[tilespmem:s20+$0xE0] =	vst v39;
	(pc) =	sbr.rel @p1 .LBB2_3-.Ltmp2, $4  }
0x1db: {  	v31 =	vmul.f32 v41, v61;
	v41 =	vmul.f32 v5, v46;
	v63 =	vadd.f32 v11, v15;
	[tilespmem:s17+$0xFFFFFF30] =	vst v7  }
0x1dc: {  	v39 =	vmul.f32 v6, v44;
	v44 =	vmul.f32 v12, v14;
	[tilespmem:s17+$0xFFFFFF40] =	vst v1;
	v61 =	vadd.f32 v29, v48  }
0x1dd: {  	v14 =	vmov v60;
	v46 =	vmul.f32 v51, v38;
	v17 =	vadd.f32 v31, v13;
	[tilespmem:s17+$0xFFFFFF70] =	vst v63  }
0x1de: {  	s24 =	sadd.s32 $0x200, s24;
	s20 =	smov.u32 s17;
	v6 =	vld [tilespmem:$0x1FE10];
	v43 =	vmul.f32 v8, v54;
	v29 =	vmul.f32 v10, v16;
	v16 =	vadd.f32 v56, v60;
	[tilespmem:s17+$0xFFFFFF60] =	vst v61  }
0x1df: {  	[tilespmem:s17+$0xFFFFFF80] =	vst v17;
	v0 =	vadd.f32 v49, v48  }
0x1e0: {  	v1 =	vadd.f32 v41, v15;
	[tilespmem:s17+$0xFFFFFF90] =	vst v16  }
0x1e1: {  	v11 =	vadd.f32 v37, v13;
	[tilespmem:s17+$0xFFFFFFA0] =	vst v0  }
0x1e2: {  	v37 =	vadd.f32 v36, v14;
	[tilespmem:s17+$0xFFFFFFB0] =	vst v1  }
0x1e3: {  	v38 =	vadd.f32 v27, v48;
	[tilespmem:s17+$0xFFFFFFC0] =	vst v11  }
0x1e4: {  	v2 =	vadd.f32 v39, v15;
	[tilespmem:s17+$0xFFFFFFD0] =	vst v37  }
0x1e5: {  	v41 =	vadd.f32 v40, v14;
	[tilespmem:s17+$0xFFFFFFE0] =	vst v38  }
0x1e6: {  	v42 =	vadd.f32 v42, v48;
	[tilespmem:s17+$0xFFFFFFF0] =	vst v2  }
0x1e7: {  	v44 =	vadd.f32 v44, v13;
	[tilespmem:s17+$0x10] =	vst v41  }
0x1e8: {  	v3 =	vadd.f32 v45, v14;
	[tilespmem:s17+$0x20] =	vst v42  }
0x1e9: {  	v4 =	vadd.f32 v46, v48;
	[tilespmem:s17+$0x40] =	vst v44  }
0x1ea: {  	v47 =	vmul.f32 v33, v22;
	v39 =	vadd.f32 v29, v13;
	[tilespmem:s17+$0x50] =	vst v3  }
0x1eb: {  	v49 =	vmul.f32 v34, v25;
	v43 =	vadd.f32 v43, v15;
	[tilespmem:s17+$0x60] =	vst v4  }
0x1ec: {  	v50 =	vmul.f32 v30, v24;
	v2 =	vadd.f32 v47, v15;
	[tilespmem:s17+$0x0] =	vst v39  }
0x1ed: {  	v51 =	vmul.f32 v35, v26;
	v1 =	vadd.f32 v49, v13;
	[tilespmem:s17+$0x30] =	vst v43  }
0x1ee: {  	v52 =	vmul.f32 v32, v23;
	v0 =	vadd.f32 v50, v14;
	[tilespmem:s17+$0x70] =	vst v2  }
0x1ef: {  	v3 =	vadd.f32 v51, v48;
	v53 =	vmul.f32 v6, v20;
	[tilespmem:s17+$0x80] =	vst v1  }
0x1f0: {  	v54 =	vmul.f32 v28, v18;
	v4 =	vadd.f32 v52, v15;
	[tilespmem:s17+$0x90] =	vst v0  }
0x1f1: {  	v55 =	vmul.f32 v21, v19;
	s16 =	smul.u32 $0x190, s14;
	[tilespmem:s17+$0xA0] =	vst v3;
	v2 =	vadd.f32 v53, v13  }
0x1f2: {  	[tilespmem:s17+$0xB0] =	vst v4;
	v1 =	vadd.f32 v54, v14  }
0x1f3: {  	s24 =	sadd.s32 s6, s16;
	v0 =	vadd.f32 v55, v48;
	[tilespmem:s17+$0xC0] =	vst v2  }
0x1f4: {  	s17 =	sshll.u32 s24, $0x3;
	[tilespmem:s20+$0xD0] =	vst v1  }
0x1f5: {  	p1 =	seq.s32 s14, $0x3F;
	[tilespmem:s20+$0xE0] =	vst v0;
	s17 =	sadd.s32 s3, s17  }
0x1f6: {  	[hbm4b:s17+s5] =	stream.linear.scatter [tilespmem:s30], [sflag:$0x3], $0x3200, $0x38;
	[tilespmem:$0x17F00] =	vst v63  }
0x1f7: {  	s22 =	simm.s32 @!p1 $0xB700;
	s20 =	simm.s32 @!p1 $0x68;
	s17 =	sadd.s32 @!p1 $0x190, s16  }
0x1f8: {  	[tilespmem:s22], [sflag:$0x1] =	stream.indirect.gather @!p1 [hbm4b:s7+s20], $0x40, s17, s20, $0xb8;
	[tilespmem:$0x17F00] =	vst v63  }
0x1f9: {  	s17 =	sadd.s32 @!p1 $0x1F8, s16;
	s20 =	simm.s32 @!p1 $0x60;
	s22 =	simm.s32 @!p1 $0xD100  }
0x1fa: {  	[tilespmem:s22], [sflag:$0x1] =	stream.indirect.gather @!p1 [hbm4b:s7+s20], $0x40, s17, s20, $0xb8;
	[tilespmem:$0x17F00] =	vst v63  }
0x1fb: {  	_ =	swait.ge [sflag:s31], $0x1A00  }
0x1fc: {  	[sflag:s31] =	ssyncset.done $0x0  }
0x1fd: {  	[sflag:s31] =	ssyncadd.s32 $0xFFFFE600  }
0x1fe: {  	_ =	swait.ge [sflag:s31], $0x1800  }
0x1ff: {  	[sflag:s31] =	ssyncset.done $0x0  }
0x200: {  	s20 =	simm.s32 @!p0 $0x4;
	[sflag:s31] =	ssyncadd.s32 $0xFFFFE800  }
0x201: {  	s17 =	sor.u32 $0x1, s19;
	_ =	swait.ge @!p0 [sflag:s20], $0x3200  }
0x202: {  	s19 =	sshll.u32 s17, $0x6;
	[sflag:s20] =	ssyncset.done @!p0 $0x0  }
0x203: {  	s19 =	sand.u32 $0x3FFFFFC0, s19;
	[sflag:s20] =	ssyncadd.s32 @!p0 $0xFFFFCE00  }
0x204: {  	v22 =	vld [tilespmem:s19+$0x9680]  }
0x205: {  	v38 =	vld [tilespmem:s19+$0x9690]  }
0x206: {  	v20 =	vld [tilespmem:s19+$0x96A0]  }
0x207: {  	s25 =	simm.s32 $0xEA00;
	v21 =	vld [tilespmem:s19+$0x96B0]  }
0x208: {  	v56 =	vld [tilespmem:s25+$0xC0]  }
0x209: {  	v58 =	vld [tilespmem:s25+$0xD0]  }
0x20a: {  	v60 =	vld [tilespmem:s25+$0xE0]  }
0x20b: {  	s19 =	simm.s32 $0x6500;
	v61 =	vld [tilespmem:s25+$0xF0]  }
0x20c: {  	v8 =	vld [tilespmem:s19+$0xFFFFFF00]  }
0x20d: {  	v57 =	vld [tilespmem:s19+$0xC0]  }
0x20e: {  	v59 =	vld [tilespmem:s19+$0xD0]  }
0x20f: {  	v5 =	vld [tilespmem:s19+$0xE0]  }
0x210: {  	v7 =	vld [tilespmem:s19+$0xF0]  }
0x211: {  	[tilespmem:$0x1FCA0] =	vst v8  }
0x212: {  	v0 =	vadd.f32 v57, v56;
	v8 =	vld [tilespmem:s25+$0xFFFFFF10]  }
0x213: {  	v62 =	vadd.f32 v59, v58;
	v9 =	vld [tilespmem:s19+$0xFFFFFF10]  }
0x214: {  	v32 =	vadd.f32 v5, v60;
	v10 =	vld [tilespmem:s25+$0xFFFFFF20];
	v16 =	vadd.f32 v0, v22  }
0x215: {  	v33 =	vadd.f32 v7, v61;
	v63 =	vld [tilespmem:s19+$0xFFFFFF20];
	v11 =	vadd.f32 v62, v38  }
0x216: {  	v34 =	vld [tilespmem:s25+$0xFFFFFF30];
	v12 =	vadd.f32 v32, v20;
	[tilespmem:$0x1FD20] =	vst v16  }
0x217: {  	v1 =	vld [tilespmem:$0x1FFD0];
	v44 =	vadd.f32 v33, v21;
	[tilespmem:$0x1FD30] =	vst v11  }
0x218: {  	v42 =	vmul.f32 v16, v16;
	v43 =	vmul.f32 v11, v11;
	v35 =	vld [tilespmem:s19+$0xFFFFFF30];
	[tilespmem:$0x1FD40] =	vst v12  }
0x219: {  	v41 =	vadd.f32 v44, v12;
	v46 =	vmul.f32 v12, v12;
	v19 =	vmul.f32 v44, v44;
	v37 =	vld [tilespmem:s25+$0xFFFFFF40]  }
0x21a: {  	v36 =	vadd.f32 v9, v8;
	v2 =	vadd.f32 v63, v10;
	v45 =	vld [tilespmem:s25+$0xFFFFFF50]  }
0x21b: {  	v12 =	vld [tilespmem:s19+$0xFFFFFF50];
	v8 =	vadd.f32 v43, v42;
	v52 =	vadd.f32 v19, v46  }
0x21c: {  	v40 =	vld [tilespmem:s19+$0xFFFFFF40]  }
0x21d: {  	v47 =	vld [tilespmem:s25+$0xFFFFFF60];
	v54 =	vadd.f32 v2, v20;
	v8 =	vadd.f32 v52, v8  }
0x21e: {  	v53 =	vld [tilespmem:s19+$0xFFFFFF60];
	v0 =	vadd.f32 v35, v34  }
0x21f: {  	v39 =	vadd.f32 v11, v16;
	v10 =	vld [tilespmem:$0x1FFE0];
	[tilespmem:$0x1FCE0] =	vst v54;
	v60 =	vperm.xlane v8, v1  }
0x220: {  	v56 =	vld [tilespmem:s25+$0xFFFFFF70];
	v12 =	vadd.f32 v12, v45;
	v17 =	vadd.f32 v0, v21  }
0x221: {  	v55 =	vadd.f32 v40, v37;
	v6 =	vadd.f32 v60, v8;
	v8 =	vld [tilespmem:$0x1FFC0]  }
0x222: {  	v24 =	vadd.f32 v12, v38;
	v12 =	vld [tilespmem:$0x1FFF0];
	[tilespmem:$0x1FCF0] =	vst v17  }
0x223: {  	v4 =	vadd.f32 v41, v39;
	v23 =	vadd.f32 v55, v22;
	v58 =	vld [tilespmem:s19+$0xFFFFFF70]  }
0x224: {  	v16 =	vld [tilespmem:s25+$0xFFFFFF80]  }
0x225: {  	v57 =	vperm.xlane v4, v1;
	v19 =	vld [tilespmem:s19+$0xFFFFFF80];
	[tilespmem:$0x1FD00] =	vst v23  }
0x226: {  	v63 =	vld [tilespmem:s25+$0xFFFFFF90]  }
0x227: {  	v18 =	vadd.f32 v36, v38;
	v4 =	vadd.f32 v4, v57;
	v33 =	vld [tilespmem:s19+$0xFFFFFF90]  }
0x228: {  	v59 =	vmul.f32 v54, v54;
	v62 =	vadd.f32 v53, v47;
	v34 =	vld [tilespmem:s25+$0xFFFFFFA0]  }
0x229: {  	v52 =	vmul.f32 v18, v18;
	v32 =	vperm.xlane v4, v10;
	v36 =	vld [tilespmem:s19+$0xFFFFFFA0]  }
0x22a: {  	v25 =	vadd.f32 v62, v20;
	v50 =	vadd.f32 v17, v54;
	v61 =	vmul.f32 v17, v17;
	v41 =	vld [tilespmem:s25+$0xFFFFFFC0]  }
0x22b: {  	v4 =	vadd.f32 v4, v32;
	v35 =	vperm.xlane v6, v10;
	v17 =	vmul.f32 v23, v23;
	v30 =	vld [tilespmem:s19+$0xFFFFFFC0]  }
0x22c: {  	v37 =	vadd.f32 v24, v23;
	v39 =	vmul.f32 v24, v24;
	v51 =	vadd.f32 v61, v59;
	v61 =	vld [tilespmem:s19+$0x0]  }
0x22d: {  	v6 =	vadd.f32 v35, v6;
	v23 =	vmovc v18;
	v18 =	vld [tilespmem:s25+$0x0];
	v26 =	vperm.xlane v4, v12;
	v0 =	vadd.f32 v58, v56  }
0x22e: {  	v40 =	vld [tilespmem:s19+$0xFFFFFFB0];
	v28 =	vadd.f32 v19, v16;
	v16 =	vadd.f32 v39, v17  }
0x22f: {  	v49 =	vld [tilespmem:s25+$0xFFFFFFE0];
	v4 =	vadd.f32 v4, v26;
	v5 =	vadd.f32 v33, v63  }
0x230: {  	v55 =	vld [tilespmem:s19+$0xFFFFFFE0];
	v17 =	vperm.xlane v6, v12;
	v2 =	vadd.f32 v36, v34;
	v7 =	vadd.f32 v30, v41  }
0x231: {  	v19 =	vld [tilespmem:s25+$0xFFFFFFB0];
	v27 =	vadd.f32 v0, v21;
	v26 =	vadd.f32 v28, v22  }
0x232: {  	v43 =	vld [tilespmem:s25+$0xFFFFFFD0];
	v29 =	vperm.xlane v4, v8;
	v6 =	vadd.f32 v17, v6;
	v18 =	vadd.f32 v61, v18  }
0x233: {  	v57 =	vld [tilespmem:s25+$0xFFFFFFF0];
	v28 =	vadd.f32 v5, v38;
	v62 =	vadd.f32 v7, v22  }
0x234: {  	v31 =	vmul.f32 v25, v25;
	v59 =	vld [tilespmem:s19+$0xFFFFFFF0];
	v42 =	vadd.f32 v27, v25;
	v4 =	vadd.f32 v4, v29  }
0x235: {  	v17 =	vld [tilespmem:s19+$0xFFFFFFD0];
	v48 =	vmul.f32 v27, v27;
	v29 =	vadd.f32 v2, v20;
	v2 =	vadd.f32 v55, v49  }
0x236: {  	v54 =	vperm.xlane v6, v8;
	v36 =	vadd.f32 v18, v22;
	v0 =	vadd.f32 v40, v19  }
0x237: {  	v11 =	vmul.f32 v26, v26;
	v56 =	vadd.f32 v28, v26;
	v53 =	vadd.f32 v42, v37  }
0x238: {  	v46 =	vmul.f32 $1.562500000e-02, v4;
	v58 =	vadd.f32 v54, v6;
	v9 =	vadd.f32 v48, v31  }
0x239: {  	v6 =	vmul.f32 v28, v28;
	v33 =	vadd.f32 v2, v20;
	v30 =	vadd.f32 v0, v21  }
0x23a: {  	[tilespmem:$0x1FD10] =	vst v62;
	v3 =	vadd.f32 v17, v43;
	v0 =	vadd.f32 v59, v57;
	v4 =	vmul.f32 $1.562500000e-02, v58  }
0x23b: {  	v63 =	vld [tilespmem:s25+$0x10];
	v60 =	vmul.f32 v46, v46;
	v6 =	vadd.f32 v6, v11;
	v16 =	vadd.f32 v9, v16  }
0x23c: {  	v48 =	vperm.xlane v53, v1;
	v58 =	vld [tilespmem:s25+$0x30];
	v31 =	vadd.f32 v30, v29;
	v32 =	vadd.f32 v3, v38  }
0x23d: {  	v19 =	vmul.f32 v29, v29;
	v34 =	vadd.f32 v0, v21;
	v4 =	vsub.f32 v4, v60;
	v60 =	vld [tilespmem:s19+$0x30]  }
0x23e: {  	v54 =	vmul.f32 v30, v30;
	v48 =	vadd.f32 v53, v48;
	v17 =	vadd.f32 v31, v56;
	v31 =	vld [tilespmem:s19+$0x10]  }
0x23f: {  	v40 =	vmul.f32 v62, v62;
	v55 =	vld [tilespmem:s25+$0x20];
	v57 =	vadd.f32 v32, v62;
	v47 =	vadd.f32 v34, v33  }
0x240: {  	v43 =	vmul.f32 v33, v33;
	v56 =	vld [tilespmem:s19+$0x20];
	v7 =	vadd.f32 v54, v19;
	v4 =	vadd.f32 $9.999999960e-13, v4  }
0x241: {  	v41 =	vmul.f32 v32, v32;
	v61 =	vmul.f32 v34, v34;
	v54 =	vadd.f32 v47, v57  }
0x242: {  	v42 =	vld [tilespmem:s25+$0x60];
	v6 =	vadd.f32 v7, v6;
	v59 =	vshra.s32 v4, $0x1;
	v4 =	vmul.f32 $5.000000000e-01, v4  }
0x243: {  	v11 =	vld [tilespmem:s19+$0x40];
	v45 =	vsub.s32 $0x5F3759DF, v59;
	v0 =	vadd.f32 v60, v58;
	v5 =	vadd.f32 v31, v63  }
0x244: {  	v58 =	vadd.f32 v41, v40;
	v59 =	vadd.f32 v61, v43;
	v31 =	vld [tilespmem:s25+$0x40];
	v18 =	vmul.f32 v45, v4  }
0x245: {  	v2 =	vadd.f32 v56, v55;
	v37 =	vadd.f32 v5, v38;
	v5 =	vld [tilespmem:s25+$0x50]  }
0x246: {  	v56 =	vperm.xlane v17, v1;
	v39 =	vadd.f32 v0, v21;
	v62 =	vmul.f32 v45, v18;
	v18 =	vld [tilespmem:s19+$0x50]  }
0x247: {  	v58 =	vadd.f32 v59, v58;
	v35 =	vadd.f32 v2, v20;
	v2 =	vld [tilespmem:s19+$0x60]  }
0x248: {  	v49 =	vld [tilespmem:s19+$0x90];
	v63 =	vmul.f32 v36, v36;
	v17 =	vadd.f32 v17, v56;
	v3 =	vsub.f32 $1.500000000e+00, v62  }
0x249: {  	v60 =	vld [tilespmem:s25+$0x70];
	v55 =	vmul.f32 v37, v37;
	v57 =	vadd.f32 v37, v36;
	v61 =	vmul.f32 v35, v35  }
0x24a: {  	v62 =	vadd.f32 v39, v35;
	v11 =	vadd.f32 v11, v31;
	v31 =	vld [tilespmem:s19+$0x70];
	v3 =	vmul.f32 v45, v3  }
0x24b: {  	v45 =	vld [tilespmem:s19+$0x80];
	v55 =	vadd.f32 v55, v63;
	v63 =	vmul.f32 v39, v39;
	v5 =	vadd.f32 v18, v5  }
0x24c: {  	v18 =	vld [tilespmem:s25+$0x80];
	v40 =	vadd.f32 v11, v22;
	v2 =	vadd.f32 v2, v42;
	v4 =	vmul.f32 v3, v4  }
0x24d: {  	v11 =	vadd.f32 v62, v57;
	v62 =	vperm.xlane v54, v1;
	v41 =	vadd.f32 v5, v38;
	v5 =	vld [tilespmem:s25+$0x90]  }
0x24e: {  	v57 =	vadd.f32 v63, v61;
	v42 =	vadd.f32 v2, v20;
	v2 =	vld [tilespmem:s19+$0xA0];
	v4 =	vmul.f32 v4, v3  }
0x24f: {  	v47 =	vmul.f32 v40, v40;
	v53 =	vadd.f32 v54, v62;
	v0 =	vadd.f32 v31, v60;
	v60 =	vld [tilespmem:s25+$0xA0]  }
0x250: {  	v19 =	vld [tilespmem:$0x1FFB0];
	v55 =	vadd.f32 v57, v55;
	v61 =	vmul.f32 v41, v41;
	v4 =	vsub.f32 $1.500000000e+00, v4  }
0x251: {  	v63 =	vadd.f32 v41, v40;
	v43 =	vadd.f32 v0, v21;
	v0 =	vld [tilespmem:s25+$0xB0]  }
0x252: {  	v18 =	vadd.f32 v45, v18;
	v31 =	vmul.f32 v4, v3;
	v3 =	vld [tilespmem:s19+$0xB0];
	v4 =	vadd.f32 v61, v47  }
0x253: {  	v9 =	vmul.f32 v42, v42;
	v61 =	vld [tilespmem:s25+$0xFFFFFF00];
	v5 =	vadd.f32 v49, v5;
	v47 =	vsub.f32 v44, v46  }
0x254: {  	v44 =	vadd.f32 v43, v42;
	v45 =	vmul.f32 v43, v43;
	v2 =	vadd.f32 v2, v60;
	v60 =	vld [tilespmem:$0x1FCA0]  }
0x255: {  	v18 =	vadd.f32 v18, v22;
	[tilespmem:$0x1FC90] =	vst v38;
	v38 =	vadd.f32 v5, v38  }
0x256: {  	v49 =	vmul.f32 v31, v19;
	v44 =	vadd.f32 v44, v63;
	v9 =	vadd.f32 v45, v9  }
0x257: {  	v45 =	vmul.f32 v18, v18;
	v5 =	vadd.f32 v2, v20;
	v2 =	vperm.xlane v11, v1  }
0x258: {  	v47 =	vmul.f32 v49, v47;
	v4 =	vadd.f32 v9, v4;
	v0 =	vadd.f32 v3, v0  }
0x259: {  	v3 =	vmul.f32 v38, v38;
	v2 =	vadd.f32 v11, v2;
	v49 =	vadd.f32 v60, v61  }
0x25a: {  	v60 =	vadd.f32 v38, v18;
	v0 =	vadd.f32 v0, v21  }
0x25b: {  	v62 =	vperm.xlane v55, v1;
	v3 =	vadd.f32 v3, v45;
	v49 =	vadd.f32 v49, v22  }
0x25c: {  	v45 =	vmul.f32 v5, v5;
	v7 =	vadd.f32 v0, v5;
	v61 =	vmul.f32 v0, v0  }
0x25d: {  	v11 =	vadd.f32 v62, v55;
	v63 =	vadd.f32 v23, v49;
	v59 =	vmul.f32 v49, v49  }
0x25e: {  	v7 =	vadd.f32 v7, v60;
	v45 =	vadd.f32 v61, v45  }
0x25f: {  	v60 =	vperm.xlane v44, v1;
	v61 =	vperm.xlane v16, v1;
	v52 =	vadd.f32 v52, v59  }
0x260: {  	v50 =	vadd.f32 v50, v63;
	v59 =	vperm.xlane v6, v1;
	v3 =	vadd.f32 v45, v3  }
0x261: {  	v57 =	vperm.xlane v7, v1;
	v44 =	vadd.f32 v44, v60;
	v9 =	vadd.f32 v51, v52  }
0x262: {  	v63 =	vperm.xlane v50, v1;
	v52 =	vperm.xlane v58, v1;
	v6 =	vadd.f32 v59, v6  }
0x263: {  	v59 =	vperm.xlane v53, v10;
	v7 =	vadd.f32 v7, v57;
	v45 =	vperm.xlane v3, v1  }
0x264: {  	v57 =	vperm.xlane v17, v10;
	v62 =	vperm.xlane v44, v10;
	v50 =	vadd.f32 v50, v63  }
0x265: {  	v51 =	vperm.xlane v9, v1;
	v63 =	vperm.xlane v4, v1;
	v1 =	vadd.f32 v61, v16  }
0x266: {  	v52 =	vadd.f32 v52, v58;
	v58 =	vperm.xlane v2, v10;
	v53 =	vadd.f32 v53, v59  }
0x267: {  	v56 =	vperm.xlane v6, v10;
	v3 =	vadd.f32 v45, v3;
	v16 =	vadd.f32 v17, v57  }
0x268: {  	v44 =	vadd.f32 v44, v62;
	v60 =	vperm.xlane v50, v10;
	v9 =	vadd.f32 v51, v9  }
0x269: {  	v51 =	vperm.xlane v48, v10;
	v4 =	vadd.f32 v63, v4;
	v63 =	vperm.xlane v7, v10  }
0x26a: {  	v61 =	vperm.xlane v1, v10;
	v57 =	vperm.xlane v52, v10;
	v2 =	vadd.f32 v2, v58  }
0x26b: {  	v58 =	vperm.xlane v11, v10;
	v6 =	vadd.f32 v56, v6;
	v56 =	vperm.xlane v53, v12  }
0x26c: {  	v50 =	vadd.f32 v50, v60;
	v60 =	vperm.xlane v9, v10;
	v48 =	vadd.f32 v48, v51  }
0x26d: {  	v62 =	vperm.xlane v4, v10;
	v7 =	vadd.f32 v7, v63;
	v63 =	vperm.xlane v3, v10  }
0x26e: {  	v1 =	vadd.f32 v61, v1;
	v61 =	vperm.xlane v16, v12;
	v52 =	vadd.f32 v57, v52  }
0x26f: {  	v57 =	vperm.xlane v2, v12;
	v11 =	vadd.f32 v58, v11;
	v58 =	vperm.xlane v44, v12  }
0x270: {  	v53 =	vadd.f32 v53, v56;
	v54 =	vperm.xlane v50, v12;
	v9 =	vadd.f32 v60, v9  }
0x271: {  	v60 =	vperm.xlane v48, v12;
	v4 =	vadd.f32 v62, v4;
	v62 =	vperm.xlane v7, v12  }
0x272: {  	v3 =	vadd.f32 v63, v3;
	v10 =	vadd.f32 v16, v61;
	v61 =	vperm.xlane v6, v12  }
0x273: {  	v56 =	vperm.xlane v52, v12;
	v2 =	vadd.f32 v2, v57;
	v57 =	vperm.xlane v11, v12  }
0x274: {  	v44 =	vadd.f32 v44, v58;
	v45 =	vadd.f32 v50, v54;
	v63 =	vperm.xlane v9, v12  }
0x275: {  	v48 =	vadd.f32 v48, v60;
	v60 =	vperm.xlane v1, v12;
	v58 =	vperm.xlane v4, v12  }
0x276: {  	v7 =	vadd.f32 v7, v62;
	v62 =	vperm.xlane v3, v12;
	v6 =	vadd.f32 v61, v6  }
0x277: {  	v61 =	vperm.xlane v53, v8;
	v56 =	vadd.f32 v56, v52;
	v52 =	vperm.xlane v2, v8  }
0x278: {  	v11 =	vadd.f32 v57, v11;
	v57 =	vperm.xlane v44, v8;
	v59 =	vperm.xlane v45, v8  }
0x279: {  	v9 =	vadd.f32 v63, v9;
	v63 =	vperm.xlane v48, v8;
	v1 =	vadd.f32 v60, v1  }
0x27a: {  	v60 =	vperm.xlane v10, v8;
	v4 =	vadd.f32 v58, v4;
	v58 =	vperm.xlane v7, v8  }
0x27b: {  	v3 =	vadd.f32 v62, v3;
	v55 =	vperm.xlane v6, v8;
	v51 =	vadd.f32 v53, v61  }
0x27c: {  	v2 =	vadd.f32 v2, v52;
	v61 =	vperm.xlane v11, v8;
	v44 =	vadd.f32 v44, v57  }
0x27d: {  	v45 =	vadd.f32 v45, v59;
	v59 =	vperm.xlane v9, v8;
	v48 =	vadd.f32 v48, v63  }
0x27e: {  	v50 =	vperm.xlane v1, v8;
	v10 =	vadd.f32 v10, v60;
	v60 =	vperm.xlane v56, v8  }
0x27f: {  	v57 =	vperm.xlane v4, v8;
	v7 =	vadd.f32 v7, v58;
	v58 =	vperm.xlane v3, v8  }
0x280: {  	v6 =	vadd.f32 v55, v6;
	v53 =	vmul.f32 $1.562500000e-02, v51;
	v52 =	vmul.f32 $1.562500000e-02, v2  }
0x281: {  	v51 =	vmul.f32 $1.562500000e-02, v44;
	v63 =	vadd.f32 v61, v11;
	v45 =	vmul.f32 $1.562500000e-02, v45  }
0x282: {  	v9 =	vadd.f32 v59, v9;
	v48 =	vmul.f32 $1.562500000e-02, v48;
	v54 =	vmul.f32 $1.562500000e-02, v10  }
0x283: {  	v1 =	vadd.f32 v50, v1;
	v50 =	vmul.f32 $1.562500000e-02, v7;
	v6 =	vmul.f32 $1.562500000e-02, v6  }
0x284: {  	v3 =	vadd.f32 v58, v3;
	v58 =	vmul.f32 v53, v53;
	v10 =	vmul.f32 $1.562500000e-02, v63  }
0x285: {  	v62 =	vadd.f32 v60, v56;
	v59 =	vmul.f32 v52, v52;
	v60 =	vmul.f32 v51, v51  }
0x286: {  	v9 =	vmul.f32 $1.562500000e-02, v9;
	v55 =	vmul.f32 v45, v45  }
0x287: {  	v4 =	vadd.f32 v57, v4;
	v1 =	vmul.f32 $1.562500000e-02, v1;
	v56 =	vmul.f32 v48, v48  }
0x288: {  	v57 =	vmul.f32 v54, v54;
	v2 =	vmul.f32 $1.562500000e-02, v62  }
0x289: {  	v4 =	vmul.f32 $1.562500000e-02, v4;
	v3 =	vmul.f32 $1.562500000e-02, v3;
	v10 =	vsub.f32 v10, v59  }
0x28a: {  	v61 =	vmul.f32 v50, v50;
	v7 =	vsub.f32 v9, v55;
	v1 =	vsub.f32 v1, v56  }
0x28b: {  	v6 =	vsub.f32 v6, v57;
	v2 =	vsub.f32 v2, v58  }
0x28c: {  	v4 =	vsub.f32 v4, v60;
	v3 =	vsub.f32 v3, v61  }
0x28d: {  	v10 =	vadd.f32 $9.999999960e-13, v10;
	v7 =	vadd.f32 $9.999999960e-13, v7  }
0x28e: {  	v1 =	vadd.f32 $9.999999960e-13, v1;
	v6 =	vadd.f32 $9.999999960e-13, v6  }
0x28f: {  	v2 =	vadd.f32 $9.999999960e-13, v2;
	v4 =	vadd.f32 $9.999999960e-13, v4  }
0x290: {  	v3 =	vadd.f32 $9.999999960e-13, v3;
	v56 =	vshra.s32 v10, $0x1;
	v10 =	vmul.f32 $5.000000000e-01, v10  }
0x291: {  	v56 =	vsub.s32 $0x5F3759DF, v56;
	v62 =	vshra.s32 v7, $0x1;
	v7 =	vmul.f32 $5.000000000e-01, v7  }
0x292: {  	v63 =	vshra.s32 v1, $0x1;
	v1 =	vmul.f32 $5.000000000e-01, v1;
	v44 =	vshra.s32 v6, $0x1  }
0x293: {  	v6 =	vmul.f32 $5.000000000e-01, v6;
	v55 =	vshra.s32 v2, $0x1;
	v2 =	vmul.f32 $5.000000000e-01, v2  }
0x294: {  	v57 =	vshra.s32 v4, $0x1;
	v4 =	vmul.f32 $5.000000000e-01, v4;
	v59 =	vshra.s32 v3, $0x1  }
0x295: {  	v3 =	vmul.f32 $5.000000000e-01, v3;
	v9 =	vsub.s32 $0x5F3759DF, v62;
	v11 =	vsub.s32 $0x5F3759DF, v63  }
0x296: {  	v44 =	vsub.s32 $0x5F3759DF, v44;
	v63 =	vmul.f32 v56, v10;
	v58 =	vmul.f32 v9, v7  }
0x297: {  	v8 =	vmul.f32 v11, v1;
	v61 =	vmul.f32 v44, v6  }
0x298: {  	v55 =	vsub.s32 $0x5F3759DF, v55;
	v63 =	vmul.f32 v56, v63;
	v58 =	vmul.f32 v9, v58  }
0x299: {  	v57 =	vsub.s32 $0x5F3759DF, v57;
	v62 =	vmul.f32 v55, v2;
	v60 =	vmul.f32 v11, v8  }
0x29a: {  	v61 =	vmul.f32 v44, v61;
	v63 =	vsub.f32 $1.500000000e+00, v63;
	v58 =	vsub.f32 $1.500000000e+00, v58  }
0x29b: {  	v59 =	vsub.s32 $0x5F3759DF, v59;
	v62 =	vmul.f32 v55, v62;
	v60 =	vsub.f32 $1.500000000e+00, v60  }
0x29c: {  	v61 =	vsub.f32 $1.500000000e+00, v61;
	v56 =	vmul.f32 v56, v63;
	v9 =	vmul.f32 v9, v58  }
0x29d: {  	v62 =	vsub.f32 $1.500000000e+00, v62;
	v58 =	vmul.f32 v57, v4;
	v11 =	vmul.f32 v11, v60  }
0x29e: {  	v47 =	vadd.f32 v47, v15;
	v60 =	vmul.f32 v59, v3;
	v44 =	vmul.f32 v44, v61  }
0x29f: {  	v49 =	vsub.f32 v49, v45;
	v55 =	vmul.f32 v55, v62;
	v10 =	vmul.f32 v56, v10  }
0x2a0: {  	v29 =	vsub.f32 v29, v54;
	v63 =	vld [tilespmem:$0x1FCE0];
	v7 =	vmul.f32 v9, v7;
	v60 =	vmul.f32 v59, v60  }
0x2a1: {  	v30 =	vsub.f32 v30, v54;
	v58 =	vmul.f32 v57, v58;
	v1 =	vmul.f32 v11, v1  }
0x2a2: {  	v6 =	vmul.f32 v44, v6;
	v2 =	vmul.f32 v55, v2;
	v60 =	vsub.f32 $1.500000000e+00, v60  }
0x2a3: {  	v61 =	vsub.f32 v26, v54;
	v10 =	vmul.f32 v10, v56;
	v7 =	vmul.f32 v7, v9  }
0x2a4: {  	v58 =	vsub.f32 $1.500000000e+00, v58;
	v1 =	vmul.f32 v1, v11;
	v62 =	vmul.f32 v59, v60  }
0x2a5: {  	[tilespmem:$0x1FCB0] =	vst v20;
	v20 =	vsub.f32 v63, v45;
	v6 =	vmul.f32 v6, v44;
	v2 =	vmul.f32 v2, v55  }
0x2a6: {  	v8 =	vld [tilespmem:$0x1FF80];
	v10 =	vsub.f32 $1.500000000e+00, v10;
	v7 =	vsub.f32 $1.500000000e+00, v7;
	v3 =	vmul.f32 v62, v3  }
0x2a7: {  	v57 =	vmul.f32 v57, v58;
	v1 =	vsub.f32 $1.500000000e+00, v1;
	v6 =	vsub.f32 $1.500000000e+00, v6  }
0x2a8: {  	v16 =	vld [tilespmem:$0x1FFA0];
	v2 =	vsub.f32 $1.500000000e+00, v2;
	v10 =	vmul.f32 v10, v56;
	v3 =	vmul.f32 v3, v62  }
0x2a9: {  	v12 =	vld [tilespmem:$0x1FF90];
	v7 =	vmul.f32 v7, v9;
	v9 =	vsub.f32 v23, v45;
	v23 =	vsub.f32 v24, v48  }
0x2aa: {  	v60 =	vld [tilespmem:$0x1FD00];
	v4 =	vmul.f32 v57, v4;
	v1 =	vmul.f32 v1, v11;
	v3 =	vsub.f32 $1.500000000e+00, v3  }
0x2ab: {  	v24 =	vsub.f32 v25, v48;
	v6 =	vmul.f32 v6, v44;
	v26 =	vmul.f32 v7, v8  }
0x2ac: {  	v59 =	vld [tilespmem:$0x1FCF0];
	v25 =	vsub.f32 v27, v48;
	v2 =	vmul.f32 v2, v55;
	v3 =	vmul.f32 v3, v62  }
0x2ad: {  	v27 =	vsub.f32 v28, v54;
	v62 =	vmul.f32 v26, v49;
	v26 =	vmul.f32 v7, v16  }
0x2ae: {  	v54 =	vsub.f32 v40, v51;
	v4 =	vmul.f32 v4, v57;
	v28 =	vmul.f32 v7, v12  }
0x2af: {  	[tilespmem:$0x1FCD0] =	vst v22;
	v22 =	vsub.f32 v60, v48;
	v20 =	vmul.f32 v26, v20;
	v26 =	vmul.f32 v1, v8  }
0x2b0: {  	v17 =	vld [tilespmem:$0x1FD10];
	v40 =	vmul.f32 v2, v12;
	v4 =	vsub.f32 $1.500000000e+00, v4;
	v9 =	vmul.f32 v28, v9  }
0x2b1: {  	[tilespmem:$0x1FCC0] =	vst v21;
	v21 =	vsub.f32 v59, v45;
	v45 =	vmul.f32 v26, v22;
	v22 =	vmul.f32 v1, v16  }
0x2b2: {  	v32 =	vsub.f32 v32, v53;
	v4 =	vmul.f32 v4, v57;
	v7 =	vmul.f32 v7, v19  }
0x2b3: {  	v33 =	vsub.f32 v33, v53;
	v48 =	vmul.f32 v22, v24;
	v22 =	vmul.f32 v6, v8  }
0x2b4: {  	v35 =	vsub.f32 v35, v52;
	v7 =	vmul.f32 v7, v21;
	v24 =	vmul.f32 v6, v12  }
0x2b5: {  	v28 =	vsub.f32 v17, v53;
	v11 =	vmul.f32 v22, v61;
	v22 =	vmul.f32 v6, v16  }
0x2b6: {  	v21 =	vmul.f32 v1, v12;
	v26 =	vsub.f32 v34, v53;
	v53 =	vmul.f32 v24, v27  }
0x2b7: {  	s20 =	simm.s32 $0x14E00;
	v62 =	vadd.f32 v62, v13;
	v24 =	vmul.f32 v2, v16;
	v49 =	vmul.f32 v22, v29  }
0x2b8: {  	v63 =	vsub.f32 v37, v52;
	[tilespmem:s20+$0xF0] =	vst v47;
	v22 =	vmul.f32 v2, v8;
	v2 =	vmul.f32 v2, v19  }
0x2b9: {  	v57 =	vsub.f32 v38, v50;
	v38 =	vld [tilespmem:$0x1FF50];
	v21 =	vmul.f32 v21, v23;
	v23 =	vsub.f32 v36, v52;
	[tilespmem:s20+$0xFFFFFF00] =	vst v62  }
0x2ba: {  	v52 =	vsub.f32 v39, v52;
	v39 =	vmul.f32 v2, v26;
	v26 =	vsub.f32 v5, v50;
	v5 =	vld [tilespmem:$0x1FF60]  }
0x2bb: {  	v1 =	vmul.f32 v1, v19  }
0x2bc: {  	v27 =	vmul.f32 v24, v33;
	v24 =	vmul.f32 v10, v8  }
0x2bd: {  	v1 =	vmul.f32 v1, v25;
	v25 =	vsub.f32 v18, v50  }
0x2be: {  	v29 =	vmul.f32 v24, v23;
	v23 =	vsub.f32 v0, v50;
	v50 =	vadd.f32 v9, v38  }
0x2bf: {  	v5 =	vadd.f32 v20, v5  }
0x2c0: {  	v58 =	vadd.f32 v7, v15;
	[tilespmem:s20+$0xFFFFFF10] =	vst v50  }
0x2c1: {  	v59 =	vadd.f32 v45, v13;
	[tilespmem:s20+$0xFFFFFF20] =	vst v5  }
0x2c2: {  	v61 =	vmul.f32 v10, v19;
	v5 =	vld [tilespmem:$0x1FD20];
	[tilespmem:s20+$0xFFFFFF30] =	vst v58  }
0x2c3: {  	[tilespmem:s20+$0xFFFFFF40] =	vst v59  }
0x2c4: {  	v55 =	vsub.f32 v43, v51;
	v60 =	vmul.f32 v10, v16;
	v43 =	vmul.f32 v61, v52;
	v61 =	vld [tilespmem:$0x1FF60]  }
0x2c5: {  	v56 =	vsub.f32 v42, v51;
	v17 =	vsub.f32 v41, v51;
	v51 =	vmul.f32 v10, v12  }
0x2c6: {  	v42 =	vmul.f32 v60, v35;
	v35 =	vmul.f32 v3, v16  }
0x2c7: {  	v36 =	vmul.f32 v40, v32;
	v40 =	vmul.f32 v51, v63;
	v60 =	vadd.f32 v21, v38  }
0x2c8: {  	v63 =	vmul.f32 v4, v8;
	v51 =	vmul.f32 v4, v12  }
0x2c9: {  	v34 =	vmul.f32 v3, v8;
	v32 =	vmul.f32 v3, v19;
	v2 =	vadd.f32 v48, v61;
	v48 =	vld [tilespmem:$0x1FF60];
	[tilespmem:s20+$0xFFFFFF50] =	vst v60  }
0x2ca: {  	v44 =	vmul.f32 v63, v54;
	v6 =	vmul.f32 v6, v19;
	v0 =	vld [tilespmem:$0x1FD30]  }
0x2cb: {  	v45 =	vmul.f32 v51, v17;
	v21 =	vmul.f32 v31, v16;
	v63 =	vld [tilespmem:$0x1FD40]  }
0x2cc: {  	v41 =	vmul.f32 v6, v30;
	v52 =	vmul.f32 v4, v16  }
0x2cd: {  	v62 =	vadd.f32 v1, v15;
	v33 =	vmul.f32 v4, v19;
	v30 =	vmul.f32 v3, v12  }
0x2ce: {  	v17 =	vadd.f32 v11, v13;
	v16 =	vadd.f32 v53, v38;
	v37 =	vmul.f32 v22, v28  }
0x2cf: {  	v22 =	vmul.f32 v31, v8;
	v28 =	vmul.f32 v31, v12;
	v20 =	vsub.f32 v5, v46;
	[tilespmem:s20+$0xFFFFFF70] =	vst v62  }
0x2d0: {  	s24 =	simm.s32 $0x0;
	s22 =	simm.s32 $0x14E00;
	s25 =	simm.s32 $0xEC00;
	[tilespmem:s20+$0xFFFFFF60] =	vst v2;
	v18 =	vsub.f32 v0, v46;
	v19 =	vsub.f32 v63, v46;
	v46 =	vmul.f32 v52, v56  }
.LBB2_5:
0x2d1: {  	v1 =	vld [tilespmem:s25+$0xC0]  }
0x2d2: {  	v8 =	vld [tilespmem:s25+$0xD0]  }
0x2d3: {  	v12 =	vmul.f32 v28, v18;
	v18 =	vld [tilespmem:s25+$0xE0]  }
0x2d4: {  	v47 =	vld [tilespmem:$0x1FCB0]  }
0x2d5: {  	v52 =	vld [tilespmem:s25+$0xFFFFFF50]  }
0x2d6: {  	v2 =	vmul.f32 v33, v55;
	v55 =	vld [tilespmem:s25+$0xFFFFFF60]  }
0x2d7: {  	s19 =	sadd.s32 $0x200, s19;
	v58 =	vld [tilespmem:s25+$0xFFFFFF70]  }
0x2d8: {  	v4 =	vld [tilespmem:s19+$0xC0]  }
0x2d9: {  	v11 =	vld [tilespmem:s19+$0xD0]  }
0x2da: {  	v3 =	vmul.f32 v34, v25;
	v25 =	vld [tilespmem:s19+$0xF0]  }
0x2db: {  	v7 =	vmul.f32 v35, v26;
	v35 =	vld [tilespmem:s19+$0xFFFFFF00]  }
0x2dc: {  	v33 =	vadd.f32 v27, v48;
	v27 =	vld [tilespmem:s25+$0xFFFFFF10]  }
0x2dd: {  	v38 =	vld [tilespmem:s19+$0xFFFFFF20]  }
0x2de: {  	v5 =	vadd.f32 v41, v15;
	v41 =	vld [tilespmem:s19+$0xFFFFFF30]  }
0x2df: {  	[tilespmem:s20+$0xFFFFFF80] =	vst v17;
	v24 =	vadd.f32 v43, v15;
	v43 =	vld [tilespmem:s25+$0xFFFFFF40]  }
0x2e0: {  	v63 =	vadd.f32 v37, v13;
	[tilespmem:s20+$0xFFFFFF90] =	vst v16;
	v26 =	vadd.f32 v45, v14;
	v45 =	vld [tilespmem:s19+$0xFFFFFF40]  }
0x2e1: {  	v9 =	vmul.f32 v32, v23;
	v32 =	vadd.f32 v36, v14;
	v53 =	vld [tilespmem:s19+$0xFFFFFF50];
	[tilespmem:$0x1FC50] =	vst v12  }
0x2e2: {  	v6 =	vmul.f32 v30, v57;
	v23 =	vadd.f32 v42, v48;
	v57 =	vld [tilespmem:s19+$0xFFFFFF60];
	[tilespmem:s20+$0xFFFFFFC0] =	vst v63  }
0x2e3: {  	v0 =	vadd.f32 v49, v48;
	v34 =	vadd.f32 v29, v13;
	v63 =	vld [tilespmem:$0x1FFD0];
	[tilespmem:s20+$0xFFFFFFD0] =	vst v32  }
0x2e4: {  	v12 =	vmul.f32 v21, v19;
	v19 =	vadd.f32 v39, v15;
	[tilespmem:s20+$0x20] =	vst v23;
	v10 =	vmul.f32 v22, v20;
	v20 =	vld [tilespmem:s19+$0xE0]  }
0x2e5: {  	v36 =	vadd.f32 v46, v48;
	v21 =	vadd.f32 v40, v14;
	v23 =	vld [tilespmem:s25+$0xFFFFFF20];
	[tilespmem:s20+$0x30] =	vst v24  }
0x2e6: {  	v2 =	vadd.f32 v2, v15;
	v24 =	vld [tilespmem:s25+$0xFFFFFF30];
	[tilespmem:s20+$0xFFFFFFF0] =	vst v19;
	v19 =	vadd.f32 v44, v13  }
0x2e7: {  	v3 =	vadd.f32 v3, v13;
	v6 =	vadd.f32 v6, v14;
	[tilespmem:s20+$0xFFFFFFE0] =	vst v33;
	v22 =	vld [tilespmem:s25+$0xF0]  }
0x2e8: {  	v7 =	vadd.f32 v7, v48;
	v9 =	vadd.f32 v9, v15;
	[tilespmem:s20+$0x40] =	vst v19;
	v19 =	vld [tilespmem:$0x1FCD0]  }
0x2e9: {  	[tilespmem:s20+$0x10] =	vst v21;
	v1 =	vadd.f32 v4, v1;
	v39 =	vadd.f32 v20, v18;
	v20 =	vld [tilespmem:$0x1FC90]  }
0x2ea: {  	[tilespmem:s20+$0x70] =	vst v2;
	v37 =	vadd.f32 v11, v8;
	v2 =	vadd.f32 v45, v43;
	v18 =	vld [tilespmem:$0x1FCC0]  }
0x2eb: {  	v21 =	vld [tilespmem:s19+$0xFFFFFF10];
	[tilespmem:s20+$0x80] =	vst v3;
	v10 =	vadd.f32 v10, v13;
	v3 =	vadd.f32 v57, v55  }
0x2ec: {  	[tilespmem:s20+$0xFFFFFFA0] =	vst v0;
	v61 =	vld [tilespmem:s19+$0xFFFFFFE0];
	v4 =	vadd.f32 v53, v52;
	v51 =	vadd.f32 v38, v23  }
0x2ed: {  	[tilespmem:s20+$0xFFFFFFB0] =	vst v5;
	v57 =	vld [tilespmem:s25+$0xFFFFFFE0];
	v29 =	vadd.f32 v3, v47;
	v22 =	vadd.f32 v25, v22  }
0x2ee: {  	v0 =	vld [tilespmem:$0x1FFE0];
	[tilespmem:$0x1FC70] =	vst v12;
	v14 =	vadd.f32 v1, v19;
	v12 =	vadd.f32 v39, v47  }
0x2ef: {  	[tilespmem:s20+$0x60] =	vst v36;
	v36 =	vld [tilespmem:s25+$0xFFFFFF90];
	v40 =	vadd.f32 v37, v20;
	v46 =	vadd.f32 v22, v18  }
0x2f0: {  	v42 =	vadd.f32 v21, v27;
	v1 =	vadd.f32 v41, v24;
	v39 =	vld [tilespmem:s19+$0xFFFFFF90];
	v23 =	vmul.f32 v12, v12  }
0x2f1: {  	v33 =	vld [tilespmem:s25+$0xFFFFFF80];
	v22 =	vmul.f32 v14, v14;
	v44 =	vadd.f32 v40, v14;
	v21 =	vadd.f32 v46, v12  }
0x2f2: {  	[tilespmem:s20+$0x50] =	vst v26;
	v28 =	vld [tilespmem:s19+$0xFFFFFFA0];
	v8 =	vadd.f32 v61, v57;
	v25 =	vmul.f32 v40, v40;
	v26 =	vmul.f32 v46, v46  }
0x2f3: {  	[tilespmem:$0x1FBD0] =	vst v35;
	v35 =	vld [tilespmem:s19+$0xFFFFFF80];
	v38 =	vadd.f32 v42, v20;
	v54 =	vadd.f32 v21, v44  }
0x2f4: {  	v49 =	vld [tilespmem:s25+$0xFFFFFFD0];
	v56 =	vadd.f32 v25, v22;
	v21 =	vadd.f32 v26, v23  }
0x2f5: {  	v43 =	vld [tilespmem:s25+$0xFFFFFFB0];
	v27 =	vadd.f32 v4, v20;
	v4 =	vadd.f32 v39, v36  }
0x2f6: {  	[tilespmem:$0x1FC20] =	vst v40;
	v40 =	vld [tilespmem:s25+$0xFFFFFFA0];
	v22 =	vadd.f32 v51, v47;
	v59 =	vadd.f32 v21, v56;
	v62 =	vperm.xlane v54, v63  }
0x2f7: {  	[tilespmem:s20+$0x0] =	vst v34;
	v23 =	vadd.f32 v1, v18;
	v25 =	vadd.f32 v2, v19;
	v21 =	vld [tilespmem:s19+$0xFFFFFF70]  }
0x2f8: {  	[tilespmem:s20+$0x90] =	vst v6;
	v2 =	vadd.f32 v35, v33;
	v56 =	vld [tilespmem:s19+$0xFFFFFFD0];
	v6 =	vadd.f32 v54, v62;
	v34 =	vperm.xlane v59, v63  }
0x2f9: {  	v1 =	vld [tilespmem:$0x1FFF0];
	v32 =	vmul.f32 v22, v22;
	v51 =	vadd.f32 v23, v22;
	v24 =	vmul.f32 v23, v23  }
0x2fa: {  	[tilespmem:s20+$0xB0] =	vst v9;
	v44 =	vld [tilespmem:s19+$0xFFFFFFB0];
	v42 =	vadd.f32 v27, v25;
	v37 =	vperm.xlane v6, v0;
	v9 =	vadd.f32 v34, v59  }
0x2fb: {  	v17 =	vld [tilespmem:$0x1FFC0];
	[tilespmem:$0x1FC30] =	vst v12;
	v12 =	vmul.f32 v25, v25;
	v11 =	vadd.f32 v28, v40;
	v28 =	vadd.f32 v4, v20  }
0x2fc: {  	v48 =	vld [tilespmem:s19+$0xFFFFFFC0];
	v5 =	vadd.f32 v21, v58;
	v6 =	vadd.f32 v6, v37;
	v41 =	vperm.xlane v9, v0  }
0x2fd: {  	v45 =	vld [tilespmem:s25+$0xFFFFFFC0];
	v52 =	vadd.f32 v24, v32;
	v21 =	vmul.f32 v27, v27;
	v4 =	vadd.f32 v56, v49  }
0x2fe: {  	v13 =	vadd.f32 v5, v18;
	v26 =	vperm.xlane v6, v1;
	v9 =	vadd.f32 v41, v9  }
0x2ff: {  	v60 =	vld [tilespmem:s19+$0x0];
	v37 =	vmul.f32 v28, v28;
	v15 =	vadd.f32 v21, v12;
	v5 =	vadd.f32 v44, v43  }
0x300: {  	[tilespmem:s20+$0xC0] =	vst v10;
	v49 =	vld [tilespmem:s25+$0x0];
	v36 =	vadd.f32 v4, v20;
	v6 =	vadd.f32 v6, v26;
	v10 =	vperm.xlane v9, v1  }
0x301: {  	[tilespmem:$0x1FBE0] =	vst v13;
	v21 =	vadd.f32 v13, v29;
	v31 =	vmul.f32 v13, v13;
	v13 =	vadd.f32 v2, v19  }
0x302: {  	v2 =	vadd.f32 v48, v45;
	v30 =	vperm.xlane v6, v17;
	v9 =	vadd.f32 v10, v9  }
0x303: {  	v62 =	vld [tilespmem:s25+$0xFFFFFFF0];
	v12 =	vmul.f32 v29, v29;
	v32 =	vadd.f32 v5, v18;
	v53 =	vadd.f32 v21, v42  }
0x304: {  	v45 =	vld [tilespmem:s19+$0xFFFFFFF0];
	v58 =	vadd.f32 v28, v13;
	v6 =	vadd.f32 v6, v30;
	v10 =	vperm.xlane v9, v17  }
0x305: {  	v3 =	vmul.f32 v13, v13;
	v33 =	vadd.f32 v2, v19;
	v2 =	vadd.f32 v60, v49  }
0x306: {  	v55 =	vld [tilespmem:s19+$0x30];
	[tilespmem:$0x1FC00] =	vst v14;
	v14 =	vadd.f32 v31, v12;
	v24 =	vmul.f32 $1.562500000e-02, v6;
	v44 =	vadd.f32 v10, v9  }
0x307: {  	v61 =	vld [tilespmem:s25+$0x10];
	v42 =	vmul.f32 v36, v36;
	v35 =	vadd.f32 v2, v19;
	v3 =	vadd.f32 v37, v3  }
0x308: {  	v48 =	vld [tilespmem:s19+$0x10];
	v30 =	vadd.f32 v11, v47;
	v6 =	vmul.f32 $1.562500000e-02, v44;
	v31 =	vmul.f32 v24, v24  }
0x309: {  	[tilespmem:s20+$0xA0] =	vst v7;
	v57 =	vld [tilespmem:s25+$0x20];
	v4 =	vmul.f32 v33, v33;
	v21 =	vadd.f32 v14, v15;
	v7 =	vadd.f32 v45, v62  }
0x30a: {  	v62 =	vld [tilespmem:s19+$0x20];
	v59 =	vadd.f32 v32, v30;
	v6 =	vsub.f32 v6, v31  }
0x30b: {  	v39 =	vmul.f32 v32, v32;
	v4 =	vadd.f32 v42, v4;
	v10 =	vld [tilespmem:s25+$0x30];
	v34 =	vadd.f32 v7, v18  }
0x30c: {  	v5 =	vmul.f32 v30, v30;
	v56 =	vadd.f32 v59, v58;
	v6 =	vadd.f32 $9.999999960e-13, v6  }
0x30d: {  	v9 =	vld [tilespmem:s25+$0x50];
	v58 =	vadd.f32 v36, v33;
	v59 =	vadd.f32 v48, v61;
	v48 =	vmul.f32 v34, v34  }
0x30e: {  	v5 =	vadd.f32 v39, v5;
	v39 =	vld [tilespmem:s19+$0x50];
	v49 =	vshra.s32 v6, $0x1;
	v6 =	vmul.f32 $5.000000000e-01, v6  }
0x30f: {  	v11 =	vld [tilespmem:s25+$0x40];
	v62 =	vadd.f32 v62, v57;
	v31 =	vadd.f32 v8, v47;
	v44 =	vsub.s32 $0x5F3759DF, v49  }
0x310: {  	v37 =	vadd.f32 v59, v20;
	v10 =	vadd.f32 v55, v10;
	v49 =	vld [tilespmem:s19+$0x40];
	v60 =	vmul.f32 v44, v6  }
0x311: {  	v45 =	vld [tilespmem:s25+$0x60];
	v3 =	vadd.f32 v5, v3;
	v7 =	vmul.f32 v31, v31;
	v61 =	vadd.f32 v34, v31  }
0x312: {  	v59 =	vld [tilespmem:s19+$0x60];
	v2 =	vadd.f32 v37, v35;
	v41 =	vadd.f32 v10, v18;
	v40 =	vmul.f32 v44, v60  }
0x313: {  	v8 =	vmul.f32 v35, v35;
	v9 =	vadd.f32 v39, v9;
	v10 =	vld [tilespmem:s25+$0x80];
	v57 =	vadd.f32 v61, v58  }
0x314: {  	v7 =	vadd.f32 v48, v7;
	v48 =	vld [tilespmem:s19+$0x70];
	v60 =	vmul.f32 v37, v37;
	v61 =	vsub.f32 $1.500000000e+00, v40  }
0x315: {  	v40 =	vadd.f32 v62, v47;
	v62 =	vadd.f32 v49, v11;
	v11 =	vld [tilespmem:s25+$0x70]  }
0x316: {  	v55 =	vmul.f32 v41, v41;
	v8 =	vadd.f32 v60, v8;
	v60 =	vld [tilespmem:s19+$0x80];
	v49 =	vmul.f32 v44, v61  }
0x317: {  	v16 =	vld [tilespmem:s25+$0xA0];
	v43 =	vadd.f32 v9, v20;
	v45 =	vadd.f32 v59, v45;
	v12 =	vperm.xlane v57, v63  }
0x318: {  	v59 =	vld [tilespmem:s25+$0x90];
	v4 =	vadd.f32 v7, v4;
	v39 =	vadd.f32 v41, v40;
	v6 =	vmul.f32 v49, v6  }
0x319: {  	v12 =	vadd.f32 v57, v12;
	v44 =	vmul.f32 v40, v40;
	v42 =	vadd.f32 v62, v19;
	v62 =	vld [tilespmem:s19+$0x90]  }
0x31a: {  	[tilespmem:$0x1FBF0] =	vst v13;
	v13 =	vld [tilespmem:s19+$0xA0];
	v2 =	vadd.f32 v39, v2;
	v11 =	vadd.f32 v48, v11;
	v6 =	vmul.f32 v6, v49  }
0x31b: {  	[tilespmem:$0x1FC10] =	vst v24;
	v10 =	vadd.f32 v60, v10;
	v60 =	vsub.f32 v46, v24;
	v24 =	vld [tilespmem:$0x1FFB0]  }
0x31c: {  	v61 =	vadd.f32 v55, v44;
	v6 =	vsub.f32 $1.500000000e+00, v6  }
0x31d: {  	v50 =	vmul.f32 v38, v38;
	v44 =	vadd.f32 v45, v47;
	v45 =	vadd.f32 v11, v18;
	v11 =	vld [tilespmem:s25+$0xB0]  }
0x31e: {  	v55 =	vmul.f32 v42, v42;
	v59 =	vadd.f32 v62, v59;
	v39 =	vmul.f32 v6, v49;
	v49 =	vld [tilespmem:s19+$0xB0]  }
0x31f: {  	v48 =	vmul.f32 v43, v43;
	v26 =	vadd.f32 v10, v19;
	v10 =	vadd.f32 v13, v16;
	v16 =	vld [tilespmem:$0x1FF70]  }
0x320: {  	v9 =	vadd.f32 v43, v42;
	v14 =	vadd.f32 v45, v44;
	v62 =	vmul.f32 v39, v24  }
0x321: {  	v15 =	vmul.f32 v45, v45;
	v46 =	vadd.f32 v59, v20;
	v6 =	vadd.f32 v48, v55  }
0x322: {  	v48 =	vmul.f32 v44, v44;
	v9 =	vadd.f32 v14, v9;
	v13 =	vmul.f32 v62, v60  }
0x323: {  	v54 =	vperm.xlane v53, v63;
	v47 =	vadd.f32 v10, v47;
	v55 =	vld [tilespmem:s25+$0xFFFFFF00];
	v11 =	vadd.f32 v49, v11  }
0x324: {  	v14 =	vadd.f32 v15, v48;
	v10 =	vperm.xlane v9, v63;
	v13 =	vadd.f32 v13, v16;
	v16 =	vld [tilespmem:$0x1FBD0]  }
0x325: {  	v8 =	vadd.f32 v61, v8;
	v15 =	vmul.f32 v26, v26;
	v20 =	vadd.f32 v11, v18  }
0x326: {  	v62 =	vmul.f32 v46, v46;
	v6 =	vadd.f32 v14, v6;
	v9 =	vadd.f32 v9, v10  }
0x327: {  	s20 =	sadd.s32 $0x200, s20;
	v59 =	vperm.xlane v2, v63;
	v11 =	vadd.f32 v46, v26;
	v5 =	vadd.f32 v20, v47  }
0x328: {  	[tilespmem:s20+$0xF0] =	vst v13;
	v13 =	vadd.f32 v62, v15;
	v15 =	vmul.f32 v47, v47;
	v48 =	vmul.f32 v20, v20  }
0x329: {  	v10 =	vperm.xlane v6, v63;
	v55 =	vadd.f32 v16, v55;
	v5 =	vadd.f32 v5, v11  }
0x32a: {  	v7 =	vperm.xlane v21, v63;
	v2 =	vadd.f32 v2, v59;
	v11 =	vadd.f32 v48, v15  }
0x32b: {  	v6 =	vadd.f32 v10, v6;
	v55 =	vadd.f32 v55, v19;
	v14 =	vperm.xlane v5, v63  }
0x32c: {  	v11 =	vadd.f32 v11, v13;
	v13 =	vadd.f32 v53, v54;
	v53 =	vperm.xlane v4, v63  }
0x32d: {  	v16 =	vadd.f32 v7, v21;
	v60 =	vadd.f32 v38, v55;
	v49 =	vmul.f32 v55, v55  }
0x32e: {  	v5 =	vadd.f32 v5, v14;
	v14 =	vperm.xlane v11, v63;
	v4 =	vadd.f32 v53, v4  }
0x32f: {  	v58 =	vperm.xlane v56, v63;
	v15 =	vadd.f32 v51, v60;
	v62 =	vadd.f32 v50, v49  }
0x330: {  	v60 =	vperm.xlane v3, v63;
	v11 =	vadd.f32 v14, v11;
	v50 =	vperm.xlane v4, v0  }
0x331: {  	v48 =	vadd.f32 v52, v62;
	v51 =	vperm.xlane v15, v63;
	v52 =	vadd.f32 v56, v58  }
0x332: {  	v62 =	vperm.xlane v8, v63;
	v58 =	vperm.xlane v13, v0;
	v3 =	vadd.f32 v60, v3  }
0x333: {  	v60 =	vperm.xlane v12, v0;
	v4 =	vadd.f32 v50, v4;
	v15 =	vadd.f32 v15, v51  }
0x334: {  	v61 =	vperm.xlane v48, v63;
	v59 =	vperm.xlane v52, v0;
	v8 =	vadd.f32 v62, v8  }
0x335: {  	v62 =	vperm.xlane v9, v0;
	v13 =	vadd.f32 v13, v58;
	v12 =	vadd.f32 v12, v60  }
0x336: {  	v60 =	vperm.xlane v6, v0;
	v63 =	vperm.xlane v15, v0;
	v48 =	vadd.f32 v61, v48  }
0x337: {  	v61 =	vperm.xlane v2, v0;
	v7 =	vadd.f32 v52, v59;
	v52 =	vperm.xlane v3, v0  }
0x338: {  	v53 =	vperm.xlane v8, v0;
	v9 =	vadd.f32 v9, v62;
	v62 =	vperm.xlane v13, v1  }
0x339: {  	v57 =	vperm.xlane v12, v1;
	v10 =	vadd.f32 v15, v63;
	v15 =	vperm.xlane v5, v0  }
0x33a: {  	v6 =	vadd.f32 v60, v6;
	v14 =	vperm.xlane v48, v0;
	v63 =	vperm.xlane v16, v0  }
0x33b: {  	v2 =	vadd.f32 v2, v61;
	v61 =	vperm.xlane v11, v0;
	v3 =	vadd.f32 v52, v3  }
0x33c: {  	v8 =	vadd.f32 v53, v8;
	v59 =	vperm.xlane v9, v1;
	v13 =	vadd.f32 v13, v62  }
0x33d: {  	v12 =	vadd.f32 v12, v57;
	v62 =	vperm.xlane v4, v1;
	v53 =	vperm.xlane v6, v1  }
0x33e: {  	v5 =	vadd.f32 v5, v15;
	v15 =	vperm.xlane v10, v1;
	v14 =	vadd.f32 v14, v48  }
0x33f: {  	v18 =	vld [tilespmem:$0x1FF80];
	v0 =	vadd.f32 v63, v16;
	v63 =	vperm.xlane v7, v1;
	v58 =	vperm.xlane v2, v1  }
0x340: {  	v11 =	vadd.f32 v61, v11;
	v61 =	vperm.xlane v3, v1;
	v9 =	vadd.f32 v9, v59  }
0x341: {  	v4 =	vadd.f32 v62, v4;
	v6 =	vadd.f32 v53, v6;
	v54 =	vperm.xlane v5, v1  }
0x342: {  	v10 =	vadd.f32 v10, v15;
	v15 =	vperm.xlane v14, v1;
	v60 =	vperm.xlane v0, v1  }
0x343: {  	v7 =	vadd.f32 v7, v63;
	v2 =	vadd.f32 v2, v58;
	v63 =	vperm.xlane v8, v1  }
0x344: {  	v3 =	vadd.f32 v61, v3;
	v61 =	vperm.xlane v12, v17;
	v58 =	vmul.f32 v39, v18  }
0x345: {  	v56 =	vperm.xlane v10, v17;
	v5 =	vadd.f32 v5, v54;
	v54 =	vperm.xlane v11, v1  }
0x346: {  	v14 =	vadd.f32 v15, v14;
	v15 =	vperm.xlane v13, v17;
	v1 =	vadd.f32 v60, v0  }
0x347: {  	v60 =	vperm.xlane v7, v17;
	v62 =	vperm.xlane v2, v17;
	v8 =	vadd.f32 v63, v8  }
0x348: {  	v63 =	vperm.xlane v9, v17;
	v12 =	vadd.f32 v12, v61;
	v61 =	vperm.xlane v4, v17  }
0x349: {  	v53 =	vperm.xlane v5, v17;
	v10 =	vadd.f32 v10, v56;
	v56 =	vperm.xlane v14, v17  }
0x34a: {  	v11 =	vadd.f32 v54, v11;
	v13 =	vadd.f32 v13, v15;
	v15 =	vperm.xlane v1, v17  }
0x34b: {  	v7 =	vadd.f32 v7, v60;
	v60 =	vperm.xlane v3, v17;
	v2 =	vadd.f32 v2, v62  }
0x34c: {  	v62 =	vperm.xlane v8, v17;
	v9 =	vadd.f32 v9, v63;
	v63 =	vperm.xlane v6, v17  }
0x34d: {  	v4 =	vadd.f32 v61, v4;
	v5 =	vadd.f32 v5, v53;
	v49 =	vperm.xlane v11, v17  }
0x34e: {  	v10 =	vmul.f32 $1.562500000e-02, v10;
	v14 =	vadd.f32 v56, v14;
	v13 =	vmul.f32 $1.562500000e-02, v13  }
0x34f: {  	v1 =	vadd.f32 v15, v1;
	v59 =	vmul.f32 $1.562500000e-02, v7;
	v3 =	vadd.f32 v60, v3  }
0x350: {  	v56 =	vmul.f32 $1.562500000e-02, v12;
	v54 =	vmul.f32 $1.562500000e-02, v2;
	v60 =	vadd.f32 v62, v8  }
0x351: {  	v53 =	vmul.f32 $1.562500000e-02, v9;
	v6 =	vadd.f32 v63, v6;
	v4 =	vmul.f32 $1.562500000e-02, v4  }
0x352: {  	v61 =	vmul.f32 $1.562500000e-02, v14;
	v62 =	vadd.f32 v49, v11;
	v63 =	vmul.f32 v10, v10  }
0x353: {  	v11 =	vsub.f32 v55, v10;
	v1 =	vmul.f32 $1.562500000e-02, v1;
	v48 =	vmul.f32 v13, v13  }
0x354: {  	v38 =	vsub.f32 v38, v10;
	v3 =	vmul.f32 $1.562500000e-02, v3;
	v49 =	vmul.f32 v59, v59  }
0x355: {  	v21 =	vmovc v39;
	v50 =	vmul.f32 v56, v56;
	v2 =	vmul.f32 $1.562500000e-02, v60;
	v39 =	vsub.f32 v22, v10  }
0x356: {  	[tilespmem:$0x1FC80] =	vst v58;
	v51 =	vmul.f32 v54, v54;
	v58 =	vsub.f32 v25, v13;
	v27 =	vsub.f32 v27, v13  }
0x357: {  	v6 =	vmul.f32 $1.562500000e-02, v6;
	v29 =	vsub.f32 v29, v13;
	v36 =	vsub.f32 v36, v56  }
0x358: {  	v55 =	vmul.f32 v53, v53;
	v7 =	vsub.f32 v61, v63;
	v1 =	vsub.f32 v1, v48  }
0x359: {  	v52 =	vmul.f32 $1.562500000e-02, v5;
	v3 =	vsub.f32 v3, v49;
	v4 =	vsub.f32 v4, v50  }
0x35a: {  	v5 =	vmul.f32 $1.562500000e-02, v62;
	v2 =	vsub.f32 v2, v51;
	v6 =	vsub.f32 v6, v55  }
0x35b: {  	v57 =	vmul.f32 v52, v52;
	v49 =	vsub.f32 v23, v10;
	v7 =	vadd.f32 $9.999999960e-13, v7  }
0x35c: {  	v1 =	vadd.f32 $9.999999960e-13, v1;
	v3 =	vadd.f32 $9.999999960e-13, v3  }
0x35d: {  	v5 =	vsub.f32 v5, v57;
	v4 =	vadd.f32 $9.999999960e-13, v4  }
0x35e: {  	v2 =	vadd.f32 $9.999999960e-13, v2;
	v6 =	vadd.f32 $9.999999960e-13, v6;
	v60 =	vshra.s32 v7, $0x1  }
0x35f: {  	v7 =	vmul.f32 $5.000000000e-01, v7;
	v61 =	vshra.s32 v1, $0x1;
	v5 =	vadd.f32 $9.999999960e-13, v5  }
0x360: {  	v1 =	vmul.f32 $5.000000000e-01, v1;
	v62 =	vshra.s32 v3, $0x1;
	v3 =	vmul.f32 $5.000000000e-01, v3  }
0x361: {  	v12 =	vshra.s32 v4, $0x1;
	v4 =	vmul.f32 $5.000000000e-01, v4;
	v14 =	vshra.s32 v2, $0x1  }
0x362: {  	v2 =	vmul.f32 $5.000000000e-01, v2;
	v15 =	vshra.s32 v6, $0x1;
	v6 =	vmul.f32 $5.000000000e-01, v6  }
0x363: {  	[tilespmem:$0x1FC40] =	vst v11;
	v9 =	vsub.s32 $0x5F3759DF, v60;
	v8 =	vsub.s32 $0x5F3759DF, v61;
	v11 =	vsub.s32 $0x5F3759DF, v62  }
0x364: {  	v12 =	vsub.s32 $0x5F3759DF, v12;
	v63 =	vshra.s32 v5, $0x1;
	v5 =	vmul.f32 $5.000000000e-01, v5  }
0x365: {  	v14 =	vsub.s32 $0x5F3759DF, v14;
	v0 =	vmul.f32 v9, v7;
	v22 =	vmul.f32 v8, v1  }
0x366: {  	[tilespmem:$0x1FC60] =	vst v38;
	v15 =	vsub.s32 $0x5F3759DF, v15;
	v38 =	vmul.f32 v11, v3;
	v23 =	vmul.f32 v12, v4  }
0x367: {  	v25 =	vmul.f32 v14, v2;
	v50 =	vmul.f32 v15, v6;
	v48 =	vsub.s32 $0x5F3759DF, v63  }
0x368: {  	v16 =	vsub.f32 v31, v56;
	v60 =	vmul.f32 v9, v0;
	v51 =	vmul.f32 v48, v5  }
0x369: {  	v57 =	vsub.f32 v46, v52;
	v22 =	vmul.f32 v8, v22;
	v10 =	vmul.f32 v11, v38  }
0x36a: {  	v23 =	vmul.f32 v12, v23;
	v25 =	vmul.f32 v14, v25;
	v38 =	vsub.f32 v43, v53  }
0x36b: {  	v61 =	vmul.f32 v15, v50;
	v50 =	vld [tilespmem:$0x1FBE0];
	v60 =	vsub.f32 $1.500000000e+00, v60;
	v22 =	vsub.f32 $1.500000000e+00, v22  }
0x36c: {  	v62 =	vmul.f32 v48, v51;
	v10 =	vsub.f32 $1.500000000e+00, v10;
	v23 =	vsub.f32 $1.500000000e+00, v23  }
0x36d: {  	v9 =	vmul.f32 v9, v60;
	v8 =	vmul.f32 v8, v22;
	v22 =	vsub.f32 $1.500000000e+00, v25  }
0x36e: {  	v25 =	vsub.f32 $1.500000000e+00, v61;
	v55 =	vmul.f32 v12, v23;
	v12 =	vsub.f32 $1.500000000e+00, v62  }
0x36f: {  	v10 =	vmul.f32 v11, v10;
	v62 =	vsub.f32 v33, v56;
	v11 =	vsub.f32 v35, v54  }
0x370: {  	v51 =	vld [tilespmem:$0x1FBF0];
	v60 =	vsub.f32 v50, v13;
	v13 =	vmul.f32 v14, v22;
	v14 =	vmul.f32 v15, v25  }
0x371: {  	v23 =	vsub.f32 v20, v52;
	v7 =	vmul.f32 v9, v7;
	v12 =	vmul.f32 v48, v12  }
0x372: {  	v1 =	vmul.f32 v8, v1;
	v3 =	vmul.f32 v10, v3;
	v15 =	vsub.f32 v28, v59  }
0x373: {  	v19 =	vld [tilespmem:$0x1FC10];
	v48 =	vsub.f32 v30, v59;
	v4 =	vmul.f32 v55, v4;
	v25 =	vsub.f32 v26, v52  }
0x374: {  	v26 =	vsub.f32 v47, v52;
	v52 =	vld [tilespmem:$0x1FC00];
	v2 =	vmul.f32 v13, v2;
	v6 =	vmul.f32 v14, v6  }
0x375: {  	v61 =	vsub.f32 v51, v59;
	v5 =	vmul.f32 v12, v5;
	v7 =	vmul.f32 v7, v9  }
0x376: {  	v59 =	vsub.f32 v32, v59;
	v1 =	vmul.f32 v1, v8;
	v3 =	vmul.f32 v3, v10  }
0x377: {  	v4 =	vmul.f32 v4, v55;
	v7 =	vsub.f32 $1.500000000e+00, v7;
	v2 =	vmul.f32 v2, v13  }
0x378: {  	v6 =	vmul.f32 v6, v14;
	v1 =	vsub.f32 $1.500000000e+00, v1;
	v3 =	vsub.f32 $1.500000000e+00, v3  }
0x379: {  	v5 =	vmul.f32 v5, v12;
	v4 =	vsub.f32 $1.500000000e+00, v4;
	v20 =	vsub.f32 v52, v19  }
0x37a: {  	v7 =	vmul.f32 v7, v9;
	v2 =	vsub.f32 $1.500000000e+00, v2;
	v1 =	vmul.f32 v1, v8  }
0x37b: {  	v32 =	vld [tilespmem:$0x1FC20];
	v6 =	vsub.f32 $1.500000000e+00, v6;
	v5 =	vsub.f32 $1.500000000e+00, v5;
	v3 =	vmul.f32 v3, v10  }
0x37c: {  	v52 =	vld [tilespmem:$0x1FC30];
	v4 =	vmul.f32 v4, v55;
	v9 =	vsub.f32 v34, v56;
	v2 =	vmul.f32 v2, v13  }
0x37d: {  	v56 =	vsub.f32 v40, v54;
	v6 =	vmul.f32 v6, v14;
	v10 =	vmul.f32 v7, v18  }
0x37e: {  	v28 =	vld [tilespmem:$0x1FF90];
	v5 =	vmul.f32 v5, v12;
	v14 =	vsub.f32 v37, v54;
	v31 =	vmul.f32 v1, v18  }
0x37f: {  	v22 =	vld [tilespmem:$0x1FFA0];
	v54 =	vsub.f32 v41, v54;
	v41 =	vmul.f32 v3, v18;
	v43 =	vmul.f32 v4, v18  }
0x380: {  	v55 =	vsub.f32 v45, v53;
	v45 =	vmul.f32 v2, v18;
	v46 =	vmul.f32 v6, v18  }
0x381: {  	v34 =	vmul.f32 v5, v18;
	v18 =	vsub.f32 v32, v19;
	v19 =	vsub.f32 v52, v19;
	v52 =	vld [tilespmem:$0x1FC40];
	_ =	sdelay $0x1  }
0x382: {  	v47 =	vmul.f32 v6, v28  }
0x383: {  	v8 =	vmul.f32 v6, v22;
	v33 =	vmul.f32 v6, v24  }
0x384: {  	v30 =	vmul.f32 v5, v28;
	v35 =	vmul.f32 v5, v22;
	v6 =	vld [tilespmem:$0x1FF50]  }
0x385: {  	v32 =	vmul.f32 v5, v24;
	v5 =	vmul.f32 v10, v52;
	v52 =	vld [tilespmem:$0x1FC50];
	_ =	sdelay $0x3  }
0x386: {  	v12 =	vmul.f32 v7, v28;
	v13 =	vmul.f32 v7, v22  }
0x387: {  	v37 =	vmul.f32 v1, v28;
	v40 =	vmul.f32 v1, v22;
	v6 =	vadd.f32 v52, v6;
	v52 =	vld [tilespmem:$0x1FC60]  }
0x388: {  	v63 =	vsub.f32 v42, v53;
	v42 =	vmul.f32 v3, v28;
	v0 =	vmul.f32 v3, v22  }
0x389: {  	v50 =	vsub.f32 v44, v53;
	v44 =	vmul.f32 v4, v28;
	v51 =	vmul.f32 v4, v22  }
0x38a: {  	v17 =	vmul.f32 v2, v28;
	v53 =	vmul.f32 v2, v22  }
0x38b: {  	v28 =	vmul.f32 v21, v28;
	v21 =	vmul.f32 v21, v22;
	v22 =	vld [tilespmem:$0x1FC70]  }
0x38c: {  	v10 =	vmul.f32 v12, v52;
	v12 =	vmul.f32 v13, v39;
	v13 =	vld [tilespmem:$0x1FF60]  }
0x38d: {  	v52 =	vld [tilespmem:$0x1FF40]  }
0x38e: {  	v7 =	vmul.f32 v7, v24;
	v39 =	vld [tilespmem:$0x1FF50]  }
0x38f: {  	v29 =	vmul.f32 v40, v29;
	v40 =	vld [tilespmem:$0x1FF60]  }
0x390: {  	v1 =	vmul.f32 v1, v24;
	v7 =	vmul.f32 v7, v49;
	v49 =	vld [tilespmem:$0x1FF70]  }
0x391: {  	v3 =	vmul.f32 v3, v24;
	v13 =	vadd.f32 v22, v13  }
0x392: {  	v4 =	vmul.f32 v4, v24;
	v1 =	vmul.f32 v1, v60;
	v60 =	vld [tilespmem:$0x1FF50];
	[tilespmem:s22+$0xD0] =	vst v6;
	v5 =	vadd.f32 v5, v52  }
0x393: {  	v2 =	vmul.f32 v2, v24;
	v6 =	vadd.f32 v10, v39;
	v52 =	vmul.f32 v42, v15;
	v15 =	vld [tilespmem:$0x1FF70];
	[tilespmem:s22+$0xE0] =	vst v13  }
0x394: {  	v31 =	vmul.f32 v31, v58;
	v10 =	vmul.f32 v37, v27;
	v13 =	vld [tilespmem:$0x1FF40];
	[tilespmem:s20+$0xFFFFFF00] =	vst v5  }
0x395: {  	v5 =	vadd.f32 v12, v40;
	[tilespmem:s20+$0xFFFFFF10] =	vst v6;
	v6 =	vadd.f32 v7, v49;
	v49 =	vmul.f32 v0, v48;
	v48 =	vld [tilespmem:$0x1FF60]  }
0x396: {  	s24 =	sadd.s32 $0x8, s24;
	v36 =	vmul.f32 v44, v36;
	v37 =	vmul.f32 v43, v62;
	v62 =	vld [tilespmem:$0x1FF50]  }
0x397: {  	p0 =	slt.u32 s24, $0xC0;
	v12 =	vmul.f32 v41, v61;
	v41 =	vmul.f32 v3, v59;
	v3 =	vadd.f32 v10, v60;
	[tilespmem:s20+$0xFFFFFF20] =	vst v5  }
.Ltmp3:
0x398: {  	v44 =	vmul.f32 v46, v63;
	v46 =	vmul.f32 v8, v50;
	[tilespmem:s20+$0xFFFFFF30] =	vst v6;
	v1 =	vadd.f32 v1, v15;
	(pc) =	sbr.rel @p0 .LBB2_5-.Ltmp3, $4  }
0x399: {  	v27 =	vmul.f32 v51, v16;
	v39 =	vmul.f32 v4, v9;
	[tilespmem:s20+$0xFFFFFF50] =	vst v3;
	v58 =	vadd.f32 v31, v13  }
0x39a: {  	v42 =	vmul.f32 v53, v56;
	v43 =	vmul.f32 v2, v54;
	v61 =	vadd.f32 v29, v48;
	[tilespmem:s20+$0xFFFFFF70] =	vst v1  }
0x39b: {  	v40 =	vmul.f32 v17, v14;
	v14 =	vmov v62;
	v16 =	vadd.f32 v52, v62;
	[tilespmem:s20+$0xFFFFFF40] =	vst v58  }
0x39c: {  	s25 =	sadd.s32 $0x200, s25;
	v22 =	vld [tilespmem:$0x1FC80];
	s22 =	smov.u32 s20;
	v29 =	vmul.f32 v45, v11;
	v17 =	vadd.f32 v12, v13;
	v45 =	vmul.f32 v47, v38;
	[tilespmem:s20+$0xFFFFFF60] =	vst v61  }
0x39d: {  	v12 =	vld [tilespmem:$0x1FFB0]  }
0x39e: {  	v11 =	vld [tilespmem:$0x1FFA0]  }
0x39f: {  	v10 =	vld [tilespmem:$0x1FF90]  }
0x3a0: {  	v9 =	vld [tilespmem:$0x1FF80]  }
0x3a1: {  	v8 =	vld [tilespmem:$0x1FFC0]  }
0x3a2: {  	v7 =	vld [tilespmem:$0x1FFF0]  }
0x3a3: {  	v6 =	vld [tilespmem:$0x1FFE0]  }
0x3a4: {  	v5 =	vld [tilespmem:$0x1FFD0];
	v0 =	vadd.f32 v49, v48;
	[tilespmem:s20+$0xFFFFFF90] =	vst v16  }
0x3a5: {  	v1 =	vadd.f32 v41, v15;
	[tilespmem:s20+$0xFFFFFF80] =	vst v17  }
0x3a6: {  	v47 =	vadd.f32 v37, v13;
	[tilespmem:s20+$0xFFFFFFA0] =	vst v0  }
0x3a7: {  	v49 =	vadd.f32 v36, v14;
	[tilespmem:s20+$0xFFFFFFB0] =	vst v1  }
0x3a8: {  	v50 =	vadd.f32 v27, v48;
	[tilespmem:s20+$0xFFFFFFC0] =	vst v47  }
0x3a9: {  	v2 =	vadd.f32 v39, v15;
	[tilespmem:s20+$0xFFFFFFD0] =	vst v49  }
0x3aa: {  	v52 =	vadd.f32 v40, v14;
	[tilespmem:s20+$0xFFFFFFE0] =	vst v50  }
0x3ab: {  	v53 =	vadd.f32 v42, v48;
	[tilespmem:s20+$0xFFFFFFF0] =	vst v2  }
0x3ac: {  	v54 =	vadd.f32 v43, v15;
	[tilespmem:s20+$0x10] =	vst v52  }
0x3ad: {  	v56 =	vadd.f32 v44, v13;
	[tilespmem:s20+$0x20] =	vst v53  }
0x3ae: {  	v4 =	vadd.f32 v46, v48;
	[tilespmem:s20+$0x30] =	vst v54  }
0x3af: {  	v58 =	vmul.f32 v33, v55;
	v51 =	vadd.f32 v29, v13;
	[tilespmem:s20+$0x40] =	vst v56  }
0x3b0: {  	v59 =	vmul.f32 v34, v25;
	v3 =	vadd.f32 v45, v14;
	[tilespmem:s20+$0x60] =	vst v4  }
0x3b1: {  	v60 =	vmul.f32 v30, v57;
	v2 =	vadd.f32 v58, v15;
	[tilespmem:s20+$0x0] =	vst v51  }
0x3b2: {  	v1 =	vadd.f32 v59, v13;
	v4 =	vmul.f32 v32, v23;
	[tilespmem:s20+$0x50] =	vst v3  }
0x3b3: {  	v0 =	vadd.f32 v60, v14;
	v3 =	vmul.f32 v35, v26;
	[tilespmem:s20+$0x70] =	vst v2  }
0x3b4: {  	v61 =	vmul.f32 v22, v20;
	[tilespmem:s20+$0x80] =	vst v1;
	v4 =	vadd.f32 v4, v15  }
0x3b5: {  	v62 =	vmul.f32 v28, v18;
	s17 =	smul.u32 $0xC8, s17;
	[tilespmem:s20+$0x90] =	vst v0;
	v3 =	vadd.f32 v3, v48  }
0x3b6: {  	v63 =	vmul.f32 v21, v19;
	v2 =	vadd.f32 v61, v13;
	[tilespmem:s20+$0xB0] =	vst v4  }
.Ltmp4:
0x3b7: {  	s17 =	sadd.s32 s6, s17;
	v1 =	vadd.f32 v62, v14;
	[tilespmem:s20+$0xA0] =	vst v3;
	(pc) =	sbr.rel @p1 .LBB2_8-.Ltmp4, $4  }
0x3b8: {  	s17 =	sshll.u32 s17, $0x3;
	v0 =	vadd.f32 v63, v48;
	[tilespmem:s20+$0xC0] =	vst v2  }
0x3b9: {  	s17 =	sand.u32 $0x1FFFFFC0, s17;
	[tilespmem:s22+$0xD0] =	vst v1  }
0x3ba: {  	s17 =	sadd.s32 s3, s17;
	[tilespmem:s22+$0xE0] =	vst v0  }
0x3bb: {  	[hbm4b:s17+s5] =	stream.linear.scatter [tilespmem:s0], [sflag:$0x4], $0x3200, $0x38;
	[tilespmem:$0x17F00] =	vst v63  }
.Ltmp5:
0x3bc: {  	(pc) =	sbr.rel .LBB2_2-.Ltmp5, $4  }
0x3bd: {  	s17 =	sadd.s32 $0x258, s16  }
0x3be: {  	[tilespmem:s26], [sflag:$0x2] =	stream.indirect.gather [hbm4b:s7+s21], $0x40, s17, s21, $0xb8;
	[tilespmem:$0x17F00] =	vst v63  }
0x3bf: {  	s25 =	sadd.s32 $0x2C0, s16;
	s14 =	sadd.s32 $0x1, s14  }
0x3c0: {  	v1 =	vmovc v5;
	v2 =	vmov v6;
	v3 =	vmov v7;
	v0 =	vmov v8;
	[tilespmem:s29], [sflag:$0x2] =	stream.indirect.gather [hbm4b:s7+s23], $0x40, s25, s23, $0xb8;
	[tilespmem:$0x17F00] =	vst v63  }
.LBB2_9:
0x3c1: {  	_ =	sfence.sel $0x180000  }
0x3c2: {  	[bflag:$0x0] =	sbarrier.arrive $0xFFFF  }
0x3c3: {  	_ =	strace $0x90000047  }
0x3c4: {  	s0 =	stileid.u32;
	[bflag:$0x2] =	sbarrier.arrive $0xFFFF  }
0x3c5: {  	p0 =	sne.s32 s0, $0x0;
	s0 =	rddreg [dreg:$0x5]  }
0x3c6: {  	s0 =	sadd.s32 @!p0 $0x100000, s0  }
0x3c7: {  	[sflag:s0] =	ssyncadd.tile.s32 @!p0 $0x1;
	_ =	shalt  }
.Lfunc_end2:
_tile_overlayer_lowered:
.L_overlay_start_2:
0x3c8: {  	(tag) =	ssettag $0x2  }
0x3c9: {  	s0 =	rddreg [dreg:$0x0];
	s2 =	stileid.u32  }
0x3ca: {  	s1 =	rddreg [dreg:$0x1];
	p0 =	sne.s32 s2, $0x0  }
0x3cb: {  	s3 =	rddreg [dreg:$0x2];
	[bflag:$0x3] =	sbarrier.arrive $0xFFFF;
	s2 =	simm.s32 @!p0 $0x1C05  }
0x3cc: {  	[timem:s3], [sflag:s2] =	dma.local @!p0 [hbm:s0], s1  }
0x3cd: {  	s0 =	simm.s32 @!p0 $0x5  }
0x3ce: {  	_ =	swait.ge @!p0 [sflag:s0], s1  }
0x3cf: {  	s1 =	ssub.s32 @!p0 $0x0, s1;
	[sflag:s0] =	ssyncset.done @!p0 $0x0  }
0x3d0: {  	[sflag:s0] =	ssyncadd.s32 @!p0 s1  }
0x3d1: {  	[bflag:$0x3] =	sbarrier.arrive $0xFFFF  }
0x3d2: {  	_ =	shalt  }

// kernel: sparse-core-data-format-call.cloned.1.call-start
scs
called_computation_lowered:
.L_overlay_start_0:
0x0: {  	s2 =	sld [smem:$0x3FD9]  }
0x1: {  	s3 =	sld [smem:$0x3FFE];
	_ =	sdelay $0x1  }
0x2: {  	s1 =	srdreg.scid  }
0x3: {  	s0 =	sand.u32 $0x1, s1  }
0x4: {  	s18 =	sshll.u32 s0, $0xA;
	s2 =	sadd.s32 s3, s2  }
0x5: {  	s2 =	sadd.s32 s2, s18  }
0x6: {  	[smem:$0x3FC1] =	sst s2  }
0x7: {  	_ = 	snop  }
0x8: {  	s2 =	sld [smem:$0x3FD0];
	(tm) =	ssettm $0x1  }
0x9: {  	s19 =	sld [smem:$0x3FFB];
	_ =	sdelay $0x3  }
0xa: {  	_ =	strace s19  }
0xb: {  	s3 =	sld [smem:$0x3FFC];
	_ =	sdelay $0x3  }
0xc: {  	_ =	strace s3  }
0xd: {  	s3 =	sld [smem:$0x3FFD];
	_ =	sdelay $0x3  }
0xe: {  	_ =	strace s3  }
0xf: {  	_ =	strace $0x8FFFFFFF  }
0x10: {  	s20 =	sld [smem:$0x3FDB];
	_ =	sdelay $0x1  }
0x11: {  	s4 =	simm.s32 $_scs_section_size  }
0x12: {  	s5 =	simm.s32 $_size__tile_overlayer_lowered;
	s6 =	simm.s32 $_tile_overlayer_lowered  }
0x13: {  	s23 =	simm.s32 $0x1BFF;
	s22 =	sshll.u32 s6, $0x1;
	s3 =	sadd.s32 s4, s20  }
0x14: {  	s7 =	simm.s32 $0x0;
	s21 =	sshll.u32 s5, $0x1;
	s5 =	sadd.s32 s22, s3  }
0x15: {  	[timem:s7], [sflag:s23] =	dma.local [hbm:s5], s21  }
0x16: {  	_ =	swait.ge [sflag:s23], s21  }
0x17: {  	s4 =	ssub.s32 $0x0, s21;
	[sflag:s23] =	ssyncset.done $0x0  }
0x18: {  	[sflag:s23] =	ssyncadd.s32 s4;
	_ =	sdelay $0x1  }
0x19: {  	s24 =	simm.s32 $0x1B8B  }
0x1a: {  	_ =	swait.ge [sflag:s24], $0x1  }
0x1b: {  	[sflag:s24] =	ssyncset.done $0x0  }
0x1c: {  	s26 =	simm.s32 $0x1B8E;
	s25 =	sld [smem:$0x3FFE];
	[sflag:s24] =	ssyncadd.s32 $0xFFFFFFFF  }
0x1d: {  	s27 =	simm.s32 $execute0_lowered;
	[smem:$0x3FD2] =	sst s26  }
0x1e: {  	s5 =	sshll.u32 s27, $0x1;
	_ =	strace $0x80000049;
	[dreg:$0x1] =	wrdreg $0xFFFFFFFF  }
0x1f: {  	s28 =	simm.s32 $_size_execute0_lowered;
	s3 =	sadd.s32 s3, s5;
	[dreg:$0x0] =	wrdreg $0x0  }
0x20: {  	s5 =	sshll.u32 s28, $0x1;
	[dreg:$0x2] =	wrdreg s3  }
0x21: {  	[dreg:$0x3] =	wrdreg s5  }
0x22: {  	[dreg:$0x4] =	wrdreg $0xC0  }
0x23: {  	_ =	task [dreg:s7], $0x5FFFF  }
0x24: {  	[dreg:$0x1] =	wrdreg $0xFFFFFFFF  }
0x25: {  	[dreg:$0x0] =	wrdreg $0x60  }
0x26: {  	[dreg:$0x2] =	wrdreg s25  }
0x27: {  	[dreg:$0x3] =	wrdreg s2  }
0x28: {  	[dreg:$0x4] =	wrdreg $0x9  }
0x29: {  	_ =	task.clear_ibuf [dreg:s7], $0x5FFFF;
	_ =	strace $0x90000049  }
0x2a: {  	s29 =	simm.s32 $0x9;
	_ =	strace $0x8000004B  }
0x2b: {  	_ =	swait.ge [sflag:s29], $0x1  }
0x2c: {  	[sflag:s29] =	ssyncadd.s32 $0xFFFFFFFF  }
0x2d: {  	_ =	strace $0x9000004B  }
0x2e: {  	_ =	sfence  }
0x2f: {  	s30 =	sld [smem:$0x0];
	_ =	sdelay $0x2  }
0x30: {  	s31 =	sshll.u32 s1, $0xD;
	s1 =	sshrl.u32 s1, $0x2  }
0x31: {  	s3 =	sand.u32 $0x4000, s31;
	s1 =	sadd.s32 s1, s30  }
0x32: {  	s0 =	sor.u32 s3, s0;
	s1 =	sshll.u32 s1, $0x11  }
0x33: {  	s0 =	sor.u32 s1, s0  }
0x34: {  	s0 =	sadd.s32 $0x8F2B, s0  }
0x35: {  	[sflag:s0] =	ssyncadd.remote.s32 $0x1  }
0x36: {  	_ =	sfence.sel $0xFFFF  }
0x37: {  	[dreg:$0x0] =	wrdreg $0xFFFFFFFF;
	(pc) =	sbr.abs _section_cstart, $3  }
0x38: {  	[dreg:$0x1] =	wrdreg $0xFFFFFFFF  }
0x39: {  	_ =	task.clear_ibuf [dreg:s7], $0x2FFFF;
	_ =	strace $0x9FFFFFFF  }
0x3a: {  	(tm) =	ssettm $0x7FFFFFFF  }
0x3b: {  	_ =	shalt  }
tec
execute0_lowered:
.L_overlay_start_1:
0x0: {  	(tag) =	ssettag $0x1  }
0x1: {  	s0 =	srdreg.scid  }
0x2: {  	s1 =	sshll.u32 s0, $0x4  }
0x3: {  	s0 =	stileid.u32;
	s1 =	sand.u32 $0x10, s1  }
0x4: {  	s1 =	sor.u32 s0, s1  }
0x5: {  	s6 =	rddreg [dreg:$0x0];
	s4 =	simm.s32 $0x1;
	s2 =	sshll.u32 s1, $0x7  }
0x6: {  	s7 =	simm.s32 $0x2;
	s12 =	simm.s32 $0x0;
	s1 =	ssub.s32 $0x1000, s2  }
0x7: {  	s8 =	simm.s32 $0x8000;
	s13 =	simm.s32 $0x0;
	s3 =	sand.u32 $0xF80, s1  }
0x8: {  	s9 =	simm.s32 $0x0;
	s5 =	sshrl.u32 s1, $0xC;
	p0 =	sne.s32 s3, $0x0  }
.Ltmp0:
0x9: {  	s1 =	rddreg [dreg:$0x2];
	s4 =	simm.s32 @!p0 $0x0;
	(pc) =	sbr.rel .LBB1_1-.Ltmp0, $4  }
0xa: {  	s11 =	simm.s32 $0x0;
	s3 =	rddreg [dreg:$0x1];
	s5 =	sadd.s32 s4, s5  }
0xb: {  	_ =	strace $0x8000004A;
	s4 =	simm.s32 $0x1;
	s5 =	smul.u32 $0xC8, s5  }
0xc: {  	s6 =	sadd.s32 $0xE00, s6;
	s10 =	smov.u32 s2;
	[sflag:s4] =	ssyncpa.u1 $0x0  }
0xd: {  	p0 =	por $0x0, $0x0;
	[sflag:s7] =	ssyncpa.u1 $0x0;
	s7 =	sor.u32 $0x1, s5  }
.LBB1_4:
0xe: {  	s16 =	sshll.u32 s13, $0x3;
	s17 =	sand.u32 $0x78, s13  }
0xf: {  	s30 =	sand.u32 $0x7E00, s13;
	s12 =	sshll.u32 s12, $0xF;
	s16 =	sand.u32 $0xC00, s16  }
0x10: {  	[tilespmem:s15+$0x810 ss:$0x81] =	vst.msk $0xffff, v2;
	s31 =	sand.u32 $0x7, s13;
	s16 =	sor.u32 s17, s16;
	s17 =	sadd.s32 s3, s30  }
0x11: {  	[tilespmem:s15+$0x1020 ss:$0x81] =	vst.msk $0xffff, v0;
	s13 =	sshll.u32 s31, $0x12;
	s12 =	sadd.s32 s12, s17;
	s16 =	sshrl.u32 s16, $0x3  }
0x12: {  	[tilespmem:s15+$0x0 ss:$0x81] =	vst.msk $0xffff, v1;
	s13 =	sor.u32 $0x400, s13;
	s12 =	sadd.s32 s16, s12  }
0x13: {  	[hbm4b:s12+s13] =	stream.strided.scatter [tilespmem:s14], [sflag:$0x2], $0x2000, s8, s13, $0x20;
	[tilespmem:$0x8080] =	vst v63  }
.LBB1_5:
0x14: {  	s14 =	sadd.s32 $0x1, s9  }
0x15: {  	s12 =	sadd.s32 $0x1000, s10;
	s16 =	smov.u32 s10;
	p2 =	sgt.s32 s14, $0xC7  }
0x16: {  	s16 =	smov.u32 @p2 s12  }
0x17: {  	s14 =	simm.s32 @p2 $0x0;
	p2 =	sgt.s32 s16, $0xFFF  }
0x18: {  	s16 =	smov.u32 @p2 s2;
	p2 =	sne.s32 s11, s7  }
.Ltmp1:
0x19: {  	p1 =	slt.u32 s11, $0x2;
	(pc) =	sbr.rel @!p2 .LBB1_6-.Ltmp1, $4  }
0x1a: {  	s15 =	simm.s32 @!p1 $0x2  }
0x1b: {  	s13 =	smov.u32 s10;
	p0 =	por !p0, !p0;
	_ =	swait.ge @!p1 [sflag:s15], $0x2000  }
0x1c: {  	s12 =	smov.u32 s9;
	[sflag:s15] =	ssyncset.done @!p1 $0x0;
	s9 =	smov.u32 s14  }
0x1d: {  	s11 =	sadd.s32 $0x1, s11;
	[sflag:s15] =	ssyncadd.s32 @!p1 $0xFFFFE000;
	s10 =	smov.u32 s16  }
.LBB1_1:
0x1e: {  	p1 =	sge.u32 s11, s5  }
0x1f: {  	s14 =	sand.u32 @!p1 $0x1FFFFFF, s9  }
0x20: {  	s15 =	smulhi.u32 @!p1 $0x147AE15, s14;
	_ =	sdelay $0x1  }
0x21: {  	s15 =	smul.u32 @!p1 $0xC8, s15  }
0x22: {  	s16 =	sxor.u32 @!p1 $0xFFFFFFFF, s11;
	s17 =	smul.u32 @!p1 $0xC80, s10  }
0x23: {  	s31 =	sadd.s32 $0xFFFFFFFF, s11;
	s16 =	sshll.u32 @!p1 s16, $0xD;
	s14 =	ssub.s32 @!p1 s14, s15  }
0x24: {  	s15 =	sand.u32 @!p1 $0x2000, s16;
	s16 =	sadd.s32 @!p1 s6, s17;
	s14 =	sshll.u32 @!p1 s14, $0x4  }
0x25: {  	s17 =	simm.s32 @!p1 $0x6400;
	s14 =	sadd.s32 @!p1 s14, s16;
	s16 =	simm.s32 @!p1 $0x40  }
0x26: {  	[tilespmem:s15], [sflag:$0x1] =	stream.strided.gather @!p1 [hbm4b:s14+s16], $0x2000, s17, s16, $0x38;
	[tilespmem:$0x8080] =	vst v63  }
0x27: {  	p1 =	sge.u32 s31, s5  }
.Ltmp2:
0x28: {  	_ = 	snop;
	(pc) =	sbr.rel @p1 .LBB1_5-.Ltmp2, $1  }
0x29: {  	_ =	sdelay $0x3  }
0x2a: {  	s14 =	simm.s32 $0x1  }
0x2b: {  	_ =	swait.ge [sflag:s4], $0x2000;
	s14 =	simm.s32 @!p0 $0x0  }
0x2c: {  	[sflag:s4] =	ssyncset.done $0x0;
	s15 =	sshll.u32 s14, $0xD  }
0x2d: {  	[sflag:s4] =	ssyncadd.s32 $0xFFFFE000;
	s18 =	sor.u32 $0x20, s15  }
0x2e: {  	s14 =	smul.u32 $0x8100, s14;
	v3 =	vld [tilespmem:s18+$0x10]  }
0x2f: {  	s30 =	sand.u32 $0x1, s11;
	v2 =	vld [tilespmem:s18+$0xFFFFFFF0]  }
0x30: {  	s15 =	smul.u32 $0x8100, s30;
	s14 =	sshrl.u32 s14, $0x2;
	v0 =	vld [tilespmem:s18+$0x0]  }
0x31: {  	v1 =	vld [tilespmem:s18+$0xFFFFFFE0];
	s16 =	sor.u32 $0x4000, s14  }
0x32: {  	s31 =	sshrl.u32 s15, $0x2;
	s15 =	sadd.s32 $0x0, s16  }
0x33: {  	s17 =	simm.s32 $0x4;
	s18 =	sadd.s32 $0x40, s18;
	s14 =	sor.u32 $0x4000, s31;
	[tilespmem:s15+$0x1830 ss:$0x81] =	vst.msk $0xffff, v3  }
.LBB1_3:
0x34: {  	v3 =	vld [tilespmem:s18+$0x10];
	p1 =	sne.s32 s17, $0x1FC;
	[tilespmem:s15+$0x810 ss:$0x81] =	vst.msk $0xffff, v2;
	s19 =	smov.u32 s17;
	s17 =	sadd.s32 $0x4, s17  }
.Ltmp3:
0x35: {  	v2 =	vld [tilespmem:s18+$0xFFFFFFF0];
	[tilespmem:s15+$0x1020 ss:$0x81] =	vst.msk $0xffff, v0;
	(pc) =	sbr.rel @p1 .LBB1_3-.Ltmp3, $4  }
0x36: {  	v0 =	vld [tilespmem:s18+$0x0];
	[tilespmem:s15+$0x0 ss:$0x81] =	vst.msk $0xffff, v1  }
0x37: {  	s15 =	sshra.s32 s19, $0x2;
	v1 =	vld [tilespmem:s18+$0xFFFFFFE0]  }
0x38: {  	s15 =	sadd.s32 s15, s16  }
0x39: {  	s18 =	sadd.s32 $0x40, s18;
	[tilespmem:s15+$0x1830 ss:$0x81] =	vst.msk $0xffff, v3  }
.Ltmp4:
0x3a: {  	_ = 	snop;
	(pc) =	sbr.rel .LBB1_4-.Ltmp4, $1  }
0x3b: {  	_ =	sdelay $0x3  }
.LBB1_6:
0x3c: {  	_ =	sfence.sel $0x180000  }
0x3d: {  	s2 =	simm.s32 $0x1;
	[bflag:$0x0] =	sbarrier.arrive $0xFFFF  }
0x3e: {  	s31 =	simm.s32 $0x2;
	[sflag:s2] =	ssyncpa.u1 $0x1  }
0x3f: {  	[sflag:s31] =	ssyncpa.u1 $0x1  }
0x40: {  	p0 =	sne.s32 s0, $0x0;
	_ =	strace $0x9000004A  }
0x41: {  	s0 =	sadd.s32 @!p0 $0x100000, s1;
	[bflag:$0x2] =	sbarrier.arrive $0xFFFF  }
0x42: {  	[sflag:s0] =	ssyncadd.tile.s32 @!p0 $0x1;
	_ =	shalt  }
.Lfunc_end1:
_tile_overlayer_lowered:
.L_overlay_start_2:
0x43: {  	(tag) =	ssettag $0x2  }
0x44: {  	s0 =	rddreg [dreg:$0x0];
	s2 =	stileid.u32  }
0x45: {  	s1 =	rddreg [dreg:$0x1];
	p0 =	sne.s32 s2, $0x0  }
0x46: {  	s3 =	rddreg [dreg:$0x2];
	[bflag:$0x3] =	sbarrier.arrive $0xFFFF;
	s2 =	simm.s32 @!p0 $0x1C01  }
0x47: {  	[timem:s3], [sflag:s2] =	dma.local @!p0 [hbm:s0], s1  }
0x48: {  	s0 =	simm.s32 @!p0 $0x1  }
0x49: {  	_ =	swait.ge @!p0 [sflag:s0], s1  }
0x4a: {  	s1 =	ssub.s32 @!p0 $0x0, s1;
	[sflag:s0] =	ssyncset.done @!p0 $0x0  }
0x4b: {  	[sflag:s0] =	ssyncadd.s32 @!p0 s1  }
0x4c: {  	[bflag:$0x3] =	sbarrier.arrive $0xFFFF  }
0x4d: {  	_ =	shalt  }

</sc_bundles>
